<compile_context>
chip_gen: v7x
topology: tpu7x:2x2x1
jax: 0.10.2.dev20260603
libtpu: 0.0.44.dev20260713+nightly
codegen_flags: <defaults>
</compile_context>

<pallas_src>
import functools

import jax
import jax.numpy as jnp
import numpy as np
from jax import lax
from jax.experimental import pallas as pl
from jax.experimental.pallas import tpu as pltpu
from jax.experimental.pallas import tpu_sc as plsc

B = 16384
V = 1000000
D = 64
NEG = 5

NC = 2
NS = 16
L = 16
NW = NC * NS
C = B // NW
S = 128
NSUB = C // S
NT = D // L

TW = 2048
TG = -(-V // TW)


def _tp_body(a_ref, o_ref):
    o_ref[:, 0:D] = a_ref[...].T


_tp_call = pl.pallas_call(
    _tp_body,
    grid=(TG,),
    in_specs=[pl.BlockSpec((D, TW), lambda i: (0, i))],
    out_specs=pl.BlockSpec((TW, 2 * D), lambda i: (i, 0)),
    out_shape=jax.ShapeDtypeStruct((V, 2 * D), jnp.float32),
)


def _sc_body(pu_h, pv_h, nv_h, emb_h, out_h, idxu, idxv, idxn, ru, rv, rn,
             dots, sem):
    wid = lax.axis_index("s") * NC + lax.axis_index("c")
    pltpu.sync_copy(pu_h.at[wid], idxu)
    pltpu.sync_copy(pv_h.at[wid], idxv)
    pltpu.sync_copy(nv_h.at[wid], idxn)

    for j in range(NSUB):
        cps = [
            pltpu.async_copy(emb_h.at[idxu.at[j]], ru, sem),
            pltpu.async_copy(emb_h.at[idxv.at[j]], rv, sem),
        ]
        for m in range(NEG):
            cps.append(
                pltpu.async_copy(emb_h.at[idxn.at[j * NEG + m]],
                                 rn.at[pl.ds(m * S, S)], sem))
        for c in cps:
            c.wait()

        lane = lax.broadcasted_iota(jnp.int32, (L,), 0)

        def body(b, carry, j=j):
            u = [ru[b, pl.ds(L * t, L)] for t in range(NT)]
            v = [rv[b, pl.ds(L * t, L)] for t in range(NT)]
            mask = lane == (b & (L - 1))
            out = []
            acc = (u[0] * v[0] + u[1] * v[1]) + (u[2] * v[2] + u[3] * v[3])
            out.append(jnp.where(mask, jnp.sum(acc), carry[0]))
            for k in range(NEG):
                w = [rn[b * NEG + k, pl.ds(L * t, L)] for t in range(NT)]
                acc = (u[0] * w[0] + u[1] * w[1]) + (u[2] * w[2] + u[3] * w[3])
                out.append(jnp.where(mask, jnp.sum(acc), carry[1 + k]))

            @pl.when((b & (L - 1)) == (L - 1))
            def _():
                for jd in range(6):
                    dots[jd, pl.ds(j * S + b - (L - 1), L)] = out[jd]

            return tuple(out)

        zero = jnp.zeros((L,), jnp.float32)
        lax.fori_loop(0, S, body, (zero,) * 6)

    pltpu.sync_copy(dots, out_h.at[wid])


@functools.cache
def _make_sc_call():
    return functools.partial(
        pl.kernel,
        out_type=jax.ShapeDtypeStruct((NW, 6, C), jnp.float32),
        mesh=plsc.VectorSubcoreMesh(core_axis_name="c", subcore_axis_name="s"),
        compiler_params=pltpu.CompilerParams(needs_layout_passes=False),
        scratch_types=[
            pltpu.VMEM((NSUB, S), jnp.int32),
            pltpu.VMEM((NSUB, S), jnp.int32),
            pltpu.VMEM((NSUB * NEG, S), jnp.int32),
            pltpu.VMEM((S, 2 * D), jnp.float32),
            pltpu.VMEM((S, 2 * D), jnp.float32),
            pltpu.VMEM((S * NEG, 2 * D), jnp.float32),
            pltpu.VMEM((6, C), jnp.float32),
            pltpu.SemaphoreType.DMA,
        ],
    )(_sc_body)


def _tc_body(d_ref, o_ref):
    x = d_ref[...]
    x = jnp.clip(x, -10.0, 10.0)
    sgn = jnp.where(lax.broadcasted_iota(jnp.int32, (1, 6, 1), 1) == 0,
                    -1.0, 1.0).astype(jnp.float32)
    loss = jnp.log1p(jnp.exp(x * sgn))
    o_ref[0, 0] = jnp.sum(loss) / np.float32(B)


_tc_call = pl.pallas_call(
    _tc_body,
    out_shape=jax.ShapeDtypeStruct((1, 1), jnp.float32),
    out_specs=pl.BlockSpec(memory_space=pltpu.SMEM),
)


def kernel(pos_u, pos_v, neg_v, embeddings):
    pu = pos_u.astype(jnp.int32).reshape(NW, NSUB, S)
    pv = pos_v.astype(jnp.int32).reshape(NW, NSUB, S)
    nv = neg_v.astype(jnp.int32).reshape(NW, NSUB * NEG, S)
    emb2 = _tp_call(embeddings.T)
    dots = _make_sc_call()(pu, pv, nv, emb2)
    return _tc_call(dots)[0, 0]

# --- scband reference (transcript-rebuilt; emitter-appended) ---
"""Pipeline reference for scband-skip-gram-model-34351148433850 (READ-ONLY COPY).

The authoritative reference and input builder live on the scoring server;
editing this copy changes nothing except your own understanding.
"""

import jax, jax.numpy as jnp
import numpy as np

B = 16384
V = 1000000
D = 64
NEG = 5

def setup_inputs(seed: int = 0) -> dict:
    key = jax.random.key(seed)
    k1, k2, k3, k4 = jax.random.split(key, 4)
    pos_u = jax.random.randint(k1, (B,), 0, V)
    pos_v = jax.random.randint(k2, (B,), 0, V)
    neg_v = jax.random.randint(k3, (B, NEG), 0, V)
    initrange = 1.0 / D
    embeddings = jax.random.uniform(k4, (V, D), minval=-initrange, maxval=initrange, dtype=jnp.float32)
    return {"pos_u": pos_u, "pos_v": pos_v, "neg_v": neg_v, "embeddings": embeddings}

def reference(pos_u, pos_v, neg_v, embeddings):
    emb_u = jnp.take(embeddings, pos_u, axis=0)          # [B, D]
    emb_v = jnp.take(embeddings, pos_v, axis=0)          # [B, D]
    emb_neg_v = jnp.take(embeddings, neg_v, axis=0)      # [B, NEG, D]
    score = jnp.sum(emb_u * emb_v, axis=1)
    score = jnp.clip(score, -10.0, 10.0)
    score = -jax.nn.log_sigmoid(score)
    neg_score = jnp.einsum('bkd,bd->bk', emb_neg_v, emb_u)  # bmm(emb_neg_v, emb_u.unsqueeze(2)).squeeze()
    neg_score = jnp.clip(neg_score, -10.0, 10.0)
    neg_score = -jnp.sum(jax.nn.log_sigmoid(-neg_score), axis=1)
    return jnp.mean(score + neg_score)

if __name__ == "__main__":
    import jax
    _d = setup_inputs()
    print(jax.jit(kernel)(*tuple(_d.values())))

</pallas_src>

<mosaic_0001>
#map = affine_map<(d0, d1) -> (0, 0, 0)>
#map1 = affine_map<(d0, d1) -> (0, 0)>
module attributes {stable_mosaic.version = 14 : i64} {
  func.func @_sc_body(%arg0: i32, %arg1: i32, %arg2: memref<32x4x128xi32, #tpu.memory_space<hbm>>, %arg3: memref<32x4x128xi32, #tpu.memory_space<hbm>>, %arg4: memref<32x20x128xi32, #tpu.memory_space<hbm>>, %arg5: memref<1000000x128xf32, #tpu.memory_space<hbm>>, %arg6: memref<32x6x512xf32, #tpu.memory_space<hbm>>, %arg7: memref<4x128xi32, #tpu.memory_space<vmem>>, %arg8: memref<4x128xi32, #tpu.memory_space<vmem>>, %arg9: memref<20x128xi32, #tpu.memory_space<vmem>>, %arg10: memref<128x128xf32, #tpu.memory_space<vmem>>, %arg11: memref<128x128xf32, #tpu.memory_space<vmem>>, %arg12: memref<640x128xf32, #tpu.memory_space<vmem>>, %arg13: memref<6x512xf32, #tpu.memory_space<vmem>>, %arg14: memref<!tpu.dma_semaphore, #tpu.memory_space<semaphore_mem>>) attributes {dimension_semantics = [#tpu.dimension_semantics<core_parallel>, #tpu.dimension_semantics<subcore_parallel>], iteration_bounds = array<i64: 2, 16>, scalar_prefetch = 0 : i64, scratch_operands = 8 : i64, tpu.core_type = #tpu.core_type<sc_vector_subcore>, window_params = [{transform_indices = #map}, {transform_indices = #map}, {transform_indices = #map}, {transform_indices = #map1}, {transform_indices = #map}]} {
    %mul3A = arith.constant 2 : i32
    %mul3A_0 = arith.muli %arg1, %mul3A : i32
    %add3A = arith.addi %mul3A_0, %arg0 : i32
    "tpu.region"() ({
      %run_scoped3A = tpu.sem_alloc : memref<!tpu.dma_semaphore, #tpu.memory_space<semaphore_mem>>
      %dma_start3A_544 = arith.constant 0 : i32
      %dma_start3A_545 = arith.constant 0 : i32
      %dma_start3A_546 = tpu.memref_slice %arg2[%add3A, %dma_start3A_544, %dma_start3A_545] : memref<32x4x128xi32, #tpu.memory_space<hbm>> -> memref<1x4x128xi32, #tpu.memory_space<hbm>>
      %dma_start3A_547 = tpu.memref_squeeze %dma_start3A_546 : memref<1x4x128xi32, #tpu.memory_space<hbm>> -> memref<4x128xi32, #tpu.memory_space<hbm>>
      %dma_start3A_548 = arith.constant 0 : i32
      %dma_start3A_549 = arith.constant 0 : i32
      %dma_start3A_550 = tpu.memref_slice %arg2[%add3A, %dma_start3A_548, %dma_start3A_549] : memref<32x4x128xi32, #tpu.memory_space<hbm>> -> memref<1x4x128xi32, #tpu.memory_space<hbm>>
      %dma_start3A_551 = tpu.memref_squeeze %dma_start3A_550 : memref<1x4x128xi32, #tpu.memory_space<hbm>> -> memref<4x128xi32, #tpu.memory_space<hbm>>
      tpu.enqueue_dma source(%dma_start3A_551 : memref<4x128xi32, #tpu.memory_space<hbm>>) target(%arg7 : memref<4x128xi32, #tpu.memory_space<vmem>>) target_semaphore(%run_scoped3A : memref<!tpu.dma_semaphore, #tpu.memory_space<semaphore_mem>>)
      %dma_wait3A_552 = arith.constant 0 : i32
      %dma_wait3A_553 = arith.constant 0 : i32
      %dma_wait3A_554 = tpu.memref_slice %arg2[%add3A, %dma_wait3A_552, %dma_wait3A_553] : memref<32x4x128xi32, #tpu.memory_space<hbm>> -> memref<1x4x128xi32, #tpu.memory_space<hbm>>
      %dma_wait3A_555 = tpu.memref_squeeze %dma_wait3A_554 : memref<1x4x128xi32, #tpu.memory_space<hbm>> -> memref<4x128xi32, #tpu.memory_space<hbm>>
      %dma_wait3A_556 = arith.constant 0 : i32
      %dma_wait3A_557 = arith.constant 0 : i32
      %dma_wait3A_558 = tpu.memref_slice %arg2[%add3A, %dma_wait3A_556, %dma_wait3A_557] : memref<32x4x128xi32, #tpu.memory_space<hbm>> -> memref<1x4x128xi32, #tpu.memory_space<hbm>>
      %dma_wait3A_559 = tpu.memref_squeeze %dma_wait3A_558 : memref<1x4x128xi32, #tpu.memory_space<hbm>> -> memref<4x128xi32, #tpu.memory_space<hbm>>
      tpu.wait_dma2 semaphore(%run_scoped3A : memref<!tpu.dma_semaphore, #tpu.memory_space<semaphore_mem>>) src(%dma_wait3A_559 : memref<4x128xi32, #tpu.memory_space<hbm>>) dst(%arg7 : memref<4x128xi32, #tpu.memory_space<vmem>>)
      tpu.yield
    }) : () -> ()
    "tpu.region"() ({
      %run_scoped3A = tpu.sem_alloc : memref<!tpu.dma_semaphore, #tpu.memory_space<semaphore_mem>>
      %dma_start3A_544 = arith.constant 0 : i32
      %dma_start3A_545 = arith.constant 0 : i32
      %dma_start3A_546 = tpu.memref_slice %arg3[%add3A, %dma_start3A_544, %dma_start3A_545] : memref<32x4x128xi32, #tpu.memory_space<hbm>> -> memref<1x4x128xi32, #tpu.memory_space<hbm>>
      %dma_start3A_547 = tpu.memref_squeeze %dma_start3A_546 : memref<1x4x128xi32, #tpu.memory_space<hbm>> -> memref<4x128xi32, #tpu.memory_space<hbm>>
      %dma_start3A_548 = arith.constant 0 : i32
      %dma_start3A_549 = arith.constant 0 : i32
      %dma_start3A_550 = tpu.memref_slice %arg3[%add3A, %dma_start3A_548, %dma_start3A_549] : memref<32x4x128xi32, #tpu.memory_space<hbm>> -> memref<1x4x128xi32, #tpu.memory_space<hbm>>
      %dma_start3A_551 = tpu.memref_squeeze %dma_start3A_550 : memref<1x4x128xi32, #tpu.memory_space<hbm>> -> memref<4x128xi32, #tpu.memory_space<hbm>>
      tpu.enqueue_dma source(%dma_start3A_551 : memref<4x128xi32, #tpu.memory_space<hbm>>) target(%arg8 : memref<4x128xi32, #tpu.memory_space<vmem>>) target_semaphore(%run_scoped3A : memref<!tpu.dma_semaphore, #tpu.memory_space<semaphore_mem>>)
      %dma_wait3A_552 = arith.constant 0 : i32
      %dma_wait3A_553 = arith.constant 0 : i32
      %dma_wait3A_554 = tpu.memref_slice %arg3[%add3A, %dma_wait3A_552, %dma_wait3A_553] : memref<32x4x128xi32, #tpu.memory_space<hbm>> -> memref<1x4x128xi32, #tpu.memory_space<hbm>>
      %dma_wait3A_555 = tpu.memref_squeeze %dma_wait3A_554 : memref<1x4x128xi32, #tpu.memory_space<hbm>> -> memref<4x128xi32, #tpu.memory_space<hbm>>
      %dma_wait3A_556 = arith.constant 0 : i32
      %dma_wait3A_557 = arith.constant 0 : i32
      %dma_wait3A_558 = tpu.memref_slice %arg3[%add3A, %dma_wait3A_556, %dma_wait3A_557] : memref<32x4x128xi32, #tpu.memory_space<hbm>> -> memref<1x4x128xi32, #tpu.memory_space<hbm>>
      %dma_wait3A_559 = tpu.memref_squeeze %dma_wait3A_558 : memref<1x4x128xi32, #tpu.memory_space<hbm>> -> memref<4x128xi32, #tpu.memory_space<hbm>>
      tpu.wait_dma2 semaphore(%run_scoped3A : memref<!tpu.dma_semaphore, #tpu.memory_space<semaphore_mem>>) src(%dma_wait3A_559 : memref<4x128xi32, #tpu.memory_space<hbm>>) dst(%arg8 : memref<4x128xi32, #tpu.memory_space<vmem>>)
      tpu.yield
    }) : () -> ()
    "tpu.region"() ({
      %run_scoped3A = tpu.sem_alloc : memref<!tpu.dma_semaphore, #tpu.memory_space<semaphore_mem>>
      %dma_start3A_544 = arith.constant 0 : i32
      %dma_start3A_545 = arith.constant 0 : i32
      %dma_start3A_546 = tpu.memref_slice %arg4[%add3A, %dma_start3A_544, %dma_start3A_545] : memref<32x20x128xi32, #tpu.memory_space<hbm>> -> memref<1x20x128xi32, #tpu.memory_space<hbm>>
      %dma_start3A_547 = tpu.memref_squeeze %dma_start3A_546 : memref<1x20x128xi32, #tpu.memory_space<hbm>> -> memref<20x128xi32, #tpu.memory_space<hbm>>
      %dma_start3A_548 = arith.constant 0 : i32
      %dma_start3A_549 = arith.constant 0 : i32
      %dma_start3A_550 = tpu.memref_slice %arg4[%add3A, %dma_start3A_548, %dma_start3A_549] : memref<32x20x128xi32, #tpu.memory_space<hbm>> -> memref<1x20x128xi32, #tpu.memory_space<hbm>>
      %dma_start3A_551 = tpu.memref_squeeze %dma_start3A_550 : memref<1x20x128xi32, #tpu.memory_space<hbm>> -> memref<20x128xi32, #tpu.memory_space<hbm>>
      tpu.enqueue_dma source(%dma_start3A_551 : memref<20x128xi32, #tpu.memory_space<hbm>>) target(%arg9 : memref<20x128xi32, #tpu.memory_space<vmem>>) target_semaphore(%run_scoped3A : memref<!tpu.dma_semaphore, #tpu.memory_space<semaphore_mem>>)
      %dma_wait3A_552 = arith.constant 0 : i32
      %dma_wait3A_553 = arith.constant 0 : i32
      %dma_wait3A_554 = tpu.memref_slice %arg4[%add3A, %dma_wait3A_552, %dma_wait3A_553] : memref<32x20x128xi32, #tpu.memory_space<hbm>> -> memref<1x20x128xi32, #tpu.memory_space<hbm>>
      %dma_wait3A_555 = tpu.memref_squeeze %dma_wait3A_554 : memref<1x20x128xi32, #tpu.memory_space<hbm>> -> memref<20x128xi32, #tpu.memory_space<hbm>>
      %dma_wait3A_556 = arith.constant 0 : i32
      %dma_wait3A_557 = arith.constant 0 : i32
      %dma_wait3A_558 = tpu.memref_slice %arg4[%add3A, %dma_wait3A_556, %dma_wait3A_557] : memref<32x20x128xi32, #tpu.memory_space<hbm>> -> memref<1x20x128xi32, #tpu.memory_space<hbm>>
      %dma_wait3A_559 = tpu.memref_squeeze %dma_wait3A_558 : memref<1x20x128xi32, #tpu.memory_space<hbm>> -> memref<20x128xi32, #tpu.memory_space<hbm>>
      tpu.wait_dma2 semaphore(%run_scoped3A : memref<!tpu.dma_semaphore, #tpu.memory_space<semaphore_mem>>) src(%dma_wait3A_559 : memref<20x128xi32, #tpu.memory_space<hbm>>) dst(%arg9 : memref<20x128xi32, #tpu.memory_space<vmem>>)
      tpu.yield
    }) : () -> ()
    %dma_start3A = arith.constant 0 : i32
    %dma_start3A_1 = arith.constant 0 : i32
    %dma_start3A_2 = tpu.memref_slice %arg7[%dma_start3A, %dma_start3A_1] : memref<4x128xi32, #tpu.memory_space<vmem>> -> memref<1x128xi32, #tpu.memory_space<vmem>>
    %dma_start3A_3 = tpu.memref_squeeze %dma_start3A_2 : memref<1x128xi32, #tpu.memory_space<vmem>> -> memref<128xi32, #tpu.memory_space<vmem>>
    %dma_start3A_4 = arith.constant 0 : i32
    %dma_start3A_5 = arith.constant 0 : i32
    %dma_start3A_6 = tpu.memref_slice %arg5[%dma_start3A_4, %dma_start3A_5] : memref<1000000x128xf32, #tpu.memory_space<hbm>> -> memref<1000000x128xf32, #tpu.memory_space<hbm>>
    tpu.enqueue_indirect_dma source(%dma_start3A_6 : memref<1000000x128xf32, #tpu.memory_space<hbm>>) target(%arg10 : memref<128x128xf32, #tpu.memory_space<vmem>>) offsets(%dma_start3A_3 : memref<128xi32, #tpu.memory_space<vmem>>) semaphore(%arg14 : memref<!tpu.dma_semaphore, #tpu.memory_space<semaphore_mem>>)
    %dma_start3A_7 = arith.constant 0 : i32
    %dma_start3A_8 = arith.constant 0 : i32
    %dma_start3A_9 = tpu.memref_slice %arg8[%dma_start3A_7, %dma_start3A_8] : memref<4x128xi32, #tpu.memory_space<vmem>> -> memref<1x128xi32, #tpu.memory_space<vmem>>
    %dma_start3A_10 = tpu.memref_squeeze %dma_start3A_9 : memref<1x128xi32, #tpu.memory_space<vmem>> -> memref<128xi32, #tpu.memory_space<vmem>>
    %dma_start3A_11 = arith.constant 0 : i32
    %dma_start3A_12 = arith.constant 0 : i32
    %dma_start3A_13 = tpu.memref_slice %arg5[%dma_start3A_11, %dma_start3A_12] : memref<1000000x128xf32, #tpu.memory_space<hbm>> -> memref<1000000x128xf32, #tpu.memory_space<hbm>>
    tpu.enqueue_indirect_dma source(%dma_start3A_13 : memref<1000000x128xf32, #tpu.memory_space<hbm>>) target(%arg11 : memref<128x128xf32, #tpu.memory_space<vmem>>) offsets(%dma_start3A_10 : memref<128xi32, #tpu.memory_space<vmem>>) semaphore(%arg14 : memref<!tpu.dma_semaphore, #tpu.memory_space<semaphore_mem>>)
    %dma_start3A_14 = arith.constant 0 : i32
    %dma_start3A_15 = arith.constant 0 : i32
    %dma_start3A_16 = arith.constant 0 : i32
    %dma_start3A_17 = tpu.memref_slice %arg12[%dma_start3A_15, %dma_start3A_16] : memref<640x128xf32, #tpu.memory_space<vmem>> -> memref<128x128xf32, #tpu.memory_space<vmem>>
    %dma_start3A_18 = arith.constant 0 : i32
    %dma_start3A_19 = tpu.memref_slice %arg9[%dma_start3A_14, %dma_start3A_18] : memref<20x128xi32, #tpu.memory_space<vmem>> -> memref<1x128xi32, #tpu.memory_space<vmem>>
    %dma_start3A_20 = tpu.memref_squeeze %dma_start3A_19 : memref<1x128xi32, #tpu.memory_space<vmem>> -> memref<128xi32, #tpu.memory_space<vmem>>
    %dma_start3A_21 = arith.constant 0 : i32
    %dma_start3A_22 = arith.constant 0 : i32
    %dma_start3A_23 = tpu.memref_slice %arg5[%dma_start3A_21, %dma_start3A_22] : memref<1000000x128xf32, #tpu.memory_space<hbm>> -> memref<1000000x128xf32, #tpu.memory_space<hbm>>
    tpu.enqueue_indirect_dma source(%dma_start3A_23 : memref<1000000x128xf32, #tpu.memory_space<hbm>>) target(%dma_start3A_17 : memref<128x128xf32, #tpu.memory_space<vmem>>) offsets(%dma_start3A_20 : memref<128xi32, #tpu.memory_space<vmem>>) semaphore(%arg14 : memref<!tpu.dma_semaphore, #tpu.memory_space<semaphore_mem>>)
    %dma_start3A_24 = arith.constant 1 : i32
    %dma_start3A_25 = arith.constant 128 : i32
    %dma_start3A_26 = arith.constant 0 : i32
    %dma_start3A_27 = tpu.memref_slice %arg12[%dma_start3A_25, %dma_start3A_26] : memref<640x128xf32, #tpu.memory_space<vmem>> -> memref<128x128xf32, #tpu.memory_space<vmem>>
    %dma_start3A_28 = arith.constant 0 : i32
    %dma_start3A_29 = tpu.memref_slice %arg9[%dma_start3A_24, %dma_start3A_28] : memref<20x128xi32, #tpu.memory_space<vmem>> -> memref<1x128xi32, #tpu.memory_space<vmem>>
    %dma_start3A_30 = tpu.memref_squeeze %dma_start3A_29 : memref<1x128xi32, #tpu.memory_space<vmem>> -> memref<128xi32, #tpu.memory_space<vmem>>
    %dma_start3A_31 = arith.constant 0 : i32
    %dma_start3A_32 = arith.constant 0 : i32
    %dma_start3A_33 = tpu.memref_slice %arg5[%dma_start3A_31, %dma_start3A_32] : memref<1000000x128xf32, #tpu.memory_space<hbm>> -> memref<1000000x128xf32, #tpu.memory_space<hbm>>
    tpu.enqueue_indirect_dma source(%dma_start3A_33 : memref<1000000x128xf32, #tpu.memory_space<hbm>>) target(%dma_start3A_27 : memref<128x128xf32, #tpu.memory_space<vmem>>) offsets(%dma_start3A_30 : memref<128xi32, #tpu.memory_space<vmem>>) semaphore(%arg14 : memref<!tpu.dma_semaphore, #tpu.memory_space<semaphore_mem>>)
    %dma_start3A_34 = arith.constant 2 : i32
    %dma_start3A_35 = arith.constant 256 : i32
    %dma_start3A_36 = arith.constant 0 : i32
    %dma_start3A_37 = tpu.memref_slice %arg12[%dma_start3A_35, %dma_start3A_36] : memref<640x128xf32, #tpu.memory_space<vmem>> -> memref<128x128xf32, #tpu.memory_space<vmem>>
    %dma_start3A_38 = arith.constant 0 : i32
    %dma_start3A_39 = tpu.memref_slice %arg9[%dma_start3A_34, %dma_start3A_38] : memref<20x128xi32, #tpu.memory_space<vmem>> -> memref<1x128xi32, #tpu.memory_space<vmem>>
    %dma_start3A_40 = tpu.memref_squeeze %dma_start3A_39 : memref<1x128xi32, #tpu.memory_space<vmem>> -> memref<128xi32, #tpu.memory_space<vmem>>
    %dma_start3A_41 = arith.constant 0 : i32
    %dma_start3A_42 = arith.constant 0 : i32
    %dma_start3A_43 = tpu.memref_slice %arg5[%dma_start3A_41, %dma_start3A_42] : memref<1000000x128xf32, #tpu.memory_space<hbm>> -> memref<1000000x128xf32, #tpu.memory_space<hbm>>
    tpu.enqueue_indirect_dma source(%dma_start3A_43 : memref<1000000x128xf32, #tpu.memory_space<hbm>>) target(%dma_start3A_37 : memref<128x128xf32, #tpu.memory_space<vmem>>) offsets(%dma_start3A_40 : memref<128xi32, #tpu.memory_space<vmem>>) semaphore(%arg14 : memref<!tpu.dma_semaphore, #tpu.memory_space<semaphore_mem>>)
    %dma_start3A_44 = arith.constant 3 : i32
    %dma_start3A_45 = arith.constant 384 : i32
    %dma_start3A_46 = arith.constant 0 : i32
    %dma_start3A_47 = tpu.memref_slice %arg12[%dma_start3A_45, %dma_start3A_46] : memref<640x128xf32, #tpu.memory_space<vmem>> -> memref<128x128xf32, #tpu.memory_space<vmem>>
    %dma_start3A_48 = arith.constant 0 : i32
    %dma_start3A_49 = tpu.memref_slice %arg9[%dma_start3A_44, %dma_start3A_48] : memref<20x128xi32, #tpu.memory_space<vmem>> -> memref<1x128xi32, #tpu.memory_space<vmem>>
    %dma_start3A_50 = tpu.memref_squeeze %dma_start3A_49 : memref<1x128xi32, #tpu.memory_space<vmem>> -> memref<128xi32, #tpu.memory_space<vmem>>
    %dma_start3A_51 = arith.constant 0 : i32
    %dma_start3A_52 = arith.constant 0 : i32
    %dma_start3A_53 = tpu.memref_slice %arg5[%dma_start3A_51, %dma_start3A_52] : memref<1000000x128xf32, #tpu.memory_space<hbm>> -> memref<1000000x128xf32, #tpu.memory_space<hbm>>
    tpu.enqueue_indirect_dma source(%dma_start3A_53 : memref<1000000x128xf32, #tpu.memory_space<hbm>>) target(%dma_start3A_47 : memref<128x128xf32, #tpu.memory_space<vmem>>) offsets(%dma_start3A_50 : memref<128xi32, #tpu.memory_space<vmem>>) semaphore(%arg14 : memref<!tpu.dma_semaphore, #tpu.memory_space<semaphore_mem>>)
    %dma_start3A_54 = arith.constant 4 : i32
    %dma_start3A_55 = arith.constant 512 : i32
    %dma_start3A_56 = arith.constant 0 : i32
    %dma_start3A_57 = tpu.memref_slice %arg12[%dma_start3A_55, %dma_start3A_56] : memref<640x128xf32, #tpu.memory_space<vmem>> -> memref<128x128xf32, #tpu.memory_space<vmem>>
    %dma_start3A_58 = arith.constant 0 : i32
    %dma_start3A_59 = tpu.memref_slice %arg9[%dma_start3A_54, %dma_start3A_58] : memref<20x128xi32, #tpu.memory_space<vmem>> -> memref<1x128xi32, #tpu.memory_space<vmem>>
    %dma_start3A_60 = tpu.memref_squeeze %dma_start3A_59 : memref<1x128xi32, #tpu.memory_space<vmem>> -> memref<128xi32, #tpu.memory_space<vmem>>
    %dma_start3A_61 = arith.constant 0 : i32
    %dma_start3A_62 = arith.constant 0 : i32
    %dma_start3A_63 = tpu.memref_slice %arg5[%dma_start3A_61, %dma_start3A_62] : memref<1000000x128xf32, #tpu.memory_space<hbm>> -> memref<1000000x128xf32, #tpu.memory_space<hbm>>
    tpu.enqueue_indirect_dma source(%dma_start3A_63 : memref<1000000x128xf32, #tpu.memory_space<hbm>>) target(%dma_start3A_57 : memref<128x128xf32, #tpu.memory_space<vmem>>) offsets(%dma_start3A_60 : memref<128xi32, #tpu.memory_space<vmem>>) semaphore(%arg14 : memref<!tpu.dma_semaphore, #tpu.memory_space<semaphore_mem>>)
    %dma_wait3A = arith.constant 0 : i32
    %dma_wait3A_64 = arith.constant 0 : i32
    %dma_wait3A_65 = tpu.memref_slice %arg7[%dma_wait3A, %dma_wait3A_64] : memref<4x128xi32, #tpu.memory_space<vmem>> -> memref<1x128xi32, #tpu.memory_space<vmem>>
    %dma_wait3A_66 = tpu.memref_squeeze %dma_wait3A_65 : memref<1x128xi32, #tpu.memory_space<vmem>> -> memref<128xi32, #tpu.memory_space<vmem>>
    %dma_wait3A_67 = arith.constant 0 : i32
    %dma_wait3A_68 = arith.constant 0 : i32
    %dma_wait3A_69 = tpu.memref_slice %arg5[%dma_wait3A_67, %dma_wait3A_68] : memref<1000000x128xf32, #tpu.memory_space<hbm>> -> memref<1000000x128xf32, #tpu.memory_space<hbm>>
    tpu.wait_indirect_dma semaphore(%arg14 : memref<!tpu.dma_semaphore, #tpu.memory_space<semaphore_mem>>) src(%dma_wait3A_69 : memref<1000000x128xf32, #tpu.memory_space<hbm>>) dst(%arg10 : memref<128x128xf32, #tpu.memory_space<vmem>>)
    %dma_wait3A_70 = arith.constant 0 : i32
    %dma_wait3A_71 = arith.constant 0 : i32
    %dma_wait3A_72 = tpu.memref_slice %arg8[%dma_wait3A_70, %dma_wait3A_71] : memref<4x128xi32, #tpu.memory_space<vmem>> -> memref<1x128xi32, #tpu.memory_space<vmem>>
    %dma_wait3A_73 = tpu.memref_squeeze %dma_wait3A_72 : memref<1x128xi32, #tpu.memory_space<vmem>> -> memref<128xi32, #tpu.memory_space<vmem>>
    %dma_wait3A_74 = arith.constant 0 : i32
    %dma_wait3A_75 = arith.constant 0 : i32
    %dma_wait3A_76 = tpu.memref_slice %arg5[%dma_wait3A_74, %dma_wait3A_75] : memref<1000000x128xf32, #tpu.memory_space<hbm>> -> memref<1000000x128xf32, #tpu.memory_space<hbm>>
    tpu.wait_indirect_dma semaphore(%arg14 : memref<!tpu.dma_semaphore, #tpu.memory_space<semaphore_mem>>) src(%dma_wait3A_76 : memref<1000000x128xf32, #tpu.memory_space<hbm>>) dst(%arg11 : memref<128x128xf32, #tpu.memory_space<vmem>>)
    %dma_wait3A_77 = arith.constant 0 : i32
    %dma_wait3A_78 = arith.constant 0 : i32
    %dma_wait3A_79 = arith.constant 0 : i32
    %dma_wait3A_80 = tpu.memref_slice %arg12[%dma_wait3A_78, %dma_wait3A_79] : memref<640x128xf32, #tpu.memory_space<vmem>> -> memref<128x128xf32, #tpu.memory_space<vmem>>
    %dma_wait3A_81 = arith.constant 0 : i32
    %dma_wait3A_82 = tpu.memref_slice %arg9[%dma_wait3A_77, %dma_wait3A_81] : memref<20x128xi32, #tpu.memory_space<vmem>> -> memref<1x128xi32, #tpu.memory_space<vmem>>
    %dma_wait3A_83 = tpu.memref_squeeze %dma_wait3A_82 : memref<1x128xi32, #tpu.memory_space<vmem>> -> memref<128xi32, #tpu.memory_space<vmem>>
    %dma_wait3A_84 = arith.constant 0 : i32
    %dma_wait3A_85 = arith.constant 0 : i32
    %dma_wait3A_86 = tpu.memref_slice %arg5[%dma_wait3A_84, %dma_wait3A_85] : memref<1000000x128xf32, #tpu.memory_space<hbm>> -> memref<1000000x128xf32, #tpu.memory_space<hbm>>
    tpu.wait_indirect_dma semaphore(%arg14 : memref<!tpu.dma_semaphore, #tpu.memory_space<semaphore_mem>>) src(%dma_wait3A_86 : memref<1000000x128xf32, #tpu.memory_space<hbm>>) dst(%dma_wait3A_80 : memref<128x128xf32, #tpu.memory_space<vmem>>)
    %dma_wait3A_87 = arith.constant 1 : i32
    %dma_wait3A_88 = arith.constant 128 : i32
    %dma_wait3A_89 = arith.constant 0 : i32
    %dma_wait3A_90 = tpu.memref_slice %arg12[%dma_wait3A_88, %dma_wait3A_89] : memref<640x128xf32, #tpu.memory_space<vmem>> -> memref<128x128xf32, #tpu.memory_space<vmem>>
    %dma_wait3A_91 = arith.constant 0 : i32
    %dma_wait3A_92 = tpu.memref_slice %arg9[%dma_wait3A_87, %dma_wait3A_91] : memref<20x128xi32, #tpu.memory_space<vmem>> -> memref<1x128xi32, #tpu.memory_space<vmem>>
    %dma_wait3A_93 = tpu.memref_squeeze %dma_wait3A_92 : memref<1x128xi32, #tpu.memory_space<vmem>> -> memref<128xi32, #tpu.memory_space<vmem>>
    %dma_wait3A_94 = arith.constant 0 : i32
    %dma_wait3A_95 = arith.constant 0 : i32
    %dma_wait3A_96 = tpu.memref_slice %arg5[%dma_wait3A_94, %dma_wait3A_95] : memref<1000000x128xf32, #tpu.memory_space<hbm>> -> memref<1000000x128xf32, #tpu.memory_space<hbm>>
    tpu.wait_indirect_dma semaphore(%arg14 : memref<!tpu.dma_semaphore, #tpu.memory_space<semaphore_mem>>) src(%dma_wait3A_96 : memref<1000000x128xf32, #tpu.memory_space<hbm>>) dst(%dma_wait3A_90 : memref<128x128xf32, #tpu.memory_space<vmem>>)
    %dma_wait3A_97 = arith.constant 2 : i32
    %dma_wait3A_98 = arith.constant 256 : i32
    %dma_wait3A_99 = arith.constant 0 : i32
    %dma_wait3A_100 = tpu.memref_slice %arg12[%dma_wait3A_98, %dma_wait3A_99] : memref<640x128xf32, #tpu.memory_space<vmem>> -> memref<128x128xf32, #tpu.memory_space<vmem>>
    %dma_wait3A_101 = arith.constant 0 : i32
    %dma_wait3A_102 = tpu.memref_slice %arg9[%dma_wait3A_97, %dma_wait3A_101] : memref<20x128xi32, #tpu.memory_space<vmem>> -> memref<1x128xi32, #tpu.memory_space<vmem>>
    %dma_wait3A_103 = tpu.memref_squeeze %dma_wait3A_102 : memref<1x128xi32, #tpu.memory_space<vmem>> -> memref<128xi32, #tpu.memory_space<vmem>>
    %dma_wait3A_104 = arith.constant 0 : i32
    %dma_wait3A_105 = arith.constant 0 : i32
    %dma_wait3A_106 = tpu.memref_slice %arg5[%dma_wait3A_104, %dma_wait3A_105] : memref<1000000x128xf32, #tpu.memory_space<hbm>> -> memref<1000000x128xf32, #tpu.memory_space<hbm>>
    tpu.wait_indirect_dma semaphore(%arg14 : memref<!tpu.dma_semaphore, #tpu.memory_space<semaphore_mem>>) src(%dma_wait3A_106 : memref<1000000x128xf32, #tpu.memory_space<hbm>>) dst(%dma_wait3A_100 : memref<128x128xf32, #tpu.memory_space<vmem>>)
    %dma_wait3A_107 = arith.constant 3 : i32
    %dma_wait3A_108 = arith.constant 384 : i32
    %dma_wait3A_109 = arith.constant 0 : i32
    %dma_wait3A_110 = tpu.memref_slice %arg12[%dma_wait3A_108, %dma_wait3A_109] : memref<640x128xf32, #tpu.memory_space<vmem>> -> memref<128x128xf32, #tpu.memory_space<vmem>>
    %dma_wait3A_111 = arith.constant 0 : i32
    %dma_wait3A_112 = tpu.memref_slice %arg9[%dma_wait3A_107, %dma_wait3A_111] : memref<20x128xi32, #tpu.memory_space<vmem>> -> memref<1x128xi32, #tpu.memory_space<vmem>>
    %dma_wait3A_113 = tpu.memref_squeeze %dma_wait3A_112 : memref<1x128xi32, #tpu.memory_space<vmem>> -> memref<128xi32, #tpu.memory_space<vmem>>
    %dma_wait3A_114 = arith.constant 0 : i32
    %dma_wait3A_115 = arith.constant 0 : i32
    %dma_wait3A_116 = tpu.memref_slice %arg5[%dma_wait3A_114, %dma_wait3A_115] : memref<1000000x128xf32, #tpu.memory_space<hbm>> -> memref<1000000x128xf32, #tpu.memory_space<hbm>>
    tpu.wait_indirect_dma semaphore(%arg14 : memref<!tpu.dma_semaphore, #tpu.memory_space<semaphore_mem>>) src(%dma_wait3A_116 : memref<1000000x128xf32, #tpu.memory_space<hbm>>) dst(%dma_wait3A_110 : memref<128x128xf32, #tpu.memory_space<vmem>>)
    %dma_wait3A_117 = arith.constant 4 : i32
    %dma_wait3A_118 = arith.constant 512 : i32
    %dma_wait3A_119 = arith.constant 0 : i32
    %dma_wait3A_120 = tpu.memref_slice %arg12[%dma_wait3A_118, %dma_wait3A_119] : memref<640x128xf32, #tpu.memory_space<vmem>> -> memref<128x128xf32, #tpu.memory_space<vmem>>
    %dma_wait3A_121 = arith.constant 0 : i32
    %dma_wait3A_122 = tpu.memref_slice %arg9[%dma_wait3A_117, %dma_wait3A_121] : memref<20x128xi32, #tpu.memory_space<vmem>> -> memref<1x128xi32, #tpu.memory_space<vmem>>
    %dma_wait3A_123 = tpu.memref_squeeze %dma_wait3A_122 : memref<1x128xi32, #tpu.memory_space<vmem>> -> memref<128xi32, #tpu.memory_space<vmem>>
    %dma_wait3A_124 = arith.constant 0 : i32
    %dma_wait3A_125 = arith.constant 0 : i32
    %dma_wait3A_126 = tpu.memref_slice %arg5[%dma_wait3A_124, %dma_wait3A_125] : memref<1000000x128xf32, #tpu.memory_space<hbm>> -> memref<1000000x128xf32, #tpu.memory_space<hbm>>
    tpu.wait_indirect_dma semaphore(%arg14 : memref<!tpu.dma_semaphore, #tpu.memory_space<semaphore_mem>>) src(%dma_wait3A_126 : memref<1000000x128xf32, #tpu.memory_space<hbm>>) dst(%dma_wait3A_120 : memref<128x128xf32, #tpu.memory_space<vmem>>)
    %iota3A = tpu.iota {dimensions = array<i32: 0>} : vector<16xi32>
    %broadcast_in_dim3A = arith.constant 0.000000e+00 : f32
    %broadcast_in_dim3A_127 = vector.broadcast %broadcast_in_dim3A : f32 to vector<16xf32>
    %scan3A = arith.constant 0 : i32
    %scan3A_128 = arith.constant 128 : i32
    %scan3A_129 = arith.addi %scan3A, %scan3A_128 : i32
    %scan3A_130 = arith.constant 1 : i32
    %scan3A_131:6 = scf.for %scan3A_544 = %scan3A to %scan3A_129 step %scan3A_130 iter_args(%scan3A_545 = %broadcast_in_dim3A_127, %scan3A_546 = %broadcast_in_dim3A_127, %scan3A_547 = %broadcast_in_dim3A_127, %scan3A_548 = %broadcast_in_dim3A_127, %scan3A_549 = %broadcast_in_dim3A_127, %scan3A_550 = %broadcast_in_dim3A_127) -> (vector<16xf32>, vector<16xf32>, vector<16xf32>, vector<16xf32>, vector<16xf32>, vector<16xf32>)  : i32 {
      %get3A = arith.index_cast %scan3A_544 : i32 to index
      %get3A_551 = arith.constant 0 : index
      %get3A_552 = tpu.vector_load %arg10[%get3A, %get3A_551] {strides = array<i32>} : memref<128x128xf32, #tpu.memory_space<vmem>>, vector<16xf32>,
      %get3A_553 = arith.index_cast %scan3A_544 : i32 to index
      %get3A_554 = arith.constant 16 : index
      %get3A_555 = tpu.vector_load %arg10[%get3A_553, %get3A_554] {strides = array<i32>} : memref<128x128xf32, #tpu.memory_space<vmem>>, vector<16xf32>,
      %get3A_556 = arith.index_cast %scan3A_544 : i32 to index
      %get3A_557 = arith.constant 32 : index
      %get3A_558 = tpu.vector_load %arg10[%get3A_556, %get3A_557] {strides = array<i32>} : memref<128x128xf32, #tpu.memory_space<vmem>>, vector<16xf32>,
      %get3A_559 = arith.index_cast %scan3A_544 : i32 to index
      %get3A_560 = arith.constant 48 : index
      %get3A_561 = tpu.vector_load %arg10[%get3A_559, %get3A_560] {strides = array<i32>} : memref<128x128xf32, #tpu.memory_space<vmem>>, vector<16xf32>,
      %get3A_562 = arith.index_cast %scan3A_544 : i32 to index
      %get3A_563 = arith.constant 0 : index
      %get3A_564 = tpu.vector_load %arg11[%get3A_562, %get3A_563] {strides = array<i32>} : memref<128x128xf32, #tpu.memory_space<vmem>>, vector<16xf32>,
      %get3A_565 = arith.index_cast %scan3A_544 : i32 to index
      %get3A_566 = arith.constant 16 : index
      %get3A_567 = tpu.vector_load %arg11[%get3A_565, %get3A_566] {strides = array<i32>} : memref<128x128xf32, #tpu.memory_space<vmem>>, vector<16xf32>,
      %get3A_568 = arith.index_cast %scan3A_544 : i32 to index
      %get3A_569 = arith.constant 32 : index
      %get3A_570 = tpu.vector_load %arg11[%get3A_568, %get3A_569] {strides = array<i32>} : memref<128x128xf32, #tpu.memory_space<vmem>>, vector<16xf32>,
      %get3A_571 = arith.index_cast %scan3A_544 : i32 to index
      %get3A_572 = arith.constant 48 : index
      %get3A_573 = tpu.vector_load %arg11[%get3A_571, %get3A_572] {strides = array<i32>} : memref<128x128xf32, #tpu.memory_space<vmem>>, vector<16xf32>,
      %and3A = arith.constant 15 : i32
      %and3A_574 = arith.andi %scan3A_544, %and3A : i32
      %eq3A = vector.broadcast %and3A_574 : i32 to vector<16xi32>
      %eq3A_575 = arith.cmpi eq, %iota3A, %eq3A : vector<16xi32>
      %mul3A_576 = arith.mulf %get3A_552, %get3A_564 : vector<16xf32>
      %mul3A_577 = arith.mulf %get3A_555, %get3A_567 : vector<16xf32>
      %add3A_578 = arith.addf %mul3A_576, %mul3A_577 : vector<16xf32>
      %mul3A_579 = arith.mulf %get3A_558, %get3A_570 : vector<16xf32>
      %mul3A_580 = arith.mulf %get3A_561, %get3A_573 : vector<16xf32>
      %add3A_581 = arith.addf %mul3A_579, %mul3A_580 : vector<16xf32>
      %add3A_582 = arith.addf %add3A_578, %add3A_581 : vector<16xf32>
      %reduce_sum3A = arith.constant true
      %reduce_sum3A_583 = vector.broadcast %reduce_sum3A : i1 to vector<16xi1>
      %reduce_sum3A_584 = tpu.scan <sum>, %add3A_582 masked %reduce_sum3A_583 : vector<16xf32>, vector<16xi1> -> vector<16xf32>
      %reduce_sum3A_585 = vector.extract %reduce_sum3A_584[15] : f32 from vector<16xf32>
      %broadcast_in_dim3A_586 = vector.broadcast %reduce_sum3A_585 : f32 to vector<16xf32>
      %select_n3A = arith.select %eq3A_575, %broadcast_in_dim3A_586, %scan3A_545 : vector<16xi1>, vector<16xf32>
      %mul3A_587 = arith.constant 5 : i32
      %mul3A_588 = arith.muli %scan3A_544, %mul3A_587 : i32
      %add3A_589 = arith.constant 0 : i32
      %add3A_590 = arith.addi %mul3A_588, %add3A_589 : i32
      %get3A_591 = arith.index_cast %add3A_590 : i32 to index
      %get3A_592 = arith.constant 0 : index
      %get3A_593 = tpu.vector_load %arg12[%get3A_591, %get3A_592] {strides = array<i32>} : memref<640x128xf32, #tpu.memory_space<vmem>>, vector<16xf32>,
      %mul3A_594 = arith.constant 5 : i32
      %mul3A_595 = arith.muli %scan3A_544, %mul3A_594 : i32
      %add3A_596 = arith.constant 0 : i32
      %add3A_597 = arith.addi %mul3A_595, %add3A_596 : i32
      %get3A_598 = arith.index_cast %add3A_597 : i32 to index
      %get3A_599 = arith.constant 16 : index
      %get3A_600 = tpu.vector_load %arg12[%get3A_598, %get3A_599] {strides = array<i32>} : memref<640x128xf32, #tpu.memory_space<vmem>>, vector<16xf32>,
      %mul3A_601 = arith.constant 5 : i32
      %mul3A_602 = arith.muli %scan3A_544, %mul3A_601 : i32
      %add3A_603 = arith.constant 0 : i32
      %add3A_604 = arith.addi %mul3A_602, %add3A_603 : i32
      %get3A_605 = arith.index_cast %add3A_604 : i32 to index
      %get3A_606 = arith.constant 32 : index
      %get3A_607 = tpu.vector_load %arg12[%get3A_605, %get3A_606] {strides = array<i32>} : memref<640x128xf32, #tpu.memory_space<vmem>>, vector<16xf32>,
      %mul3A_608 = arith.constant 5 : i32
      %mul3A_609 = arith.muli %scan3A_544, %mul3A_608 : i32
      %add3A_610 = arith.constant 0 : i32
      %add3A_611 = arith.addi %mul3A_609, %add3A_610 : i32
      %get3A_612 = arith.index_cast %add3A_611 : i32 to index
      %get3A_613 = arith.constant 48 : index
      %get3A_614 = tpu.vector_load %arg12[%get3A_612, %get3A_613] {strides = array<i32>} : memref<640x128xf32, #tpu.memory_space<vmem>>, vector<16xf32>,
      %mul3A_615 = arith.mulf %get3A_552, %get3A_593 : vector<16xf32>
      %mul3A_616 = arith.mulf %get3A_555, %get3A_600 : vector<16xf32>
      %add3A_617 = arith.addf %mul3A_615, %mul3A_616 : vector<16xf32>
      %mul3A_618 = arith.mulf %get3A_558, %get3A_607 : vector<16xf32>
      %mul3A_619 = arith.mulf %get3A_561, %get3A_614 : vector<16xf32>
      %add3A_620 = arith.addf %mul3A_618, %mul3A_619 : vector<16xf32>
      %add3A_621 = arith.addf %add3A_617, %add3A_620 : vector<16xf32>
      %reduce_sum3A_622 = arith.constant true
      %reduce_sum3A_623 = vector.broadcast %reduce_sum3A_622 : i1 to vector<16xi1>
      %reduce_sum3A_624 = tpu.scan <sum>, %add3A_621 masked %reduce_sum3A_623 : vector<16xf32>, vector<16xi1> -> vector<16xf32>
      %reduce_sum3A_625 = vector.extract %reduce_sum3A_624[15] : f32 from vector<16xf32>
      %broadcast_in_dim3A_626 = vector.broadcast %reduce_sum3A_625 : f32 to vector<16xf32>
      %select_n3A_627 = arith.select %eq3A_575, %broadcast_in_dim3A_626, %scan3A_546 : vector<16xi1>, vector<16xf32>
      %mul3A_628 = arith.constant 5 : i32
      %mul3A_629 = arith.muli %scan3A_544, %mul3A_628 : i32
      %add3A_630 = arith.constant 1 : i32
      %add3A_631 = arith.addi %mul3A_629, %add3A_630 : i32
      %get3A_632 = arith.index_cast %add3A_631 : i32 to index
      %get3A_633 = arith.constant 0 : index
      %get3A_634 = tpu.vector_load %arg12[%get3A_632, %get3A_633] {strides = array<i32>} : memref<640x128xf32, #tpu.memory_space<vmem>>, vector<16xf32>,
      %mul3A_635 = arith.constant 5 : i32
      %mul3A_636 = arith.muli %scan3A_544, %mul3A_635 : i32
      %add3A_637 = arith.constant 1 : i32
      %add3A_638 = arith.addi %mul3A_636, %add3A_637 : i32
      %get3A_639 = arith.index_cast %add3A_638 : i32 to index
      %get3A_640 = arith.constant 16 : index
      %get3A_641 = tpu.vector_load %arg12[%get3A_639, %get3A_640] {strides = array<i32>} : memref<640x128xf32, #tpu.memory_space<vmem>>, vector<16xf32>,
      %mul3A_642 = arith.constant 5 : i32
      %mul3A_643 = arith.muli %scan3A_544, %mul3A_642 : i32
      %add3A_644 = arith.constant 1 : i32
      %add3A_645 = arith.addi %mul3A_643, %add3A_644 : i32
      %get3A_646 = arith.index_cast %add3A_645 : i32 to index
      %get3A_647 = arith.constant 32 : index
      %get3A_648 = tpu.vector_load %arg12[%get3A_646, %get3A_647] {strides = array<i32>} : memref<640x128xf32, #tpu.memory_space<vmem>>, vector<16xf32>,
      %mul3A_649 = arith.constant 5 : i32
      %mul3A_650 = arith.muli %scan3A_544, %mul3A_649 : i32
      %add3A_651 = arith.constant 1 : i32
      %add3A_652 = arith.addi %mul3A_650, %add3A_651 : i32
      %get3A_653 = arith.index_cast %add3A_652 : i32 to index
      %get3A_654 = arith.constant 48 : index
      %get3A_655 = tpu.vector_load %arg12[%get3A_653, %get3A_654] {strides = array<i32>} : memref<640x128xf32, #tpu.memory_space<vmem>>, vector<16xf32>,
      %mul3A_656 = arith.mulf %get3A_552, %get3A_634 : vector<16xf32>
      %mul3A_657 = arith.mulf %get3A_555, %get3A_641 : vector<16xf32>
      %add3A_658 = arith.addf %mul3A_656, %mul3A_657 : vector<16xf32>
      %mul3A_659 = arith.mulf %get3A_558, %get3A_648 : vector<16xf32>
      %mul3A_660 = arith.mulf %get3A_561, %get3A_655 : vector<16xf32>
      %add3A_661 = arith.addf %mul3A_659, %mul3A_660 : vector<16xf32>
      %add3A_662 = arith.addf %add3A_658, %add3A_661 : vector<16xf32>
      %reduce_sum3A_663 = arith.constant true
      %reduce_sum3A_664 = vector.broadcast %reduce_sum3A_663 : i1 to vector<16xi1>
      %reduce_sum3A_665 = tpu.scan <sum>, %add3A_662 masked %reduce_sum3A_664 : vector<16xf32>, vector<16xi1> -> vector<16xf32>
      %reduce_sum3A_666 = vector.extract %reduce_sum3A_665[15] : f32 from vector<16xf32>
      %broadcast_in_dim3A_667 = vector.broadcast %reduce_sum3A_666 : f32 to vector<16xf32>
      %select_n3A_668 = arith.select %eq3A_575, %broadcast_in_dim3A_667, %scan3A_547 : vector<16xi1>, vector<16xf32>
      %mul3A_669 = arith.constant 5 : i32
      %mul3A_670 = arith.muli %scan3A_544, %mul3A_669 : i32
      %add3A_671 = arith.constant 2 : i32
      %add3A_672 = arith.addi %mul3A_670, %add3A_671 : i32
      %get3A_673 = arith.index_cast %add3A_672 : i32 to index
      %get3A_674 = arith.constant 0 : index
      %get3A_675 = tpu.vector_load %arg12[%get3A_673, %get3A_674] {strides = array<i32>} : memref<640x128xf32, #tpu.memory_space<vmem>>, vector<16xf32>,
      %mul3A_676 = arith.constant 5 : i32
      %mul3A_677 = arith.muli %scan3A_544, %mul3A_676 : i32
      %add3A_678 = arith.constant 2 : i32
      %add3A_679 = arith.addi %mul3A_677, %add3A_678 : i32
      %get3A_680 = arith.index_cast %add3A_679 : i32 to index
      %get3A_681 = arith.constant 16 : index
      %get3A_682 = tpu.vector_load %arg12[%get3A_680, %get3A_681] {strides = array<i32>} : memref<640x128xf32, #tpu.memory_space<vmem>>, vector<16xf32>,
      %mul3A_683 = arith.constant 5 : i32
      %mul3A_684 = arith.muli %scan3A_544, %mul3A_683 : i32
      %add3A_685 = arith.constant 2 : i32
      %add3A_686 = arith.addi %mul3A_684, %add3A_685 : i32
      %get3A_687 = arith.index_cast %add3A_686 : i32 to index
      %get3A_688 = arith.constant 32 : index
      %get3A_689 = tpu.vector_load %arg12[%get3A_687, %get3A_688] {strides = array<i32>} : memref<640x128xf32, #tpu.memory_space<vmem>>, vector<16xf32>,
      %mul3A_690 = arith.constant 5 : i32
      %mul3A_691 = arith.muli %scan3A_544, %mul3A_690 : i32
      %add3A_692 = arith.constant 2 : i32
      %add3A_693 = arith.addi %mul3A_691, %add3A_692 : i32
      %get3A_694 = arith.index_cast %add3A_693 : i32 to index
      %get3A_695 = arith.constant 48 : index
      %get3A_696 = tpu.vector_load %arg12[%get3A_694, %get3A_695] {strides = array<i32>} : memref<640x128xf32, #tpu.memory_space<vmem>>, vector<16xf32>,
      %mul3A_697 = arith.mulf %get3A_552, %get3A_675 : vector<16xf32>
      %mul3A_698 = arith.mulf %get3A_555, %get3A_682 : vector<16xf32>
      %add3A_699 = arith.addf %mul3A_697, %mul3A_698 : vector<16xf32>
      %mul3A_700 = arith.mulf %get3A_558, %get3A_689 : vector<16xf32>
      %mul3A_701 = arith.mulf %get3A_561, %get3A_696 : vector<16xf32>
      %add3A_702 = arith.addf %mul3A_700, %mul3A_701 : vector<16xf32>
      %add3A_703 = arith.addf %add3A_699, %add3A_702 : vector<16xf32>
      %reduce_sum3A_704 = arith.constant true
      %reduce_sum3A_705 = vector.broadcast %reduce_sum3A_704 : i1 to vector<16xi1>
      %reduce_sum3A_706 = tpu.scan <sum>, %add3A_703 masked %reduce_sum3A_705 : vector<16xf32>, vector<16xi1> -> vector<16xf32>
      %reduce_sum3A_707 = vector.extract %reduce_sum3A_706[15] : f32 from vector<16xf32>
      %broadcast_in_dim3A_708 = vector.broadcast %reduce_sum3A_707 : f32 to vector<16xf32>
      %select_n3A_709 = arith.select %eq3A_575, %broadcast_in_dim3A_708, %scan3A_548 : vector<16xi1>, vector<16xf32>
      %mul3A_710 = arith.constant 5 : i32
      %mul3A_711 = arith.muli %scan3A_544, %mul3A_710 : i32
      %add3A_712 = arith.constant 3 : i32
      %add3A_713 = arith.addi %mul3A_711, %add3A_712 : i32
      %get3A_714 = arith.index_cast %add3A_713 : i32 to index
      %get3A_715 = arith.constant 0 : index
      %get3A_716 = tpu.vector_load %arg12[%get3A_714, %get3A_715] {strides = array<i32>} : memref<640x128xf32, #tpu.memory_space<vmem>>, vector<16xf32>,
      %mul3A_717 = arith.constant 5 : i32
      %mul3A_718 = arith.muli %scan3A_544, %mul3A_717 : i32
      %add3A_719 = arith.constant 3 : i32
      %add3A_720 = arith.addi %mul3A_718, %add3A_719 : i32
      %get3A_721 = arith.index_cast %add3A_720 : i32 to index
      %get3A_722 = arith.constant 16 : index
      %get3A_723 = tpu.vector_load %arg12[%get3A_721, %get3A_722] {strides = array<i32>} : memref<640x128xf32, #tpu.memory_space<vmem>>, vector<16xf32>,
      %mul3A_724 = arith.constant 5 : i32
      %mul3A_725 = arith.muli %scan3A_544, %mul3A_724 : i32
      %add3A_726 = arith.constant 3 : i32
      %add3A_727 = arith.addi %mul3A_725, %add3A_726 : i32
      %get3A_728 = arith.index_cast %add3A_727 : i32 to index
      %get3A_729 = arith.constant 32 : index
      %get3A_730 = tpu.vector_load %arg12[%get3A_728, %get3A_729] {strides = array<i32>} : memref<640x128xf32, #tpu.memory_space<vmem>>, vector<16xf32>,
      %mul3A_731 = arith.constant 5 : i32
      %mul3A_732 = arith.muli %scan3A_544, %mul3A_731 : i32
      %add3A_733 = arith.constant 3 : i32
      %add3A_734 = arith.addi %mul3A_732, %add3A_733 : i32
      %get3A_735 = arith.index_cast %add3A_734 : i32 to index
      %get3A_736 = arith.constant 48 : index
      %get3A_737 = tpu.vector_load %arg12[%get3A_735, %get3A_736] {strides = array<i32>} : memref<640x128xf32, #tpu.memory_space<vmem>>, vector<16xf32>,
      %mul3A_738 = arith.mulf %get3A_552, %get3A_716 : vector<16xf32>
      %mul3A_739 = arith.mulf %get3A_555, %get3A_723 : vector<16xf32>
      %add3A_740 = arith.addf %mul3A_738, %mul3A_739 : vector<16xf32>
      %mul3A_741 = arith.mulf %get3A_558, %get3A_730 : vector<16xf32>
      %mul3A_742 = arith.mulf %get3A_561, %get3A_737 : vector<16xf32>
      %add3A_743 = arith.addf %mul3A_741, %mul3A_742 : vector<16xf32>
      %add3A_744 = arith.addf %add3A_740, %add3A_743 : vector<16xf32>
      %reduce_sum3A_745 = arith.constant true
      %reduce_sum3A_746 = vector.broadcast %reduce_sum3A_745 : i1 to vector<16xi1>
      %reduce_sum3A_747 = tpu.scan <sum>, %add3A_744 masked %reduce_sum3A_746 : vector<16xf32>, vector<16xi1> -> vector<16xf32>
      %reduce_sum3A_748 = vector.extract %reduce_sum3A_747[15] : f32 from vector<16xf32>
      %broadcast_in_dim3A_749 = vector.broadcast %reduce_sum3A_748 : f32 to vector<16xf32>
      %select_n3A_750 = arith.select %eq3A_575, %broadcast_in_dim3A_749, %scan3A_549 : vector<16xi1>, vector<16xf32>
      %mul3A_751 = arith.constant 5 : i32
      %mul3A_752 = arith.muli %scan3A_544, %mul3A_751 : i32
      %add3A_753 = arith.constant 4 : i32
      %add3A_754 = arith.addi %mul3A_752, %add3A_753 : i32
      %get3A_755 = arith.index_cast %add3A_754 : i32 to index
      %get3A_756 = arith.constant 0 : index
      %get3A_757 = tpu.vector_load %arg12[%get3A_755, %get3A_756] {strides = array<i32>} : memref<640x128xf32, #tpu.memory_space<vmem>>, vector<16xf32>,
      %mul3A_758 = arith.constant 5 : i32
      %mul3A_759 = arith.muli %scan3A_544, %mul3A_758 : i32
      %add3A_760 = arith.constant 4 : i32
      %add3A_761 = arith.addi %mul3A_759, %add3A_760 : i32
      %get3A_762 = arith.index_cast %add3A_761 : i32 to index
      %get3A_763 = arith.constant 16 : index
      %get3A_764 = tpu.vector_load %arg12[%get3A_762, %get3A_763] {strides = array<i32>} : memref<640x128xf32, #tpu.memory_space<vmem>>, vector<16xf32>,
      %mul3A_765 = arith.constant 5 : i32
      %mul3A_766 = arith.muli %scan3A_544, %mul3A_765 : i32
      %add3A_767 = arith.constant 4 : i32
      %add3A_768 = arith.addi %mul3A_766, %add3A_767 : i32
      %get3A_769 = arith.index_cast %add3A_768 : i32 to index
      %get3A_770 = arith.constant 32 : index
      %get3A_771 = tpu.vector_load %arg12[%get3A_769, %get3A_770] {strides = array<i32>} : memref<640x128xf32, #tpu.memory_space<vmem>>, vector<16xf32>,
      %mul3A_772 = arith.constant 5 : i32
      %mul3A_773 = arith.muli %scan3A_544, %mul3A_772 : i32
      %add3A_774 = arith.constant 4 : i32
      %add3A_775 = arith.addi %mul3A_773, %add3A_774 : i32
      %get3A_776 = arith.index_cast %add3A_775 : i32 to index
      %get3A_777 = arith.constant 48 : index
      %get3A_778 = tpu.vector_load %arg12[%get3A_776, %get3A_777] {strides = array<i32>} : memref<640x128xf32, #tpu.memory_space<vmem>>, vector<16xf32>,
      %mul3A_779 = arith.mulf %get3A_552, %get3A_757 : vector<16xf32>
      %mul3A_780 = arith.mulf %get3A_555, %get3A_764 : vector<16xf32>
      %add3A_781 = arith.addf %mul3A_779, %mul3A_780 : vector<16xf32>
      %mul3A_782 = arith.mulf %get3A_558, %get3A_771 : vector<16xf32>
      %mul3A_783 = arith.mulf %get3A_561, %get3A_778 : vector<16xf32>
      %add3A_784 = arith.addf %mul3A_782, %mul3A_783 : vector<16xf32>
      %add3A_785 = arith.addf %add3A_781, %add3A_784 : vector<16xf32>
      %reduce_sum3A_786 = arith.constant true
      %reduce_sum3A_787 = vector.broadcast %reduce_sum3A_786 : i1 to vector<16xi1>
      %reduce_sum3A_788 = tpu.scan <sum>, %add3A_785 masked %reduce_sum3A_787 : vector<16xf32>, vector<16xi1> -> vector<16xf32>
      %reduce_sum3A_789 = vector.extract %reduce_sum3A_788[15] : f32 from vector<16xf32>
      %broadcast_in_dim3A_790 = vector.broadcast %reduce_sum3A_789 : f32 to vector<16xf32>
      %select_n3A_791 = arith.select %eq3A_575, %broadcast_in_dim3A_790, %scan3A_550 : vector<16xi1>, vector<16xf32>
      %and3A_792 = arith.constant 15 : i32
      %and3A_793 = arith.andi %scan3A_544, %and3A_792 : i32
      %eq3A_794 = arith.constant 15 : i32
      %eq3A_795 = arith.cmpi eq, %and3A_793, %eq3A_794 : i32
      %convert_element_type3A = arith.extui %eq3A_795 : i1 to i32
      %cond3A = arith.constant 0 : i32
      %cond3A_796 = arith.cmpi ne, %convert_element_type3A, %cond3A : i32
      scf.if %cond3A_796 {
        %add3A_797 = arith.constant 0 : i32
        %add3A_798 = arith.addi %add3A_797, %scan3A_544 : i32
        %sub3A = arith.constant 15 : i32
        %sub3A_799 = arith.subi %add3A_798, %sub3A : i32
        %swap3A = arith.constant 0 : i32
        %swap3A_800 = arith.index_cast %swap3A : i32 to index
        %swap3A_801 = arith.index_cast %sub3A_799 : i32 to index
        %swap3A_802 = tpu.vector_load %arg13[%swap3A_800, %swap3A_801] {strides = array<i32>} : memref<6x512xf32, #tpu.memory_space<vmem>>, vector<16xf32>,
        tpu.vector_store %arg13[%swap3A_800, %swap3A_801], %select_n3A {strides = array<i32>} : memref<6x512xf32, #tpu.memory_space<vmem>>, vector<16xf32>,
        %add3A_803 = arith.constant 0 : i32
        %add3A_804 = arith.addi %add3A_803, %scan3A_544 : i32
        %sub3A_805 = arith.constant 15 : i32
        %sub3A_806 = arith.subi %add3A_804, %sub3A_805 : i32
        %swap3A_807 = arith.constant 1 : i32
        %swap3A_808 = arith.index_cast %swap3A_807 : i32 to index
        %swap3A_809 = arith.index_cast %sub3A_806 : i32 to index
        %swap3A_810 = tpu.vector_load %arg13[%swap3A_808, %swap3A_809] {strides = array<i32>} : memref<6x512xf32, #tpu.memory_space<vmem>>, vector<16xf32>,
        tpu.vector_store %arg13[%swap3A_808, %swap3A_809], %select_n3A_627 {strides = array<i32>} : memref<6x512xf32, #tpu.memory_space<vmem>>, vector<16xf32>,
        %add3A_811 = arith.constant 0 : i32
        %add3A_812 = arith.addi %add3A_811, %scan3A_544 : i32
        %sub3A_813 = arith.constant 15 : i32
        %sub3A_814 = arith.subi %add3A_812, %sub3A_813 : i32
        %swap3A_815 = arith.constant 2 : i32
        %swap3A_816 = arith.index_cast %swap3A_815 : i32 to index
        %swap3A_817 = arith.index_cast %sub3A_814 : i32 to index
        %swap3A_818 = tpu.vector_load %arg13[%swap3A_816, %swap3A_817] {strides = array<i32>} : memref<6x512xf32, #tpu.memory_space<vmem>>, vector<16xf32>,
        tpu.vector_store %arg13[%swap3A_816, %swap3A_817], %select_n3A_668 {strides = array<i32>} : memref<6x512xf32, #tpu.memory_space<vmem>>, vector<16xf32>,
        %add3A_819 = arith.constant 0 : i32
        %add3A_820 = arith.addi %add3A_819, %scan3A_544 : i32
        %sub3A_821 = arith.constant 15 : i32
        %sub3A_822 = arith.subi %add3A_820, %sub3A_821 : i32
        %swap3A_823 = arith.constant 3 : i32
        %swap3A_824 = arith.index_cast %swap3A_823 : i32 to index
        %swap3A_825 = arith.index_cast %sub3A_822 : i32 to index
        %swap3A_826 = tpu.vector_load %arg13[%swap3A_824, %swap3A_825] {strides = array<i32>} : memref<6x512xf32, #tpu.memory_space<vmem>>, vector<16xf32>,
        tpu.vector_store %arg13[%swap3A_824, %swap3A_825], %select_n3A_709 {strides = array<i32>} : memref<6x512xf32, #tpu.memory_space<vmem>>, vector<16xf32>,
        %add3A_827 = arith.constant 0 : i32
        %add3A_828 = arith.addi %add3A_827, %scan3A_544 : i32
        %sub3A_829 = arith.constant 15 : i32
        %sub3A_830 = arith.subi %add3A_828, %sub3A_829 : i32
        %swap3A_831 = arith.constant 4 : i32
        %swap3A_832 = arith.index_cast %swap3A_831 : i32 to index
        %swap3A_833 = arith.index_cast %sub3A_830 : i32 to index
        %swap3A_834 = tpu.vector_load %arg13[%swap3A_832, %swap3A_833] {strides = array<i32>} : memref<6x512xf32, #tpu.memory_space<vmem>>, vector<16xf32>,
        tpu.vector_store %arg13[%swap3A_832, %swap3A_833], %select_n3A_750 {strides = array<i32>} : memref<6x512xf32, #tpu.memory_space<vmem>>, vector<16xf32>,
        %add3A_835 = arith.constant 0 : i32
        %add3A_836 = arith.addi %add3A_835, %scan3A_544 : i32
        %sub3A_837 = arith.constant 15 : i32
        %sub3A_838 = arith.subi %add3A_836, %sub3A_837 : i32
        %swap3A_839 = arith.constant 5 : i32
        %swap3A_840 = arith.index_cast %swap3A_839 : i32 to index
        %swap3A_841 = arith.index_cast %sub3A_838 : i32 to index
        %swap3A_842 = tpu.vector_load %arg13[%swap3A_840, %swap3A_841] {strides = array<i32>} : memref<6x512xf32, #tpu.memory_space<vmem>>, vector<16xf32>,
        tpu.vector_store %arg13[%swap3A_840, %swap3A_841], %select_n3A_791 {strides = array<i32>} : memref<6x512xf32, #tpu.memory_space<vmem>>, vector<16xf32>,
      } else {
      }
      scf.yield %select_n3A, %select_n3A_627, %select_n3A_668, %select_n3A_709, %select_n3A_750, %select_n3A_791 : vector<16xf32>, vector<16xf32>, vector<16xf32>, vector<16xf32>, vector<16xf32>, vector<16xf32>
    }
    %scan3A_132 = arith.constant 128 : i32
    %dma_start3A_133 = arith.constant 1 : i32
    %dma_start3A_134 = arith.constant 0 : i32
    %dma_start3A_135 = tpu.memref_slice %arg7[%dma_start3A_133, %dma_start3A_134] : memref<4x128xi32, #tpu.memory_space<vmem>> -> memref<1x128xi32, #tpu.memory_space<vmem>>
    %dma_start3A_136 = tpu.memref_squeeze %dma_start3A_135 : memref<1x128xi32, #tpu.memory_space<vmem>> -> memref<128xi32, #tpu.memory_space<vmem>>
    %dma_start3A_137 = arith.constant 0 : i32
    %dma_start3A_138 = arith.constant 0 : i32
    %dma_start3A_139 = tpu.memref_slice %arg5[%dma_start3A_137, %dma_start3A_138] : memref<1000000x128xf32, #tpu.memory_space<hbm>> -> memref<1000000x128xf32, #tpu.memory_space<hbm>>
    tpu.enqueue_indirect_dma source(%dma_start3A_139 : memref<1000000x128xf32, #tpu.memory_space<hbm>>) target(%arg10 : memref<128x128xf32, #tpu.memory_space<vmem>>) offsets(%dma_start3A_136 : memref<128xi32, #tpu.memory_space<vmem>>) semaphore(%arg14 : memref<!tpu.dma_semaphore, #tpu.memory_space<semaphore_mem>>)
    %dma_start3A_140 = arith.constant 1 : i32
    %dma_start3A_141 = arith.constant 0 : i32
    %dma_start3A_142 = tpu.memref_slice %arg8[%dma_start3A_140, %dma_start3A_141] : memref<4x128xi32, #tpu.memory_space<vmem>> -> memref<1x128xi32, #tpu.memory_space<vmem>>
    %dma_start3A_143 = tpu.memref_squeeze %dma_start3A_142 : memref<1x128xi32, #tpu.memory_space<vmem>> -> memref<128xi32, #tpu.memory_space<vmem>>
    %dma_start3A_144 = arith.constant 0 : i32
    %dma_start3A_145 = arith.constant 0 : i32
    %dma_start3A_146 = tpu.memref_slice %arg5[%dma_start3A_144, %dma_start3A_145] : memref<1000000x128xf32, #tpu.memory_space<hbm>> -> memref<1000000x128xf32, #tpu.memory_space<hbm>>
    tpu.enqueue_indirect_dma source(%dma_start3A_146 : memref<1000000x128xf32, #tpu.memory_space<hbm>>) target(%arg11 : memref<128x128xf32, #tpu.memory_space<vmem>>) offsets(%dma_start3A_143 : memref<128xi32, #tpu.memory_space<vmem>>) semaphore(%arg14 : memref<!tpu.dma_semaphore, #tpu.memory_space<semaphore_mem>>)
    %dma_start3A_147 = arith.constant 5 : i32
    %dma_start3A_148 = arith.constant 0 : i32
    %dma_start3A_149 = arith.constant 0 : i32
    %dma_start3A_150 = tpu.memref_slice %arg12[%dma_start3A_148, %dma_start3A_149] : memref<640x128xf32, #tpu.memory_space<vmem>> -> memref<128x128xf32, #tpu.memory_space<vmem>>
    %dma_start3A_151 = arith.constant 0 : i32
    %dma_start3A_152 = tpu.memref_slice %arg9[%dma_start3A_147, %dma_start3A_151] : memref<20x128xi32, #tpu.memory_space<vmem>> -> memref<1x128xi32, #tpu.memory_space<vmem>>
    %dma_start3A_153 = tpu.memref_squeeze %dma_start3A_152 : memref<1x128xi32, #tpu.memory_space<vmem>> -> memref<128xi32, #tpu.memory_space<vmem>>
    %dma_start3A_154 = arith.constant 0 : i32
    %dma_start3A_155 = arith.constant 0 : i32
    %dma_start3A_156 = tpu.memref_slice %arg5[%dma_start3A_154, %dma_start3A_155] : memref<1000000x128xf32, #tpu.memory_space<hbm>> -> memref<1000000x128xf32, #tpu.memory_space<hbm>>
    tpu.enqueue_indirect_dma source(%dma_start3A_156 : memref<1000000x128xf32, #tpu.memory_space<hbm>>) target(%dma_start3A_150 : memref<128x128xf32, #tpu.memory_space<vmem>>) offsets(%dma_start3A_153 : memref<128xi32, #tpu.memory_space<vmem>>) semaphore(%arg14 : memref<!tpu.dma_semaphore, #tpu.memory_space<semaphore_mem>>)
    %dma_start3A_157 = arith.constant 6 : i32
    %dma_start3A_158 = arith.constant 128 : i32
    %dma_start3A_159 = arith.constant 0 : i32
    %dma_start3A_160 = tpu.memref_slice %arg12[%dma_start3A_158, %dma_start3A_159] : memref<640x128xf32, #tpu.memory_space<vmem>> -> memref<128x128xf32, #tpu.memory_space<vmem>>
    %dma_start3A_161 = arith.constant 0 : i32
    %dma_start3A_162 = tpu.memref_slice %arg9[%dma_start3A_157, %dma_start3A_161] : memref<20x128xi32, #tpu.memory_space<vmem>> -> memref<1x128xi32, #tpu.memory_space<vmem>>
    %dma_start3A_163 = tpu.memref_squeeze %dma_start3A_162 : memref<1x128xi32, #tpu.memory_space<vmem>> -> memref<128xi32, #tpu.memory_space<vmem>>
    %dma_start3A_164 = arith.constant 0 : i32
    %dma_start3A_165 = arith.constant 0 : i32
    %dma_start3A_166 = tpu.memref_slice %arg5[%dma_start3A_164, %dma_start3A_165] : memref<1000000x128xf32, #tpu.memory_space<hbm>> -> memref<1000000x128xf32, #tpu.memory_space<hbm>>
    tpu.enqueue_indirect_dma source(%dma_start3A_166 : memref<1000000x128xf32, #tpu.memory_space<hbm>>) target(%dma_start3A_160 : memref<128x128xf32, #tpu.memory_space<vmem>>) offsets(%dma_start3A_163 : memref<128xi32, #tpu.memory_space<vmem>>) semaphore(%arg14 : memref<!tpu.dma_semaphore, #tpu.memory_space<semaphore_mem>>)
    %dma_start3A_167 = arith.constant 7 : i32
    %dma_start3A_168 = arith.constant 256 : i32
    %dma_start3A_169 = arith.constant 0 : i32
    %dma_start3A_170 = tpu.memref_slice %arg12[%dma_start3A_168, %dma_start3A_169] : memref<640x128xf32, #tpu.memory_space<vmem>> -> memref<128x128xf32, #tpu.memory_space<vmem>>
    %dma_start3A_171 = arith.constant 0 : i32
    %dma_start3A_172 = tpu.memref_slice %arg9[%dma_start3A_167, %dma_start3A_171] : memref<20x128xi32, #tpu.memory_space<vmem>> -> memref<1x128xi32, #tpu.memory_space<vmem>>
    %dma_start3A_173 = tpu.memref_squeeze %dma_start3A_172 : memref<1x128xi32, #tpu.memory_space<vmem>> -> memref<128xi32, #tpu.memory_space<vmem>>
    %dma_start3A_174 = arith.constant 0 : i32
    %dma_start3A_175 = arith.constant 0 : i32
    %dma_start3A_176 = tpu.memref_slice %arg5[%dma_start3A_174, %dma_start3A_175] : memref<1000000x128xf32, #tpu.memory_space<hbm>> -> memref<1000000x128xf32, #tpu.memory_space<hbm>>
    tpu.enqueue_indirect_dma source(%dma_start3A_176 : memref<1000000x128xf32, #tpu.memory_space<hbm>>) target(%dma_start3A_170 : memref<128x128xf32, #tpu.memory_space<vmem>>) offsets(%dma_start3A_173 : memref<128xi32, #tpu.memory_space<vmem>>) semaphore(%arg14 : memref<!tpu.dma_semaphore, #tpu.memory_space<semaphore_mem>>)
    %dma_start3A_177 = arith.constant 8 : i32
    %dma_start3A_178 = arith.constant 384 : i32
    %dma_start3A_179 = arith.constant 0 : i32
    %dma_start3A_180 = tpu.memref_slice %arg12[%dma_start3A_178, %dma_start3A_179] : memref<640x128xf32, #tpu.memory_space<vmem>> -> memref<128x128xf32, #tpu.memory_space<vmem>>
    %dma_start3A_181 = arith.constant 0 : i32
    %dma_start3A_182 = tpu.memref_slice %arg9[%dma_start3A_177, %dma_start3A_181] : memref<20x128xi32, #tpu.memory_space<vmem>> -> memref<1x128xi32, #tpu.memory_space<vmem>>
    %dma_start3A_183 = tpu.memref_squeeze %dma_start3A_182 : memref<1x128xi32, #tpu.memory_space<vmem>> -> memref<128xi32, #tpu.memory_space<vmem>>
    %dma_start3A_184 = arith.constant 0 : i32
    %dma_start3A_185 = arith.constant 0 : i32
    %dma_start3A_186 = tpu.memref_slice %arg5[%dma_start3A_184, %dma_start3A_185] : memref<1000000x128xf32, #tpu.memory_space<hbm>> -> memref<1000000x128xf32, #tpu.memory_space<hbm>>
    tpu.enqueue_indirect_dma source(%dma_start3A_186 : memref<1000000x128xf32, #tpu.memory_space<hbm>>) target(%dma_start3A_180 : memref<128x128xf32, #tpu.memory_space<vmem>>) offsets(%dma_start3A_183 : memref<128xi32, #tpu.memory_space<vmem>>) semaphore(%arg14 : memref<!tpu.dma_semaphore, #tpu.memory_space<semaphore_mem>>)
    %dma_start3A_187 = arith.constant 9 : i32
    %dma_start3A_188 = arith.constant 512 : i32
    %dma_start3A_189 = arith.constant 0 : i32
    %dma_start3A_190 = tpu.memref_slice %arg12[%dma_start3A_188, %dma_start3A_189] : memref<640x128xf32, #tpu.memory_space<vmem>> -> memref<128x128xf32, #tpu.memory_space<vmem>>
    %dma_start3A_191 = arith.constant 0 : i32
    %dma_start3A_192 = tpu.memref_slice %arg9[%dma_start3A_187, %dma_start3A_191] : memref<20x128xi32, #tpu.memory_space<vmem>> -> memref<1x128xi32, #tpu.memory_space<vmem>>
    %dma_start3A_193 = tpu.memref_squeeze %dma_start3A_192 : memref<1x128xi32, #tpu.memory_space<vmem>> -> memref<128xi32, #tpu.memory_space<vmem>>
    %dma_start3A_194 = arith.constant 0 : i32
    %dma_start3A_195 = arith.constant 0 : i32
    %dma_start3A_196 = tpu.memref_slice %arg5[%dma_start3A_194, %dma_start3A_195] : memref<1000000x128xf32, #tpu.memory_space<hbm>> -> memref<1000000x128xf32, #tpu.memory_space<hbm>>
    tpu.enqueue_indirect_dma source(%dma_start3A_196 : memref<1000000x128xf32, #tpu.memory_space<hbm>>) target(%dma_start3A_190 : memref<128x128xf32, #tpu.memory_space<vmem>>) offsets(%dma_start3A_193 : memref<128xi32, #tpu.memory_space<vmem>>) semaphore(%arg14 : memref<!tpu.dma_semaphore, #tpu.memory_space<semaphore_mem>>)
    %dma_wait3A_197 = arith.constant 1 : i32
    %dma_wait3A_198 = arith.constant 0 : i32
    %dma_wait3A_199 = tpu.memref_slice %arg7[%dma_wait3A_197, %dma_wait3A_198] : memref<4x128xi32, #tpu.memory_space<vmem>> -> memref<1x128xi32, #tpu.memory_space<vmem>>
    %dma_wait3A_200 = tpu.memref_squeeze %dma_wait3A_199 : memref<1x128xi32, #tpu.memory_space<vmem>> -> memref<128xi32, #tpu.memory_space<vmem>>
    %dma_wait3A_201 = arith.constant 0 : i32
    %dma_wait3A_202 = arith.constant 0 : i32
    %dma_wait3A_203 = tpu.memref_slice %arg5[%dma_wait3A_201, %dma_wait3A_202] : memref<1000000x128xf32, #tpu.memory_space<hbm>> -> memref<1000000x128xf32, #tpu.memory_space<hbm>>
    tpu.wait_indirect_dma semaphore(%arg14 : memref<!tpu.dma_semaphore, #tpu.memory_space<semaphore_mem>>) src(%dma_wait3A_203 : memref<1000000x128xf32, #tpu.memory_space<hbm>>) dst(%arg10 : memref<128x128xf32, #tpu.memory_space<vmem>>)
    %dma_wait3A_204 = arith.constant 1 : i32
    %dma_wait3A_205 = arith.constant 0 : i32
    %dma_wait3A_206 = tpu.memref_slice %arg8[%dma_wait3A_204, %dma_wait3A_205] : memref<4x128xi32, #tpu.memory_space<vmem>> -> memref<1x128xi32, #tpu.memory_space<vmem>>
    %dma_wait3A_207 = tpu.memref_squeeze %dma_wait3A_206 : memref<1x128xi32, #tpu.memory_space<vmem>> -> memref<128xi32, #tpu.memory_space<vmem>>
    %dma_wait3A_208 = arith.constant 0 : i32
    %dma_wait3A_209 = arith.constant 0 : i32
    %dma_wait3A_210 = tpu.memref_slice %arg5[%dma_wait3A_208, %dma_wait3A_209] : memref<1000000x128xf32, #tpu.memory_space<hbm>> -> memref<1000000x128xf32, #tpu.memory_space<hbm>>
    tpu.wait_indirect_dma semaphore(%arg14 : memref<!tpu.dma_semaphore, #tpu.memory_space<semaphore_mem>>) src(%dma_wait3A_210 : memref<1000000x128xf32, #tpu.memory_space<hbm>>) dst(%arg11 : memref<128x128xf32, #tpu.memory_space<vmem>>)
    %dma_wait3A_211 = arith.constant 5 : i32
    %dma_wait3A_212 = arith.constant 0 : i32
    %dma_wait3A_213 = arith.constant 0 : i32
    %dma_wait3A_214 = tpu.memref_slice %arg12[%dma_wait3A_212, %dma_wait3A_213] : memref<640x128xf32, #tpu.memory_space<vmem>> -> memref<128x128xf32, #tpu.memory_space<vmem>>
    %dma_wait3A_215 = arith.constant 0 : i32
    %dma_wait3A_216 = tpu.memref_slice %arg9[%dma_wait3A_211, %dma_wait3A_215] : memref<20x128xi32, #tpu.memory_space<vmem>> -> memref<1x128xi32, #tpu.memory_space<vmem>>
    %dma_wait3A_217 = tpu.memref_squeeze %dma_wait3A_216 : memref<1x128xi32, #tpu.memory_space<vmem>> -> memref<128xi32, #tpu.memory_space<vmem>>
    %dma_wait3A_218 = arith.constant 0 : i32
    %dma_wait3A_219 = arith.constant 0 : i32
    %dma_wait3A_220 = tpu.memref_slice %arg5[%dma_wait3A_218, %dma_wait3A_219] : memref<1000000x128xf32, #tpu.memory_space<hbm>> -> memref<1000000x128xf32, #tpu.memory_space<hbm>>
    tpu.wait_indirect_dma semaphore(%arg14 : memref<!tpu.dma_semaphore, #tpu.memory_space<semaphore_mem>>) src(%dma_wait3A_220 : memref<1000000x128xf32, #tpu.memory_space<hbm>>) dst(%dma_wait3A_214 : memref<128x128xf32, #tpu.memory_space<vmem>>)
    %dma_wait3A_221 = arith.constant 6 : i32
    %dma_wait3A_222 = arith.constant 128 : i32
    %dma_wait3A_223 = arith.constant 0 : i32
    %dma_wait3A_224 = tpu.memref_slice %arg12[%dma_wait3A_222, %dma_wait3A_223] : memref<640x128xf32, #tpu.memory_space<vmem>> -> memref<128x128xf32, #tpu.memory_space<vmem>>
    %dma_wait3A_225 = arith.constant 0 : i32
    %dma_wait3A_226 = tpu.memref_slice %arg9[%dma_wait3A_221, %dma_wait3A_225] : memref<20x128xi32, #tpu.memory_space<vmem>> -> memref<1x128xi32, #tpu.memory_space<vmem>>
    %dma_wait3A_227 = tpu.memref_squeeze %dma_wait3A_226 : memref<1x128xi32, #tpu.memory_space<vmem>> -> memref<128xi32, #tpu.memory_space<vmem>>
    %dma_wait3A_228 = arith.constant 0 : i32
    %dma_wait3A_229 = arith.constant 0 : i32
    %dma_wait3A_230 = tpu.memref_slice %arg5[%dma_wait3A_228, %dma_wait3A_229] : memref<1000000x128xf32, #tpu.memory_space<hbm>> -> memref<1000000x128xf32, #tpu.memory_space<hbm>>
    tpu.wait_indirect_dma semaphore(%arg14 : memref<!tpu.dma_semaphore, #tpu.memory_space<semaphore_mem>>) src(%dma_wait3A_230 : memref<1000000x128xf32, #tpu.memory_space<hbm>>) dst(%dma_wait3A_224 : memref<128x128xf32, #tpu.memory_space<vmem>>)
    %dma_wait3A_231 = arith.constant 7 : i32
    %dma_wait3A_232 = arith.constant 256 : i32
    %dma_wait3A_233 = arith.constant 0 : i32
    %dma_wait3A_234 = tpu.memref_slice %arg12[%dma_wait3A_232, %dma_wait3A_233] : memref<640x128xf32, #tpu.memory_space<vmem>> -> memref<128x128xf32, #tpu.memory_space<vmem>>
    %dma_wait3A_235 = arith.constant 0 : i32
    %dma_wait3A_236 = tpu.memref_slice %arg9[%dma_wait3A_231, %dma_wait3A_235] : memref<20x128xi32, #tpu.memory_space<vmem>> -> memref<1x128xi32, #tpu.memory_space<vmem>>
    %dma_wait3A_237 = tpu.memref_squeeze %dma_wait3A_236 : memref<1x128xi32, #tpu.memory_space<vmem>> -> memref<128xi32, #tpu.memory_space<vmem>>
    %dma_wait3A_238 = arith.constant 0 : i32
    %dma_wait3A_239 = arith.constant 0 : i32
    %dma_wait3A_240 = tpu.memref_slice %arg5[%dma_wait3A_238, %dma_wait3A_239] : memref<1000000x128xf32, #tpu.memory_space<hbm>> -> memref<1000000x128xf32, #tpu.memory_space<hbm>>
    tpu.wait_indirect_dma semaphore(%arg14 : memref<!tpu.dma_semaphore, #tpu.memory_space<semaphore_mem>>) src(%dma_wait3A_240 : memref<1000000x128xf32, #tpu.memory_space<hbm>>) dst(%dma_wait3A_234 : memref<128x128xf32, #tpu.memory_space<vmem>>)
    %dma_wait3A_241 = arith.constant 8 : i32
    %dma_wait3A_242 = arith.constant 384 : i32
    %dma_wait3A_243 = arith.constant 0 : i32
    %dma_wait3A_244 = tpu.memref_slice %arg12[%dma_wait3A_242, %dma_wait3A_243] : memref<640x128xf32, #tpu.memory_space<vmem>> -> memref<128x128xf32, #tpu.memory_space<vmem>>
    %dma_wait3A_245 = arith.constant 0 : i32
    %dma_wait3A_246 = tpu.memref_slice %arg9[%dma_wait3A_241, %dma_wait3A_245] : memref<20x128xi32, #tpu.memory_space<vmem>> -> memref<1x128xi32, #tpu.memory_space<vmem>>
    %dma_wait3A_247 = tpu.memref_squeeze %dma_wait3A_246 : memref<1x128xi32, #tpu.memory_space<vmem>> -> memref<128xi32, #tpu.memory_space<vmem>>
    %dma_wait3A_248 = arith.constant 0 : i32
    %dma_wait3A_249 = arith.constant 0 : i32
    %dma_wait3A_250 = tpu.memref_slice %arg5[%dma_wait3A_248, %dma_wait3A_249] : memref<1000000x128xf32, #tpu.memory_space<hbm>> -> memref<1000000x128xf32, #tpu.memory_space<hbm>>
    tpu.wait_indirect_dma semaphore(%arg14 : memref<!tpu.dma_semaphore, #tpu.memory_space<semaphore_mem>>) src(%dma_wait3A_250 : memref<1000000x128xf32, #tpu.memory_space<hbm>>) dst(%dma_wait3A_244 : memref<128x128xf32, #tpu.memory_space<vmem>>)
    %dma_wait3A_251 = arith.constant 9 : i32
    %dma_wait3A_252 = arith.constant 512 : i32
    %dma_wait3A_253 = arith.constant 0 : i32
    %dma_wait3A_254 = tpu.memref_slice %arg12[%dma_wait3A_252, %dma_wait3A_253] : memref<640x128xf32, #tpu.memory_space<vmem>> -> memref<128x128xf32, #tpu.memory_space<vmem>>
    %dma_wait3A_255 = arith.constant 0 : i32
    %dma_wait3A_256 = tpu.memref_slice %arg9[%dma_wait3A_251, %dma_wait3A_255] : memref<20x128xi32, #tpu.memory_space<vmem>> -> memref<1x128xi32, #tpu.memory_space<vmem>>
    %dma_wait3A_257 = tpu.memref_squeeze %dma_wait3A_256 : memref<1x128xi32, #tpu.memory_space<vmem>> -> memref<128xi32, #tpu.memory_space<vmem>>
    %dma_wait3A_258 = arith.constant 0 : i32
    %dma_wait3A_259 = arith.constant 0 : i32
    %dma_wait3A_260 = tpu.memref_slice %arg5[%dma_wait3A_258, %dma_wait3A_259] : memref<1000000x128xf32, #tpu.memory_space<hbm>> -> memref<1000000x128xf32, #tpu.memory_space<hbm>>
    tpu.wait_indirect_dma semaphore(%arg14 : memref<!tpu.dma_semaphore, #tpu.memory_space<semaphore_mem>>) src(%dma_wait3A_260 : memref<1000000x128xf32, #tpu.memory_space<hbm>>) dst(%dma_wait3A_254 : memref<128x128xf32, #tpu.memory_space<vmem>>)
    %iota3A_261 = tpu.iota {dimensions = array<i32: 0>} : vector<16xi32>
    %broadcast_in_dim3A_262 = arith.constant 0.000000e+00 : f32
    %broadcast_in_dim3A_263 = vector.broadcast %broadcast_in_dim3A_262 : f32 to vector<16xf32>
    %scan3A_264 = arith.constant 0 : i32
    %scan3A_265 = arith.constant 128 : i32
    %scan3A_266 = arith.addi %scan3A_264, %scan3A_265 : i32
    %scan3A_267 = arith.constant 1 : i32
    %scan3A_268:6 = scf.for %scan3A_544 = %scan3A_264 to %scan3A_266 step %scan3A_267 iter_args(%scan3A_545 = %broadcast_in_dim3A_263, %scan3A_546 = %broadcast_in_dim3A_263, %scan3A_547 = %broadcast_in_dim3A_263, %scan3A_548 = %broadcast_in_dim3A_263, %scan3A_549 = %broadcast_in_dim3A_263, %scan3A_550 = %broadcast_in_dim3A_263) -> (vector<16xf32>, vector<16xf32>, vector<16xf32>, vector<16xf32>, vector<16xf32>, vector<16xf32>)  : i32 {
      %get3A = arith.index_cast %scan3A_544 : i32 to index
      %get3A_551 = arith.constant 0 : index
      %get3A_552 = tpu.vector_load %arg10[%get3A, %get3A_551] {strides = array<i32>} : memref<128x128xf32, #tpu.memory_space<vmem>>, vector<16xf32>,
      %get3A_553 = arith.index_cast %scan3A_544 : i32 to index
      %get3A_554 = arith.constant 16 : index
      %get3A_555 = tpu.vector_load %arg10[%get3A_553, %get3A_554] {strides = array<i32>} : memref<128x128xf32, #tpu.memory_space<vmem>>, vector<16xf32>,
      %get3A_556 = arith.index_cast %scan3A_544 : i32 to index
      %get3A_557 = arith.constant 32 : index
      %get3A_558 = tpu.vector_load %arg10[%get3A_556, %get3A_557] {strides = array<i32>} : memref<128x128xf32, #tpu.memory_space<vmem>>, vector<16xf32>,
      %get3A_559 = arith.index_cast %scan3A_544 : i32 to index
      %get3A_560 = arith.constant 48 : index
      %get3A_561 = tpu.vector_load %arg10[%get3A_559, %get3A_560] {strides = array<i32>} : memref<128x128xf32, #tpu.memory_space<vmem>>, vector<16xf32>,
      %get3A_562 = arith.index_cast %scan3A_544 : i32 to index
      %get3A_563 = arith.constant 0 : index
      %get3A_564 = tpu.vector_load %arg11[%get3A_562, %get3A_563] {strides = array<i32>} : memref<128x128xf32, #tpu.memory_space<vmem>>, vector<16xf32>,
      %get3A_565 = arith.index_cast %scan3A_544 : i32 to index
      %get3A_566 = arith.constant 16 : index
      %get3A_567 = tpu.vector_load %arg11[%get3A_565, %get3A_566] {strides = array<i32>} : memref<128x128xf32, #tpu.memory_space<vmem>>, vector<16xf32>,
      %get3A_568 = arith.index_cast %scan3A_544 : i32 to index
      %get3A_569 = arith.constant 32 : index
      %get3A_570 = tpu.vector_load %arg11[%get3A_568, %get3A_569] {strides = array<i32>} : memref<128x128xf32, #tpu.memory_space<vmem>>, vector<16xf32>,
      %get3A_571 = arith.index_cast %scan3A_544 : i32 to index
      %get3A_572 = arith.constant 48 : index
      %get3A_573 = tpu.vector_load %arg11[%get3A_571, %get3A_572] {strides = array<i32>} : memref<128x128xf32, #tpu.memory_space<vmem>>, vector<16xf32>,
      %and3A = arith.constant 15 : i32
      %and3A_574 = arith.andi %scan3A_544, %and3A : i32
      %eq3A = vector.broadcast %and3A_574 : i32 to vector<16xi32>
      %eq3A_575 = arith.cmpi eq, %iota3A_261, %eq3A : vector<16xi32>
      %mul3A_576 = arith.mulf %get3A_552, %get3A_564 : vector<16xf32>
      %mul3A_577 = arith.mulf %get3A_555, %get3A_567 : vector<16xf32>
      %add3A_578 = arith.addf %mul3A_576, %mul3A_577 : vector<16xf32>
      %mul3A_579 = arith.mulf %get3A_558, %get3A_570 : vector<16xf32>
      %mul3A_580 = arith.mulf %get3A_561, %get3A_573 : vector<16xf32>
      %add3A_581 = arith.addf %mul3A_579, %mul3A_580 : vector<16xf32>
      %add3A_582 = arith.addf %add3A_578, %add3A_581 : vector<16xf32>
      %reduce_sum3A = arith.constant true
      %reduce_sum3A_583 = vector.broadcast %reduce_sum3A : i1 to vector<16xi1>
      %reduce_sum3A_584 = tpu.scan <sum>, %add3A_582 masked %reduce_sum3A_583 : vector<16xf32>, vector<16xi1> -> vector<16xf32>
      %reduce_sum3A_585 = vector.extract %reduce_sum3A_584[15] : f32 from vector<16xf32>
      %broadcast_in_dim3A_586 = vector.broadcast %reduce_sum3A_585 : f32 to vector<16xf32>
      %select_n3A = arith.select %eq3A_575, %broadcast_in_dim3A_586, %scan3A_545 : vector<16xi1>, vector<16xf32>
      %mul3A_587 = arith.constant 5 : i32
      %mul3A_588 = arith.muli %scan3A_544, %mul3A_587 : i32
      %add3A_589 = arith.constant 0 : i32
      %add3A_590 = arith.addi %mul3A_588, %add3A_589 : i32
      %get3A_591 = arith.index_cast %add3A_590 : i32 to index
      %get3A_592 = arith.constant 0 : index
      %get3A_593 = tpu.vector_load %arg12[%get3A_591, %get3A_592] {strides = array<i32>} : memref<640x128xf32, #tpu.memory_space<vmem>>, vector<16xf32>,
      %mul3A_594 = arith.constant 5 : i32
      %mul3A_595 = arith.muli %scan3A_544, %mul3A_594 : i32
      %add3A_596 = arith.constant 0 : i32
      %add3A_597 = arith.addi %mul3A_595, %add3A_596 : i32
      %get3A_598 = arith.index_cast %add3A_597 : i32 to index
      %get3A_599 = arith.constant 16 : index
      %get3A_600 = tpu.vector_load %arg12[%get3A_598, %get3A_599] {strides = array<i32>} : memref<640x128xf32, #tpu.memory_space<vmem>>, vector<16xf32>,
      %mul3A_601 = arith.constant 5 : i32
      %mul3A_602 = arith.muli %scan3A_544, %mul3A_601 : i32
      %add3A_603 = arith.constant 0 : i32
      %add3A_604 = arith.addi %mul3A_602, %add3A_603 : i32
      %get3A_605 = arith.index_cast %add3A_604 : i32 to index
      %get3A_606 = arith.constant 32 : index
      %get3A_607 = tpu.vector_load %arg12[%get3A_605, %get3A_606] {strides = array<i32>} : memref<640x128xf32, #tpu.memory_space<vmem>>, vector<16xf32>,
      %mul3A_608 = arith.constant 5 : i32
      %mul3A_609 = arith.muli %scan3A_544, %mul3A_608 : i32
      %add3A_610 = arith.constant 0 : i32
      %add3A_611 = arith.addi %mul3A_609, %add3A_610 : i32
      %get3A_612 = arith.index_cast %add3A_611 : i32 to index
      %get3A_613 = arith.constant 48 : index
      %get3A_614 = tpu.vector_load %arg12[%get3A_612, %get3A_613] {strides = array<i32>} : memref<640x128xf32, #tpu.memory_space<vmem>>, vector<16xf32>,
      %mul3A_615 = arith.mulf %get3A_552, %get3A_593 : vector<16xf32>
      %mul3A_616 = arith.mulf %get3A_555, %get3A_600 : vector<16xf32>
      %add3A_617 = arith.addf %mul3A_615, %mul3A_616 : vector<16xf32>
      %mul3A_618 = arith.mulf %get3A_558, %get3A_607 : vector<16xf32>
      %mul3A_619 = arith.mulf %get3A_561, %get3A_614 : vector<16xf32>
      %add3A_620 = arith.addf %mul3A_618, %mul3A_619 : vector<16xf32>
      %add3A_621 = arith.addf %add3A_617, %add3A_620 : vector<16xf32>
      %reduce_sum3A_622 = arith.constant true
      %reduce_sum3A_623 = vector.broadcast %reduce_sum3A_622 : i1 to vector<16xi1>
      %reduce_sum3A_624 = tpu.scan <sum>, %add3A_621 masked %reduce_sum3A_623 : vector<16xf32>, vector<16xi1> -> vector<16xf32>
      %reduce_sum3A_625 = vector.extract %reduce_sum3A_624[15] : f32 from vector<16xf32>
      %broadcast_in_dim3A_626 = vector.broadcast %reduce_sum3A_625 : f32 to vector<16xf32>
      %select_n3A_627 = arith.select %eq3A_575, %broadcast_in_dim3A_626, %scan3A_546 : vector<16xi1>, vector<16xf32>
      %mul3A_628 = arith.constant 5 : i32
      %mul3A_629 = arith.muli %scan3A_544, %mul3A_628 : i32
      %add3A_630 = arith.constant 1 : i32
      %add3A_631 = arith.addi %mul3A_629, %add3A_630 : i32
      %get3A_632 = arith.index_cast %add3A_631 : i32 to index
      %get3A_633 = arith.constant 0 : index
      %get3A_634 = tpu.vector_load %arg12[%get3A_632, %get3A_633] {strides = array<i32>} : memref<640x128xf32, #tpu.memory_space<vmem>>, vector<16xf32>,
      %mul3A_635 = arith.constant 5 : i32
      %mul3A_636 = arith.muli %scan3A_544, %mul3A_635 : i32
      %add3A_637 = arith.constant 1 : i32
      %add3A_638 = arith.addi %mul3A_636, %add3A_637 : i32
      %get3A_639 = arith.index_cast %add3A_638 : i32 to index
      %get3A_640 = arith.constant 16 : index
      %get3A_641 = tpu.vector_load %arg12[%get3A_639, %get3A_640] {strides = array<i32>} : memref<640x128xf32, #tpu.memory_space<vmem>>, vector<16xf32>,
      %mul3A_642 = arith.constant 5 : i32
      %mul3A_643 = arith.muli %scan3A_544, %mul3A_642 : i32
      %add3A_644 = arith.constant 1 : i32
      %add3A_645 = arith.addi %mul3A_643, %add3A_644 : i32
      %get3A_646 = arith.index_cast %add3A_645 : i32 to index
      %get3A_647 = arith.constant 32 : index
      %get3A_648 = tpu.vector_load %arg12[%get3A_646, %get3A_647] {strides = array<i32>} : memref<640x128xf32, #tpu.memory_space<vmem>>, vector<16xf32>,
      %mul3A_649 = arith.constant 5 : i32
      %mul3A_650 = arith.muli %scan3A_544, %mul3A_649 : i32
      %add3A_651 = arith.constant 1 : i32
      %add3A_652 = arith.addi %mul3A_650, %add3A_651 : i32
      %get3A_653 = arith.index_cast %add3A_652 : i32 to index
      %get3A_654 = arith.constant 48 : index
      %get3A_655 = tpu.vector_load %arg12[%get3A_653, %get3A_654] {strides = array<i32>} : memref<640x128xf32, #tpu.memory_space<vmem>>, vector<16xf32>,
      %mul3A_656 = arith.mulf %get3A_552, %get3A_634 : vector<16xf32>
      %mul3A_657 = arith.mulf %get3A_555, %get3A_641 : vector<16xf32>
      %add3A_658 = arith.addf %mul3A_656, %mul3A_657 : vector<16xf32>
      %mul3A_659 = arith.mulf %get3A_558, %get3A_648 : vector<16xf32>
      %mul3A_660 = arith.mulf %get3A_561, %get3A_655 : vector<16xf32>
      %add3A_661 = arith.addf %mul3A_659, %mul3A_660 : vector<16xf32>
      %add3A_662 = arith.addf %add3A_658, %add3A_661 : vector<16xf32>
      %reduce_sum3A_663 = arith.constant true
      %reduce_sum3A_664 = vector.broadcast %reduce_sum3A_663 : i1 to vector<16xi1>
      %reduce_sum3A_665 = tpu.scan <sum>, %add3A_662 masked %reduce_sum3A_664 : vector<16xf32>, vector<16xi1> -> vector<16xf32>
      %reduce_sum3A_666 = vector.extract %reduce_sum3A_665[15] : f32 from vector<16xf32>
      %broadcast_in_dim3A_667 = vector.broadcast %reduce_sum3A_666 : f32 to vector<16xf32>
      %select_n3A_668 = arith.select %eq3A_575, %broadcast_in_dim3A_667, %scan3A_547 : vector<16xi1>, vector<16xf32>
      %mul3A_669 = arith.constant 5 : i32
      %mul3A_670 = arith.muli %scan3A_544, %mul3A_669 : i32
      %add3A_671 = arith.constant 2 : i32
      %add3A_672 = arith.addi %mul3A_670, %add3A_671 : i32
      %get3A_673 = arith.index_cast %add3A_672 : i32 to index
      %get3A_674 = arith.constant 0 : index
      %get3A_675 = tpu.vector_load %arg12[%get3A_673, %get3A_674] {strides = array<i32>} : memref<640x128xf32, #tpu.memory_space<vmem>>, vector<16xf32>,
      %mul3A_676 = arith.constant 5 : i32
      %mul3A_677 = arith.muli %scan3A_544, %mul3A_676 : i32
      %add3A_678 = arith.constant 2 : i32
      %add3A_679 = arith.addi %mul3A_677, %add3A_678 : i32
      %get3A_680 = arith.index_cast %add3A_679 : i32 to index
      %get3A_681 = arith.constant 16 : index
      %get3A_682 = tpu.vector_load %arg12[%get3A_680, %get3A_681] {strides = array<i32>} : memref<640x128xf32, #tpu.memory_space<vmem>>, vector<16xf32>,
      %mul3A_683 = arith.constant 5 : i32
      %mul3A_684 = arith.muli %scan3A_544, %mul3A_683 : i32
      %add3A_685 = arith.constant 2 : i32
      %add3A_686 = arith.addi %mul3A_684, %add3A_685 : i32
      %get3A_687 = arith.index_cast %add3A_686 : i32 to index
      %get3A_688 = arith.constant 32 : index
      %get3A_689 = tpu.vector_load %arg12[%get3A_687, %get3A_688] {strides = array<i32>} : memref<640x128xf32, #tpu.memory_space<vmem>>, vector<16xf32>,
      %mul3A_690 = arith.constant 5 : i32
      %mul3A_691 = arith.muli %scan3A_544, %mul3A_690 : i32
      %add3A_692 = arith.constant 2 : i32
      %add3A_693 = arith.addi %mul3A_691, %add3A_692 : i32
      %get3A_694 = arith.index_cast %add3A_693 : i32 to index
      %get3A_695 = arith.constant 48 : index
      %get3A_696 = tpu.vector_load %arg12[%get3A_694, %get3A_695] {strides = array<i32>} : memref<640x128xf32, #tpu.memory_space<vmem>>, vector<16xf32>,
      %mul3A_697 = arith.mulf %get3A_552, %get3A_675 : vector<16xf32>
      %mul3A_698 = arith.mulf %get3A_555, %get3A_682 : vector<16xf32>
      %add3A_699 = arith.addf %mul3A_697, %mul3A_698 : vector<16xf32>
      %mul3A_700 = arith.mulf %get3A_558, %get3A_689 : vector<16xf32>
      %mul3A_701 = arith.mulf %get3A_561, %get3A_696 : vector<16xf32>
      %add3A_702 = arith.addf %mul3A_700, %mul3A_701 : vector<16xf32>
      %add3A_703 = arith.addf %add3A_699, %add3A_702 : vector<16xf32>
      %reduce_sum3A_704 = arith.constant true
      %reduce_sum3A_705 = vector.broadcast %reduce_sum3A_704 : i1 to vector<16xi1>
      %reduce_sum3A_706 = tpu.scan <sum>, %add3A_703 masked %reduce_sum3A_705 : vector<16xf32>, vector<16xi1> -> vector<16xf32>
      %reduce_sum3A_707 = vector.extract %reduce_sum3A_706[15] : f32 from vector<16xf32>
      %broadcast_in_dim3A_708 = vector.broadcast %reduce_sum3A_707 : f32 to vector<16xf32>
      %select_n3A_709 = arith.select %eq3A_575, %broadcast_in_dim3A_708, %scan3A_548 : vector<16xi1>, vector<16xf32>
      %mul3A_710 = arith.constant 5 : i32
      %mul3A_711 = arith.muli %scan3A_544, %mul3A_710 : i32
      %add3A_712 = arith.constant 3 : i32
      %add3A_713 = arith.addi %mul3A_711, %add3A_712 : i32
      %get3A_714 = arith.index_cast %add3A_713 : i32 to index
      %get3A_715 = arith.constant 0 : index
      %get3A_716 = tpu.vector_load %arg12[%get3A_714, %get3A_715] {strides = array<i32>} : memref<640x128xf32, #tpu.memory_space<vmem>>, vector<16xf32>,
      %mul3A_717 = arith.constant 5 : i32
      %mul3A_718 = arith.muli %scan3A_544, %mul3A_717 : i32
      %add3A_719 = arith.constant 3 : i32
      %add3A_720 = arith.addi %mul3A_718, %add3A_719 : i32
      %get3A_721 = arith.index_cast %add3A_720 : i32 to index
      %get3A_722 = arith.constant 16 : index
      %get3A_723 = tpu.vector_load %arg12[%get3A_721, %get3A_722] {strides = array<i32>} : memref<640x128xf32, #tpu.memory_space<vmem>>, vector<16xf32>,
      %mul3A_724 = arith.constant 5 : i32
      %mul3A_725 = arith.muli %scan3A_544, %mul3A_724 : i32
      %add3A_726 = arith.constant 3 : i32
      %add3A_727 = arith.addi %mul3A_725, %add3A_726 : i32
      %get3A_728 = arith.index_cast %add3A_727 : i32 to index
      %get3A_729 = arith.constant 32 : index
      %get3A_730 = tpu.vector_load %arg12[%get3A_728, %get3A_729] {strides = array<i32>} : memref<640x128xf32, #tpu.memory_space<vmem>>, vector<16xf32>,
      %mul3A_731 = arith.constant 5 : i32
      %mul3A_732 = arith.muli %scan3A_544, %mul3A_731 : i32
      %add3A_733 = arith.constant 3 : i32
      %add3A_734 = arith.addi %mul3A_732, %add3A_733 : i32
      %get3A_735 = arith.index_cast %add3A_734 : i32 to index
      %get3A_736 = arith.constant 48 : index
      %get3A_737 = tpu.vector_load %arg12[%get3A_735, %get3A_736] {strides = array<i32>} : memref<640x128xf32, #tpu.memory_space<vmem>>, vector<16xf32>,
      %mul3A_738 = arith.mulf %get3A_552, %get3A_716 : vector<16xf32>
      %mul3A_739 = arith.mulf %get3A_555, %get3A_723 : vector<16xf32>
      %add3A_740 = arith.addf %mul3A_738, %mul3A_739 : vector<16xf32>
      %mul3A_741 = arith.mulf %get3A_558, %get3A_730 : vector<16xf32>
      %mul3A_742 = arith.mulf %get3A_561, %get3A_737 : vector<16xf32>
      %add3A_743 = arith.addf %mul3A_741, %mul3A_742 : vector<16xf32>
      %add3A_744 = arith.addf %add3A_740, %add3A_743 : vector<16xf32>
      %reduce_sum3A_745 = arith.constant true
      %reduce_sum3A_746 = vector.broadcast %reduce_sum3A_745 : i1 to vector<16xi1>
      %reduce_sum3A_747 = tpu.scan <sum>, %add3A_744 masked %reduce_sum3A_746 : vector<16xf32>, vector<16xi1> -> vector<16xf32>
      %reduce_sum3A_748 = vector.extract %reduce_sum3A_747[15] : f32 from vector<16xf32>
      %broadcast_in_dim3A_749 = vector.broadcast %reduce_sum3A_748 : f32 to vector<16xf32>
      %select_n3A_750 = arith.select %eq3A_575, %broadcast_in_dim3A_749, %scan3A_549 : vector<16xi1>, vector<16xf32>
      %mul3A_751 = arith.constant 5 : i32
      %mul3A_752 = arith.muli %scan3A_544, %mul3A_751 : i32
      %add3A_753 = arith.constant 4 : i32
      %add3A_754 = arith.addi %mul3A_752, %add3A_753 : i32
      %get3A_755 = arith.index_cast %add3A_754 : i32 to index
      %get3A_756 = arith.constant 0 : index
      %get3A_757 = tpu.vector_load %arg12[%get3A_755, %get3A_756] {strides = array<i32>} : memref<640x128xf32, #tpu.memory_space<vmem>>, vector<16xf32>,
      %mul3A_758 = arith.constant 5 : i32
      %mul3A_759 = arith.muli %scan3A_544, %mul3A_758 : i32
      %add3A_760 = arith.constant 4 : i32
      %add3A_761 = arith.addi %mul3A_759, %add3A_760 : i32
      %get3A_762 = arith.index_cast %add3A_761 : i32 to index
      %get3A_763 = arith.constant 16 : index
      %get3A_764 = tpu.vector_load %arg12[%get3A_762, %get3A_763] {strides = array<i32>} : memref<640x128xf32, #tpu.memory_space<vmem>>, vector<16xf32>,
      %mul3A_765 = arith.constant 5 : i32
      %mul3A_766 = arith.muli %scan3A_544, %mul3A_765 : i32
      %add3A_767 = arith.constant 4 : i32
      %add3A_768 = arith.addi %mul3A_766, %add3A_767 : i32
      %get3A_769 = arith.index_cast %add3A_768 : i32 to index
      %get3A_770 = arith.constant 32 : index
      %get3A_771 = tpu.vector_load %arg12[%get3A_769, %get3A_770] {strides = array<i32>} : memref<640x128xf32, #tpu.memory_space<vmem>>, vector<16xf32>,
      %mul3A_772 = arith.constant 5 : i32
      %mul3A_773 = arith.muli %scan3A_544, %mul3A_772 : i32
      %add3A_774 = arith.constant 4 : i32
      %add3A_775 = arith.addi %mul3A_773, %add3A_774 : i32
      %get3A_776 = arith.index_cast %add3A_775 : i32 to index
      %get3A_777 = arith.constant 48 : index
      %get3A_778 = tpu.vector_load %arg12[%get3A_776, %get3A_777] {strides = array<i32>} : memref<640x128xf32, #tpu.memory_space<vmem>>, vector<16xf32>,
      %mul3A_779 = arith.mulf %get3A_552, %get3A_757 : vector<16xf32>
      %mul3A_780 = arith.mulf %get3A_555, %get3A_764 : vector<16xf32>
      %add3A_781 = arith.addf %mul3A_779, %mul3A_780 : vector<16xf32>
      %mul3A_782 = arith.mulf %get3A_558, %get3A_771 : vector<16xf32>
      %mul3A_783 = arith.mulf %get3A_561, %get3A_778 : vector<16xf32>
      %add3A_784 = arith.addf %mul3A_782, %mul3A_783 : vector<16xf32>
      %add3A_785 = arith.addf %add3A_781, %add3A_784 : vector<16xf32>
      %reduce_sum3A_786 = arith.constant true
      %reduce_sum3A_787 = vector.broadcast %reduce_sum3A_786 : i1 to vector<16xi1>
      %reduce_sum3A_788 = tpu.scan <sum>, %add3A_785 masked %reduce_sum3A_787 : vector<16xf32>, vector<16xi1> -> vector<16xf32>
      %reduce_sum3A_789 = vector.extract %reduce_sum3A_788[15] : f32 from vector<16xf32>
      %broadcast_in_dim3A_790 = vector.broadcast %reduce_sum3A_789 : f32 to vector<16xf32>
      %select_n3A_791 = arith.select %eq3A_575, %broadcast_in_dim3A_790, %scan3A_550 : vector<16xi1>, vector<16xf32>
      %and3A_792 = arith.constant 15 : i32
      %and3A_793 = arith.andi %scan3A_544, %and3A_792 : i32
      %eq3A_794 = arith.constant 15 : i32
      %eq3A_795 = arith.cmpi eq, %and3A_793, %eq3A_794 : i32
      %convert_element_type3A = arith.extui %eq3A_795 : i1 to i32
      %cond3A = arith.constant 0 : i32
      %cond3A_796 = arith.cmpi ne, %convert_element_type3A, %cond3A : i32
      scf.if %cond3A_796 {
        %add3A_797 = arith.constant 128 : i32
        %add3A_798 = arith.addi %add3A_797, %scan3A_544 : i32
        %sub3A = arith.constant 15 : i32
        %sub3A_799 = arith.subi %add3A_798, %sub3A : i32
        %swap3A = arith.constant 0 : i32
        %swap3A_800 = arith.index_cast %swap3A : i32 to index
        %swap3A_801 = arith.index_cast %sub3A_799 : i32 to index
        %swap3A_802 = tpu.vector_load %arg13[%swap3A_800, %swap3A_801] {strides = array<i32>} : memref<6x512xf32, #tpu.memory_space<vmem>>, vector<16xf32>,
        tpu.vector_store %arg13[%swap3A_800, %swap3A_801], %select_n3A {strides = array<i32>} : memref<6x512xf32, #tpu.memory_space<vmem>>, vector<16xf32>,
        %add3A_803 = arith.constant 128 : i32
        %add3A_804 = arith.addi %add3A_803, %scan3A_544 : i32
        %sub3A_805 = arith.constant 15 : i32
        %sub3A_806 = arith.subi %add3A_804, %sub3A_805 : i32
        %swap3A_807 = arith.constant 1 : i32
        %swap3A_808 = arith.index_cast %swap3A_807 : i32 to index
        %swap3A_809 = arith.index_cast %sub3A_806 : i32 to index
        %swap3A_810 = tpu.vector_load %arg13[%swap3A_808, %swap3A_809] {strides = array<i32>} : memref<6x512xf32, #tpu.memory_space<vmem>>, vector<16xf32>,
        tpu.vector_store %arg13[%swap3A_808, %swap3A_809], %select_n3A_627 {strides = array<i32>} : memref<6x512xf32, #tpu.memory_space<vmem>>, vector<16xf32>,
        %add3A_811 = arith.constant 128 : i32
        %add3A_812 = arith.addi %add3A_811, %scan3A_544 : i32
        %sub3A_813 = arith.constant 15 : i32
        %sub3A_814 = arith.subi %add3A_812, %sub3A_813 : i32
        %swap3A_815 = arith.constant 2 : i32
        %swap3A_816 = arith.index_cast %swap3A_815 : i32 to index
        %swap3A_817 = arith.index_cast %sub3A_814 : i32 to index
        %swap3A_818 = tpu.vector_load %arg13[%swap3A_816, %swap3A_817] {strides = array<i32>} : memref<6x512xf32, #tpu.memory_space<vmem>>, vector<16xf32>,
        tpu.vector_store %arg13[%swap3A_816, %swap3A_817], %select_n3A_668 {strides = array<i32>} : memref<6x512xf32, #tpu.memory_space<vmem>>, vector<16xf32>,
        %add3A_819 = arith.constant 128 : i32
        %add3A_820 = arith.addi %add3A_819, %scan3A_544 : i32
        %sub3A_821 = arith.constant 15 : i32
        %sub3A_822 = arith.subi %add3A_820, %sub3A_821 : i32
        %swap3A_823 = arith.constant 3 : i32
        %swap3A_824 = arith.index_cast %swap3A_823 : i32 to index
        %swap3A_825 = arith.index_cast %sub3A_822 : i32 to index
        %swap3A_826 = tpu.vector_load %arg13[%swap3A_824, %swap3A_825] {strides = array<i32>} : memref<6x512xf32, #tpu.memory_space<vmem>>, vector<16xf32>,
        tpu.vector_store %arg13[%swap3A_824, %swap3A_825], %select_n3A_709 {strides = array<i32>} : memref<6x512xf32, #tpu.memory_space<vmem>>, vector<16xf32>,
        %add3A_827 = arith.constant 128 : i32
        %add3A_828 = arith.addi %add3A_827, %scan3A_544 : i32
        %sub3A_829 = arith.constant 15 : i32
        %sub3A_830 = arith.subi %add3A_828, %sub3A_829 : i32
        %swap3A_831 = arith.constant 4 : i32
        %swap3A_832 = arith.index_cast %swap3A_831 : i32 to index
        %swap3A_833 = arith.index_cast %sub3A_830 : i32 to index
        %swap3A_834 = tpu.vector_load %arg13[%swap3A_832, %swap3A_833] {strides = array<i32>} : memref<6x512xf32, #tpu.memory_space<vmem>>, vector<16xf32>,
        tpu.vector_store %arg13[%swap3A_832, %swap3A_833], %select_n3A_750 {strides = array<i32>} : memref<6x512xf32, #tpu.memory_space<vmem>>, vector<16xf32>,
        %add3A_835 = arith.constant 128 : i32
        %add3A_836 = arith.addi %add3A_835, %scan3A_544 : i32
        %sub3A_837 = arith.constant 15 : i32
        %sub3A_838 = arith.subi %add3A_836, %sub3A_837 : i32
        %swap3A_839 = arith.constant 5 : i32
        %swap3A_840 = arith.index_cast %swap3A_839 : i32 to index
        %swap3A_841 = arith.index_cast %sub3A_838 : i32 to index
        %swap3A_842 = tpu.vector_load %arg13[%swap3A_840, %swap3A_841] {strides = array<i32>} : memref<6x512xf32, #tpu.memory_space<vmem>>, vector<16xf32>,
        tpu.vector_store %arg13[%swap3A_840, %swap3A_841], %select_n3A_791 {strides = array<i32>} : memref<6x512xf32, #tpu.memory_space<vmem>>, vector<16xf32>,
      } else {
      }
      scf.yield %select_n3A, %select_n3A_627, %select_n3A_668, %select_n3A_709, %select_n3A_750, %select_n3A_791 : vector<16xf32>, vector<16xf32>, vector<16xf32>, vector<16xf32>, vector<16xf32>, vector<16xf32>
    }
    %scan3A_269 = arith.constant 128 : i32
    %dma_start3A_270 = arith.constant 2 : i32
    %dma_start3A_271 = arith.constant 0 : i32
    %dma_start3A_272 = tpu.memref_slice %arg7[%dma_start3A_270, %dma_start3A_271] : memref<4x128xi32, #tpu.memory_space<vmem>> -> memref<1x128xi32, #tpu.memory_space<vmem>>
    %dma_start3A_273 = tpu.memref_squeeze %dma_start3A_272 : memref<1x128xi32, #tpu.memory_space<vmem>> -> memref<128xi32, #tpu.memory_space<vmem>>
    %dma_start3A_274 = arith.constant 0 : i32
    %dma_start3A_275 = arith.constant 0 : i32
    %dma_start3A_276 = tpu.memref_slice %arg5[%dma_start3A_274, %dma_start3A_275] : memref<1000000x128xf32, #tpu.memory_space<hbm>> -> memref<1000000x128xf32, #tpu.memory_space<hbm>>
    tpu.enqueue_indirect_dma source(%dma_start3A_276 : memref<1000000x128xf32, #tpu.memory_space<hbm>>) target(%arg10 : memref<128x128xf32, #tpu.memory_space<vmem>>) offsets(%dma_start3A_273 : memref<128xi32, #tpu.memory_space<vmem>>) semaphore(%arg14 : memref<!tpu.dma_semaphore, #tpu.memory_space<semaphore_mem>>)
    %dma_start3A_277 = arith.constant 2 : i32
    %dma_start3A_278 = arith.constant 0 : i32
    %dma_start3A_279 = tpu.memref_slice %arg8[%dma_start3A_277, %dma_start3A_278] : memref<4x128xi32, #tpu.memory_space<vmem>> -> memref<1x128xi32, #tpu.memory_space<vmem>>
    %dma_start3A_280 = tpu.memref_squeeze %dma_start3A_279 : memref<1x128xi32, #tpu.memory_space<vmem>> -> memref<128xi32, #tpu.memory_space<vmem>>
    %dma_start3A_281 = arith.constant 0 : i32
    %dma_start3A_282 = arith.constant 0 : i32
    %dma_start3A_283 = tpu.memref_slice %arg5[%dma_start3A_281, %dma_start3A_282] : memref<1000000x128xf32, #tpu.memory_space<hbm>> -> memref<1000000x128xf32, #tpu.memory_space<hbm>>
    tpu.enqueue_indirect_dma source(%dma_start3A_283 : memref<1000000x128xf32, #tpu.memory_space<hbm>>) target(%arg11 : memref<128x128xf32, #tpu.memory_space<vmem>>) offsets(%dma_start3A_280 : memref<128xi32, #tpu.memory_space<vmem>>) semaphore(%arg14 : memref<!tpu.dma_semaphore, #tpu.memory_space<semaphore_mem>>)
    %dma_start3A_284 = arith.constant 10 : i32
    %dma_start3A_285 = arith.constant 0 : i32
    %dma_start3A_286 = arith.constant 0 : i32
    %dma_start3A_287 = tpu.memref_slice %arg12[%dma_start3A_285, %dma_start3A_286] : memref<640x128xf32, #tpu.memory_space<vmem>> -> memref<128x128xf32, #tpu.memory_space<vmem>>
    %dma_start3A_288 = arith.constant 0 : i32
    %dma_start3A_289 = tpu.memref_slice %arg9[%dma_start3A_284, %dma_start3A_288] : memref<20x128xi32, #tpu.memory_space<vmem>> -> memref<1x128xi32, #tpu.memory_space<vmem>>
    %dma_start3A_290 = tpu.memref_squeeze %dma_start3A_289 : memref<1x128xi32, #tpu.memory_space<vmem>> -> memref<128xi32, #tpu.memory_space<vmem>>
    %dma_start3A_291 = arith.constant 0 : i32
    %dma_start3A_292 = arith.constant 0 : i32
    %dma_start3A_293 = tpu.memref_slice %arg5[%dma_start3A_291, %dma_start3A_292] : memref<1000000x128xf32, #tpu.memory_space<hbm>> -> memref<1000000x128xf32, #tpu.memory_space<hbm>>
    tpu.enqueue_indirect_dma source(%dma_start3A_293 : memref<1000000x128xf32, #tpu.memory_space<hbm>>) target(%dma_start3A_287 : memref<128x128xf32, #tpu.memory_space<vmem>>) offsets(%dma_start3A_290 : memref<128xi32, #tpu.memory_space<vmem>>) semaphore(%arg14 : memref<!tpu.dma_semaphore, #tpu.memory_space<semaphore_mem>>)
    %dma_start3A_294 = arith.constant 11 : i32
    %dma_start3A_295 = arith.constant 128 : i32
    %dma_start3A_296 = arith.constant 0 : i32
    %dma_start3A_297 = tpu.memref_slice %arg12[%dma_start3A_295, %dma_start3A_296] : memref<640x128xf32, #tpu.memory_space<vmem>> -> memref<128x128xf32, #tpu.memory_space<vmem>>
    %dma_start3A_298 = arith.constant 0 : i32
    %dma_start3A_299 = tpu.memref_slice %arg9[%dma_start3A_294, %dma_start3A_298] : memref<20x128xi32, #tpu.memory_space<vmem>> -> memref<1x128xi32, #tpu.memory_space<vmem>>
    %dma_start3A_300 = tpu.memref_squeeze %dma_start3A_299 : memref<1x128xi32, #tpu.memory_space<vmem>> -> memref<128xi32, #tpu.memory_space<vmem>>
    %dma_start3A_301 = arith.constant 0 : i32
    %dma_start3A_302 = arith.constant 0 : i32
    %dma_start3A_303 = tpu.memref_slice %arg5[%dma_start3A_301, %dma_start3A_302] : memref<1000000x128xf32, #tpu.memory_space<hbm>> -> memref<1000000x128xf32, #tpu.memory_space<hbm>>
    tpu.enqueue_indirect_dma source(%dma_start3A_303 : memref<1000000x128xf32, #tpu.memory_space<hbm>>) target(%dma_start3A_297 : memref<128x128xf32, #tpu.memory_space<vmem>>) offsets(%dma_start3A_300 : memref<128xi32, #tpu.memory_space<vmem>>) semaphore(%arg14 : memref<!tpu.dma_semaphore, #tpu.memory_space<semaphore_mem>>)
    %dma_start3A_304 = arith.constant 12 : i32
    %dma_start3A_305 = arith.constant 256 : i32
    %dma_start3A_306 = arith.constant 0 : i32
    %dma_start3A_307 = tpu.memref_slice %arg12[%dma_start3A_305, %dma_start3A_306] : memref<640x128xf32, #tpu.memory_space<vmem>> -> memref<128x128xf32, #tpu.memory_space<vmem>>
    %dma_start3A_308 = arith.constant 0 : i32
    %dma_start3A_309 = tpu.memref_slice %arg9[%dma_start3A_304, %dma_start3A_308] : memref<20x128xi32, #tpu.memory_space<vmem>> -> memref<1x128xi32, #tpu.memory_space<vmem>>
    %dma_start3A_310 = tpu.memref_squeeze %dma_start3A_309 : memref<1x128xi32, #tpu.memory_space<vmem>> -> memref<128xi32, #tpu.memory_space<vmem>>
    %dma_start3A_311 = arith.constant 0 : i32
    %dma_start3A_312 = arith.constant 0 : i32
    %dma_start3A_313 = tpu.memref_slice %arg5[%dma_start3A_311, %dma_start3A_312] : memref<1000000x128xf32, #tpu.memory_space<hbm>> -> memref<1000000x128xf32, #tpu.memory_space<hbm>>
    tpu.enqueue_indirect_dma source(%dma_start3A_313 : memref<1000000x128xf32, #tpu.memory_space<hbm>>) target(%dma_start3A_307 : memref<128x128xf32, #tpu.memory_space<vmem>>) offsets(%dma_start3A_310 : memref<128xi32, #tpu.memory_space<vmem>>) semaphore(%arg14 : memref<!tpu.dma_semaphore, #tpu.memory_space<semaphore_mem>>)
    %dma_start3A_314 = arith.constant 13 : i32
    %dma_start3A_315 = arith.constant 384 : i32
    %dma_start3A_316 = arith.constant 0 : i32
    %dma_start3A_317 = tpu.memref_slice %arg12[%dma_start3A_315, %dma_start3A_316] : memref<640x128xf32, #tpu.memory_space<vmem>> -> memref<128x128xf32, #tpu.memory_space<vmem>>
    %dma_start3A_318 = arith.constant 0 : i32
    %dma_start3A_319 = tpu.memref_slice %arg9[%dma_start3A_314, %dma_start3A_318] : memref<20x128xi32, #tpu.memory_space<vmem>> -> memref<1x128xi32, #tpu.memory_space<vmem>>
    %dma_start3A_320 = tpu.memref_squeeze %dma_start3A_319 : memref<1x128xi32, #tpu.memory_space<vmem>> -> memref<128xi32, #tpu.memory_space<vmem>>
    %dma_start3A_321 = arith.constant 0 : i32
    %dma_start3A_322 = arith.constant 0 : i32
    %dma_start3A_323 = tpu.memref_slice %arg5[%dma_start3A_321, %dma_start3A_322] : memref<1000000x128xf32, #tpu.memory_space<hbm>> -> memref<1000000x128xf32, #tpu.memory_space<hbm>>
    tpu.enqueue_indirect_dma source(%dma_start3A_323 : memref<1000000x128xf32, #tpu.memory_space<hbm>>) target(%dma_start3A_317 : memref<128x128xf32, #tpu.memory_space<vmem>>) offsets(%dma_start3A_320 : memref<128xi32, #tpu.memory_space<vmem>>) semaphore(%arg14 : memref<!tpu.dma_semaphore, #tpu.memory_space<semaphore_mem>>)
    %dma_start3A_324 = arith.constant 14 : i32
    %dma_start3A_325 = arith.constant 512 : i32
    %dma_start3A_326 = arith.constant 0 : i32
    %dma_start3A_327 = tpu.memref_slice %arg12[%dma_start3A_325, %dma_start3A_326] : memref<640x128xf32, #tpu.memory_space<vmem>> -> memref<128x128xf32, #tpu.memory_space<vmem>>
    %dma_start3A_328 = arith.constant 0 : i32
    %dma_start3A_329 = tpu.memref_slice %arg9[%dma_start3A_324, %dma_start3A_328] : memref<20x128xi32, #tpu.memory_space<vmem>> -> memref<1x128xi32, #tpu.memory_space<vmem>>
    %dma_start3A_330 = tpu.memref_squeeze %dma_start3A_329 : memref<1x128xi32, #tpu.memory_space<vmem>> -> memref<128xi32, #tpu.memory_space<vmem>>
    %dma_start3A_331 = arith.constant 0 : i32
    %dma_start3A_332 = arith.constant 0 : i32
    %dma_start3A_333 = tpu.memref_slice %arg5[%dma_start3A_331, %dma_start3A_332] : memref<1000000x128xf32, #tpu.memory_space<hbm>> -> memref<1000000x128xf32, #tpu.memory_space<hbm>>
    tpu.enqueue_indirect_dma source(%dma_start3A_333 : memref<1000000x128xf32, #tpu.memory_space<hbm>>) target(%dma_start3A_327 : memref<128x128xf32, #tpu.memory_space<vmem>>) offsets(%dma_start3A_330 : memref<128xi32, #tpu.memory_space<vmem>>) semaphore(%arg14 : memref<!tpu.dma_semaphore, #tpu.memory_space<semaphore_mem>>)
    %dma_wait3A_334 = arith.constant 2 : i32
    %dma_wait3A_335 = arith.constant 0 : i32
    %dma_wait3A_336 = tpu.memref_slice %arg7[%dma_wait3A_334, %dma_wait3A_335] : memref<4x128xi32, #tpu.memory_space<vmem>> -> memref<1x128xi32, #tpu.memory_space<vmem>>
    %dma_wait3A_337 = tpu.memref_squeeze %dma_wait3A_336 : memref<1x128xi32, #tpu.memory_space<vmem>> -> memref<128xi32, #tpu.memory_space<vmem>>
    %dma_wait3A_338 = arith.constant 0 : i32
    %dma_wait3A_339 = arith.constant 0 : i32
    %dma_wait3A_340 = tpu.memref_slice %arg5[%dma_wait3A_338, %dma_wait3A_339] : memref<1000000x128xf32, #tpu.memory_space<hbm>> -> memref<1000000x128xf32, #tpu.memory_space<hbm>>
    tpu.wait_indirect_dma semaphore(%arg14 : memref<!tpu.dma_semaphore, #tpu.memory_space<semaphore_mem>>) src(%dma_wait3A_340 : memref<1000000x128xf32, #tpu.memory_space<hbm>>) dst(%arg10 : memref<128x128xf32, #tpu.memory_space<vmem>>)
    %dma_wait3A_341 = arith.constant 2 : i32
    %dma_wait3A_342 = arith.constant 0 : i32
    %dma_wait3A_343 = tpu.memref_slice %arg8[%dma_wait3A_341, %dma_wait3A_342] : memref<4x128xi32, #tpu.memory_space<vmem>> -> memref<1x128xi32, #tpu.memory_space<vmem>>
    %dma_wait3A_344 = tpu.memref_squeeze %dma_wait3A_343 : memref<1x128xi32, #tpu.memory_space<vmem>> -> memref<128xi32, #tpu.memory_space<vmem>>
    %dma_wait3A_345 = arith.constant 0 : i32
    %dma_wait3A_346 = arith.constant 0 : i32
    %dma_wait3A_347 = tpu.memref_slice %arg5[%dma_wait3A_345, %dma_wait3A_346] : memref<1000000x128xf32, #tpu.memory_space<hbm>> -> memref<1000000x128xf32, #tpu.memory_space<hbm>>
    tpu.wait_indirect_dma semaphore(%arg14 : memref<!tpu.dma_semaphore, #tpu.memory_space<semaphore_mem>>) src(%dma_wait3A_347 : memref<1000000x128xf32, #tpu.memory_space<hbm>>) dst(%arg11 : memref<128x128xf32, #tpu.memory_space<vmem>>)
    %dma_wait3A_348 = arith.constant 10 : i32
    %dma_wait3A_349 = arith.constant 0 : i32
    %dma_wait3A_350 = arith.constant 0 : i32
    %dma_wait3A_351 = tpu.memref_slice %arg12[%dma_wait3A_349, %dma_wait3A_350] : memref<640x128xf32, #tpu.memory_space<vmem>> -> memref<128x128xf32, #tpu.memory_space<vmem>>
    %dma_wait3A_352 = arith.constant 0 : i32
    %dma_wait3A_353 = tpu.memref_slice %arg9[%dma_wait3A_348, %dma_wait3A_352] : memref<20x128xi32, #tpu.memory_space<vmem>> -> memref<1x128xi32, #tpu.memory_space<vmem>>
    %dma_wait3A_354 = tpu.memref_squeeze %dma_wait3A_353 : memref<1x128xi32, #tpu.memory_space<vmem>> -> memref<128xi32, #tpu.memory_space<vmem>>
    %dma_wait3A_355 = arith.constant 0 : i32
    %dma_wait3A_356 = arith.constant 0 : i32
    %dma_wait3A_357 = tpu.memref_slice %arg5[%dma_wait3A_355, %dma_wait3A_356] : memref<1000000x128xf32, #tpu.memory_space<hbm>> -> memref<1000000x128xf32, #tpu.memory_space<hbm>>
    tpu.wait_indirect_dma semaphore(%arg14 : memref<!tpu.dma_semaphore, #tpu.memory_space<semaphore_mem>>) src(%dma_wait3A_357 : memref<1000000x128xf32, #tpu.memory_space<hbm>>) dst(%dma_wait3A_351 : memref<128x128xf32, #tpu.memory_space<vmem>>)
    %dma_wait3A_358 = arith.constant 11 : i32
    %dma_wait3A_359 = arith.constant 128 : i32
    %dma_wait3A_360 = arith.constant 0 : i32
    %dma_wait3A_361 = tpu.memref_slice %arg12[%dma_wait3A_359, %dma_wait3A_360] : memref<640x128xf32, #tpu.memory_space<vmem>> -> memref<128x128xf32, #tpu.memory_space<vmem>>
    %dma_wait3A_362 = arith.constant 0 : i32
    %dma_wait3A_363 = tpu.memref_slice %arg9[%dma_wait3A_358, %dma_wait3A_362] : memref<20x128xi32, #tpu.memory_space<vmem>> -> memref<1x128xi32, #tpu.memory_space<vmem>>
    %dma_wait3A_364 = tpu.memref_squeeze %dma_wait3A_363 : memref<1x128xi32, #tpu.memory_space<vmem>> -> memref<128xi32, #tpu.memory_space<vmem>>
    %dma_wait3A_365 = arith.constant 0 : i32
    %dma_wait3A_366 = arith.constant 0 : i32
    %dma_wait3A_367 = tpu.memref_slice %arg5[%dma_wait3A_365, %dma_wait3A_366] : memref<1000000x128xf32, #tpu.memory_space<hbm>> -> memref<1000000x128xf32, #tpu.memory_space<hbm>>
    tpu.wait_indirect_dma semaphore(%arg14 : memref<!tpu.dma_semaphore, #tpu.memory_space<semaphore_mem>>) src(%dma_wait3A_367 : memref<1000000x128xf32, #tpu.memory_space<hbm>>) dst(%dma_wait3A_361 : memref<128x128xf32, #tpu.memory_space<vmem>>)
    %dma_wait3A_368 = arith.constant 12 : i32
    %dma_wait3A_369 = arith.constant 256 : i32
    %dma_wait3A_370 = arith.constant 0 : i32
    %dma_wait3A_371 = tpu.memref_slice %arg12[%dma_wait3A_369, %dma_wait3A_370] : memref<640x128xf32, #tpu.memory_space<vmem>> -> memref<128x128xf32, #tpu.memory_space<vmem>>
    %dma_wait3A_372 = arith.constant 0 : i32
    %dma_wait3A_373 = tpu.memref_slice %arg9[%dma_wait3A_368, %dma_wait3A_372] : memref<20x128xi32, #tpu.memory_space<vmem>> -> memref<1x128xi32, #tpu.memory_space<vmem>>
    %dma_wait3A_374 = tpu.memref_squeeze %dma_wait3A_373 : memref<1x128xi32, #tpu.memory_space<vmem>> -> memref<128xi32, #tpu.memory_space<vmem>>
    %dma_wait3A_375 = arith.constant 0 : i32
    %dma_wait3A_376 = arith.constant 0 : i32
    %dma_wait3A_377 = tpu.memref_slice %arg5[%dma_wait3A_375, %dma_wait3A_376] : memref<1000000x128xf32, #tpu.memory_space<hbm>> -> memref<1000000x128xf32, #tpu.memory_space<hbm>>
    tpu.wait_indirect_dma semaphore(%arg14 : memref<!tpu.dma_semaphore, #tpu.memory_space<semaphore_mem>>) src(%dma_wait3A_377 : memref<1000000x128xf32, #tpu.memory_space<hbm>>) dst(%dma_wait3A_371 : memref<128x128xf32, #tpu.memory_space<vmem>>)
    %dma_wait3A_378 = arith.constant 13 : i32
    %dma_wait3A_379 = arith.constant 384 : i32
    %dma_wait3A_380 = arith.constant 0 : i32
    %dma_wait3A_381 = tpu.memref_slice %arg12[%dma_wait3A_379, %dma_wait3A_380] : memref<640x128xf32, #tpu.memory_space<vmem>> -> memref<128x128xf32, #tpu.memory_space<vmem>>
    %dma_wait3A_382 = arith.constant 0 : i32
    %dma_wait3A_383 = tpu.memref_slice %arg9[%dma_wait3A_378, %dma_wait3A_382] : memref<20x128xi32, #tpu.memory_space<vmem>> -> memref<1x128xi32, #tpu.memory_space<vmem>>
    %dma_wait3A_384 = tpu.memref_squeeze %dma_wait3A_383 : memref<1x128xi32, #tpu.memory_space<vmem>> -> memref<128xi32, #tpu.memory_space<vmem>>
    %dma_wait3A_385 = arith.constant 0 : i32
    %dma_wait3A_386 = arith.constant 0 : i32
    %dma_wait3A_387 = tpu.memref_slice %arg5[%dma_wait3A_385, %dma_wait3A_386] : memref<1000000x128xf32, #tpu.memory_space<hbm>> -> memref<1000000x128xf32, #tpu.memory_space<hbm>>
    tpu.wait_indirect_dma semaphore(%arg14 : memref<!tpu.dma_semaphore, #tpu.memory_space<semaphore_mem>>) src(%dma_wait3A_387 : memref<1000000x128xf32, #tpu.memory_space<hbm>>) dst(%dma_wait3A_381 : memref<128x128xf32, #tpu.memory_space<vmem>>)
    %dma_wait3A_388 = arith.constant 14 : i32
    %dma_wait3A_389 = arith.constant 512 : i32
    %dma_wait3A_390 = arith.constant 0 : i32
    %dma_wait3A_391 = tpu.memref_slice %arg12[%dma_wait3A_389, %dma_wait3A_390] : memref<640x128xf32, #tpu.memory_space<vmem>> -> memref<128x128xf32, #tpu.memory_space<vmem>>
    %dma_wait3A_392 = arith.constant 0 : i32
    %dma_wait3A_393 = tpu.memref_slice %arg9[%dma_wait3A_388, %dma_wait3A_392] : memref<20x128xi32, #tpu.memory_space<vmem>> -> memref<1x128xi32, #tpu.memory_space<vmem>>
    %dma_wait3A_394 = tpu.memref_squeeze %dma_wait3A_393 : memref<1x128xi32, #tpu.memory_space<vmem>> -> memref<128xi32, #tpu.memory_space<vmem>>
    %dma_wait3A_395 = arith.constant 0 : i32
    %dma_wait3A_396 = arith.constant 0 : i32
    %dma_wait3A_397 = tpu.memref_slice %arg5[%dma_wait3A_395, %dma_wait3A_396] : memref<1000000x128xf32, #tpu.memory_space<hbm>> -> memref<1000000x128xf32, #tpu.memory_space<hbm>>
    tpu.wait_indirect_dma semaphore(%arg14 : memref<!tpu.dma_semaphore, #tpu.memory_space<semaphore_mem>>) src(%dma_wait3A_397 : memref<1000000x128xf32, #tpu.memory_space<hbm>>) dst(%dma_wait3A_391 : memref<128x128xf32, #tpu.memory_space<vmem>>)
    %iota3A_398 = tpu.iota {dimensions = array<i32: 0>} : vector<16xi32>
    %broadcast_in_dim3A_399 = arith.constant 0.000000e+00 : f32
    %broadcast_in_dim3A_400 = vector.broadcast %broadcast_in_dim3A_399 : f32 to vector<16xf32>
    %scan3A_401 = arith.constant 0 : i32
    %scan3A_402 = arith.constant 128 : i32
    %scan3A_403 = arith.addi %scan3A_401, %scan3A_402 : i32
    %scan3A_404 = arith.constant 1 : i32
    %scan3A_405:6 = scf.for %scan3A_544 = %scan3A_401 to %scan3A_403 step %scan3A_404 iter_args(%scan3A_545 = %broadcast_in_dim3A_400, %scan3A_546 = %broadcast_in_dim3A_400, %scan3A_547 = %broadcast_in_dim3A_400, %scan3A_548 = %broadcast_in_dim3A_400, %scan3A_549 = %broadcast_in_dim3A_400, %scan3A_550 = %broadcast_in_dim3A_400) -> (vector<16xf32>, vector<16xf32>, vector<16xf32>, vector<16xf32>, vector<16xf32>, vector<16xf32>)  : i32 {
      %get3A = arith.index_cast %scan3A_544 : i32 to index
      %get3A_551 = arith.constant 0 : index
      %get3A_552 = tpu.vector_load %arg10[%get3A, %get3A_551] {strides = array<i32>} : memref<128x128xf32, #tpu.memory_space<vmem>>, vector<16xf32>,
      %get3A_553 = arith.index_cast %scan3A_544 : i32 to index
      %get3A_554 = arith.constant 16 : index
      %get3A_555 = tpu.vector_load %arg10[%get3A_553, %get3A_554] {strides = array<i32>} : memref<128x128xf32, #tpu.memory_space<vmem>>, vector<16xf32>,
      %get3A_556 = arith.index_cast %scan3A_544 : i32 to index
      %get3A_557 = arith.constant 32 : index
      %get3A_558 = tpu.vector_load %arg10[%get3A_556, %get3A_557] {strides = array<i32>} : memref<128x128xf32, #tpu.memory_space<vmem>>, vector<16xf32>,
      %get3A_559 = arith.index_cast %scan3A_544 : i32 to index
      %get3A_560 = arith.constant 48 : index
      %get3A_561 = tpu.vector_load %arg10[%get3A_559, %get3A_560] {strides = array<i32>} : memref<128x128xf32, #tpu.memory_space<vmem>>, vector<16xf32>,
      %get3A_562 = arith.index_cast %scan3A_544 : i32 to index
      %get3A_563 = arith.constant 0 : index
      %get3A_564 = tpu.vector_load %arg11[%get3A_562, %get3A_563] {strides = array<i32>} : memref<128x128xf32, #tpu.memory_space<vmem>>, vector<16xf32>,
      %get3A_565 = arith.index_cast %scan3A_544 : i32 to index
      %get3A_566 = arith.constant 16 : index
      %get3A_567 = tpu.vector_load %arg11[%get3A_565, %get3A_566] {strides = array<i32>} : memref<128x128xf32, #tpu.memory_space<vmem>>, vector<16xf32>,
      %get3A_568 = arith.index_cast %scan3A_544 : i32 to index
      %get3A_569 = arith.constant 32 : index
      %get3A_570 = tpu.vector_load %arg11[%get3A_568, %get3A_569] {strides = array<i32>} : memref<128x128xf32, #tpu.memory_space<vmem>>, vector<16xf32>,
      %get3A_571 = arith.index_cast %scan3A_544 : i32 to index
      %get3A_572 = arith.constant 48 : index
      %get3A_573 = tpu.vector_load %arg11[%get3A_571, %get3A_572] {strides = array<i32>} : memref<128x128xf32, #tpu.memory_space<vmem>>, vector<16xf32>,
      %and3A = arith.constant 15 : i32
      %and3A_574 = arith.andi %scan3A_544, %and3A : i32
      %eq3A = vector.broadcast %and3A_574 : i32 to vector<16xi32>
      %eq3A_575 = arith.cmpi eq, %iota3A_398, %eq3A : vector<16xi32>
      %mul3A_576 = arith.mulf %get3A_552, %get3A_564 : vector<16xf32>
      %mul3A_577 = arith.mulf %get3A_555, %get3A_567 : vector<16xf32>
      %add3A_578 = arith.addf %mul3A_576, %mul3A_577 : vector<16xf32>
      %mul3A_579 = arith.mulf %get3A_558, %get3A_570 : vector<16xf32>
      %mul3A_580 = arith.mulf %get3A_561, %get3A_573 : vector<16xf32>
      %add3A_581 = arith.addf %mul3A_579, %mul3A_580 : vector<16xf32>
      %add3A_582 = arith.addf %add3A_578, %add3A_581 : vector<16xf32>
      %reduce_sum3A = arith.constant true
      %reduce_sum3A_583 = vector.broadcast %reduce_sum3A : i1 to vector<16xi1>
      %reduce_sum3A_584 = tpu.scan <sum>, %add3A_582 masked %reduce_sum3A_583 : vector<16xf32>, vector<16xi1> -> vector<16xf32>
      %reduce_sum3A_585 = vector.extract %reduce_sum3A_584[15] : f32 from vector<16xf32>
      %broadcast_in_dim3A_586 = vector.broadcast %reduce_sum3A_585 : f32 to vector<16xf32>
      %select_n3A = arith.select %eq3A_575, %broadcast_in_dim3A_586, %scan3A_545 : vector<16xi1>, vector<16xf32>
      %mul3A_587 = arith.constant 5 : i32
      %mul3A_588 = arith.muli %scan3A_544, %mul3A_587 : i32
      %add3A_589 = arith.constant 0 : i32
      %add3A_590 = arith.addi %mul3A_588, %add3A_589 : i32
      %get3A_591 = arith.index_cast %add3A_590 : i32 to index
      %get3A_592 = arith.constant 0 : index
      %get3A_593 = tpu.vector_load %arg12[%get3A_591, %get3A_592] {strides = array<i32>} : memref<640x128xf32, #tpu.memory_space<vmem>>, vector<16xf32>,
      %mul3A_594 = arith.constant 5 : i32
      %mul3A_595 = arith.muli %scan3A_544, %mul3A_594 : i32
      %add3A_596 = arith.constant 0 : i32
      %add3A_597 = arith.addi %mul3A_595, %add3A_596 : i32
      %get3A_598 = arith.index_cast %add3A_597 : i32 to index
      %get3A_599 = arith.constant 16 : index
      %get3A_600 = tpu.vector_load %arg12[%get3A_598, %get3A_599] {strides = array<i32>} : memref<640x128xf32, #tpu.memory_space<vmem>>, vector<16xf32>,
      %mul3A_601 = arith.constant 5 : i32
      %mul3A_602 = arith.muli %scan3A_544, %mul3A_601 : i32
      %add3A_603 = arith.constant 0 : i32
      %add3A_604 = arith.addi %mul3A_602, %add3A_603 : i32
      %get3A_605 = arith.index_cast %add3A_604 : i32 to index
      %get3A_606 = arith.constant 32 : index
      %get3A_607 = tpu.vector_load %arg12[%get3A_605, %get3A_606] {strides = array<i32>} : memref<640x128xf32, #tpu.memory_space<vmem>>, vector<16xf32>,
      %mul3A_608 = arith.constant 5 : i32
      %mul3A_609 = arith.muli %scan3A_544, %mul3A_608 : i32
      %add3A_610 = arith.constant 0 : i32
      %add3A_611 = arith.addi %mul3A_609, %add3A_610 : i32
      %get3A_612 = arith.index_cast %add3A_611 : i32 to index
      %get3A_613 = arith.constant 48 : index
      %get3A_614 = tpu.vector_load %arg12[%get3A_612, %get3A_613] {strides = array<i32>} : memref<640x128xf32, #tpu.memory_space<vmem>>, vector<16xf32>,
      %mul3A_615 = arith.mulf %get3A_552, %get3A_593 : vector<16xf32>
      %mul3A_616 = arith.mulf %get3A_555, %get3A_600 : vector<16xf32>
      %add3A_617 = arith.addf %mul3A_615, %mul3A_616 : vector<16xf32>
      %mul3A_618 = arith.mulf %get3A_558, %get3A_607 : vector<16xf32>
      %mul3A_619 = arith.mulf %get3A_561, %get3A_614 : vector<16xf32>
      %add3A_620 = arith.addf %mul3A_618, %mul3A_619 : vector<16xf32>
      %add3A_621 = arith.addf %add3A_617, %add3A_620 : vector<16xf32>
      %reduce_sum3A_622 = arith.constant true
      %reduce_sum3A_623 = vector.broadcast %reduce_sum3A_622 : i1 to vector<16xi1>
      %reduce_sum3A_624 = tpu.scan <sum>, %add3A_621 masked %reduce_sum3A_623 : vector<16xf32>, vector<16xi1> -> vector<16xf32>
      %reduce_sum3A_625 = vector.extract %reduce_sum3A_624[15] : f32 from vector<16xf32>
      %broadcast_in_dim3A_626 = vector.broadcast %reduce_sum3A_625 : f32 to vector<16xf32>
      %select_n3A_627 = arith.select %eq3A_575, %broadcast_in_dim3A_626, %scan3A_546 : vector<16xi1>, vector<16xf32>
      %mul3A_628 = arith.constant 5 : i32
      %mul3A_629 = arith.muli %scan3A_544, %mul3A_628 : i32
      %add3A_630 = arith.constant 1 : i32
      %add3A_631 = arith.addi %mul3A_629, %add3A_630 : i32
      %get3A_632 = arith.index_cast %add3A_631 : i32 to index
      %get3A_633 = arith.constant 0 : index
      %get3A_634 = tpu.vector_load %arg12[%get3A_632, %get3A_633] {strides = array<i32>} : memref<640x128xf32, #tpu.memory_space<vmem>>, vector<16xf32>,
      %mul3A_635 = arith.constant 5 : i32
      %mul3A_636 = arith.muli %scan3A_544, %mul3A_635 : i32
      %add3A_637 = arith.constant 1 : i32
      %add3A_638 = arith.addi %mul3A_636, %add3A_637 : i32
      %get3A_639 = arith.index_cast %add3A_638 : i32 to index
      %get3A_640 = arith.constant 16 : index
      %get3A_641 = tpu.vector_load %arg12[%get3A_639, %get3A_640] {strides = array<i32>} : memref<640x128xf32, #tpu.memory_space<vmem>>, vector<16xf32>,
      %mul3A_642 = arith.constant 5 : i32
      %mul3A_643 = arith.muli %scan3A_544, %mul3A_642 : i32
      %add3A_644 = arith.constant 1 : i32
      %add3A_645 = arith.addi %mul3A_643, %add3A_644 : i32
      %get3A_646 = arith.index_cast %add3A_645 : i32 to index
      %get3A_647 = arith.constant 32 : index
      %get3A_648 = tpu.vector_load %arg12[%get3A_646, %get3A_647] {strides = array<i32>} : memref<640x128xf32, #tpu.memory_space<vmem>>, vector<16xf32>,
      %mul3A_649 = arith.constant 5 : i32
      %mul3A_650 = arith.muli %scan3A_544, %mul3A_649 : i32
      %add3A_651 = arith.constant 1 : i32
      %add3A_652 = arith.addi %mul3A_650, %add3A_651 : i32
      %get3A_653 = arith.index_cast %add3A_652 : i32 to index
      %get3A_654 = arith.constant 48 : index
      %get3A_655 = tpu.vector_load %arg12[%get3A_653, %get3A_654] {strides = array<i32>} : memref<640x128xf32, #tpu.memory_space<vmem>>, vector<16xf32>,
      %mul3A_656 = arith.mulf %get3A_552, %get3A_634 : vector<16xf32>
      %mul3A_657 = arith.mulf %get3A_555, %get3A_641 : vector<16xf32>
      %add3A_658 = arith.addf %mul3A_656, %mul3A_657 : vector<16xf32>
      %mul3A_659 = arith.mulf %get3A_558, %get3A_648 : vector<16xf32>
      %mul3A_660 = arith.mulf %get3A_561, %get3A_655 : vector<16xf32>
      %add3A_661 = arith.addf %mul3A_659, %mul3A_660 : vector<16xf32>
      %add3A_662 = arith.addf %add3A_658, %add3A_661 : vector<16xf32>
      %reduce_sum3A_663 = arith.constant true
      %reduce_sum3A_664 = vector.broadcast %reduce_sum3A_663 : i1 to vector<16xi1>
      %reduce_sum3A_665 = tpu.scan <sum>, %add3A_662 masked %reduce_sum3A_664 : vector<16xf32>, vector<16xi1> -> vector<16xf32>
      %reduce_sum3A_666 = vector.extract %reduce_sum3A_665[15] : f32 from vector<16xf32>
      %broadcast_in_dim3A_667 = vector.broadcast %reduce_sum3A_666 : f32 to vector<16xf32>
      %select_n3A_668 = arith.select %eq3A_575, %broadcast_in_dim3A_667, %scan3A_547 : vector<16xi1>, vector<16xf32>
      %mul3A_669 = arith.constant 5 : i32
      %mul3A_670 = arith.muli %scan3A_544, %mul3A_669 : i32
      %add3A_671 = arith.constant 2 : i32
      %add3A_672 = arith.addi %mul3A_670, %add3A_671 : i32
      %get3A_673 = arith.index_cast %add3A_672 : i32 to index
      %get3A_674 = arith.constant 0 : index
      %get3A_675 = tpu.vector_load %arg12[%get3A_673, %get3A_674] {strides = array<i32>} : memref<640x128xf32, #tpu.memory_space<vmem>>, vector<16xf32>,
      %mul3A_676 = arith.constant 5 : i32
      %mul3A_677 = arith.muli %scan3A_544, %mul3A_676 : i32
      %add3A_678 = arith.constant 2 : i32
      %add3A_679 = arith.addi %mul3A_677, %add3A_678 : i32
      %get3A_680 = arith.index_cast %add3A_679 : i32 to index
      %get3A_681 = arith.constant 16 : index
      %get3A_682 = tpu.vector_load %arg12[%get3A_680, %get3A_681] {strides = array<i32>} : memref<640x128xf32, #tpu.memory_space<vmem>>, vector<16xf32>,
      %mul3A_683 = arith.constant 5 : i32
      %mul3A_684 = arith.muli %scan3A_544, %mul3A_683 : i32
      %add3A_685 = arith.constant 2 : i32
      %add3A_686 = arith.addi %mul3A_684, %add3A_685 : i32
      %get3A_687 = arith.index_cast %add3A_686 : i32 to index
      %get3A_688 = arith.constant 32 : index
      %get3A_689 = tpu.vector_load %arg12[%get3A_687, %get3A_688] {strides = array<i32>} : memref<640x128xf32, #tpu.memory_space<vmem>>, vector<16xf32>,
      %mul3A_690 = arith.constant 5 : i32
      %mul3A_691 = arith.muli %scan3A_544, %mul3A_690 : i32
      %add3A_692 = arith.constant 2 : i32
      %add3A_693 = arith.addi %mul3A_691, %add3A_692 : i32
      %get3A_694 = arith.index_cast %add3A_693 : i32 to index
      %get3A_695 = arith.constant 48 : index
      %get3A_696 = tpu.vector_load %arg12[%get3A_694, %get3A_695] {strides = array<i32>} : memref<640x128xf32, #tpu.memory_space<vmem>>, vector<16xf32>,
      %mul3A_697 = arith.mulf %get3A_552, %get3A_675 : vector<16xf32>
      %mul3A_698 = arith.mulf %get3A_555, %get3A_682 : vector<16xf32>
      %add3A_699 = arith.addf %mul3A_697, %mul3A_698 : vector<16xf32>
      %mul3A_700 = arith.mulf %get3A_558, %get3A_689 : vector<16xf32>
      %mul3A_701 = arith.mulf %get3A_561, %get3A_696 : vector<16xf32>
      %add3A_702 = arith.addf %mul3A_700, %mul3A_701 : vector<16xf32>
      %add3A_703 = arith.addf %add3A_699, %add3A_702 : vector<16xf32>
      %reduce_sum3A_704 = arith.constant true
      %reduce_sum3A_705 = vector.broadcast %reduce_sum3A_704 : i1 to vector<16xi1>
      %reduce_sum3A_706 = tpu.scan <sum>, %add3A_703 masked %reduce_sum3A_705 : vector<16xf32>, vector<16xi1> -> vector<16xf32>
      %reduce_sum3A_707 = vector.extract %reduce_sum3A_706[15] : f32 from vector<16xf32>
      %broadcast_in_dim3A_708 = vector.broadcast %reduce_sum3A_707 : f32 to vector<16xf32>
      %select_n3A_709 = arith.select %eq3A_575, %broadcast_in_dim3A_708, %scan3A_548 : vector<16xi1>, vector<16xf32>
      %mul3A_710 = arith.constant 5 : i32
      %mul3A_711 = arith.muli %scan3A_544, %mul3A_710 : i32
      %add3A_712 = arith.constant 3 : i32
      %add3A_713 = arith.addi %mul3A_711, %add3A_712 : i32
      %get3A_714 = arith.index_cast %add3A_713 : i32 to index
      %get3A_715 = arith.constant 0 : index
      %get3A_716 = tpu.vector_load %arg12[%get3A_714, %get3A_715] {strides = array<i32>} : memref<640x128xf32, #tpu.memory_space<vmem>>, vector<16xf32>,
      %mul3A_717 = arith.constant 5 : i32
      %mul3A_718 = arith.muli %scan3A_544, %mul3A_717 : i32
      %add3A_719 = arith.constant 3 : i32
      %add3A_720 = arith.addi %mul3A_718, %add3A_719 : i32
      %get3A_721 = arith.index_cast %add3A_720 : i32 to index
      %get3A_722 = arith.constant 16 : index
      %get3A_723 = tpu.vector_load %arg12[%get3A_721, %get3A_722] {strides = array<i32>} : memref<640x128xf32, #tpu.memory_space<vmem>>, vector<16xf32>,
      %mul3A_724 = arith.constant 5 : i32
      %mul3A_725 = arith.muli %scan3A_544, %mul3A_724 : i32
      %add3A_726 = arith.constant 3 : i32
      %add3A_727 = arith.addi %mul3A_725, %add3A_726 : i32
      %get3A_728 = arith.index_cast %add3A_727 : i32 to index
      %get3A_729 = arith.constant 32 : index
      %get3A_730 = tpu.vector_load %arg12[%get3A_728, %get3A_729] {strides = array<i32>} : memref<640x128xf32, #tpu.memory_space<vmem>>, vector<16xf32>,
      %mul3A_731 = arith.constant 5 : i32
      %mul3A_732 = arith.muli %scan3A_544, %mul3A_731 : i32
      %add3A_733 = arith.constant 3 : i32
      %add3A_734 = arith.addi %mul3A_732, %add3A_733 : i32
      %get3A_735 = arith.index_cast %add3A_734 : i32 to index
      %get3A_736 = arith.constant 48 : index
      %get3A_737 = tpu.vector_load %arg12[%get3A_735, %get3A_736] {strides = array<i32>} : memref<640x128xf32, #tpu.memory_space<vmem>>, vector<16xf32>,
      %mul3A_738 = arith.mulf %get3A_552, %get3A_716 : vector<16xf32>
      %mul3A_739 = arith.mulf %get3A_555, %get3A_723 : vector<16xf32>
      %add3A_740 = arith.addf %mul3A_738, %mul3A_739 : vector<16xf32>
      %mul3A_741 = arith.mulf %get3A_558, %get3A_730 : vector<16xf32>
      %mul3A_742 = arith.mulf %get3A_561, %get3A_737 : vector<16xf32>
      %add3A_743 = arith.addf %mul3A_741, %mul3A_742 : vector<16xf32>
      %add3A_744 = arith.addf %add3A_740, %add3A_743 : vector<16xf32>
      %reduce_sum3A_745 = arith.constant true
      %reduce_sum3A_746 = vector.broadcast %reduce_sum3A_745 : i1 to vector<16xi1>
      %reduce_sum3A_747 = tpu.scan <sum>, %add3A_744 masked %reduce_sum3A_746 : vector<16xf32>, vector<16xi1> -> vector<16xf32>
      %reduce_sum3A_748 = vector.extract %reduce_sum3A_747[15] : f32 from vector<16xf32>
      %broadcast_in_dim3A_749 = vector.broadcast %reduce_sum3A_748 : f32 to vector<16xf32>
      %select_n3A_750 = arith.select %eq3A_575, %broadcast_in_dim3A_749, %scan3A_549 : vector<16xi1>, vector<16xf32>
      %mul3A_751 = arith.constant 5 : i32
      %mul3A_752 = arith.muli %scan3A_544, %mul3A_751 : i32
      %add3A_753 = arith.constant 4 : i32
      %add3A_754 = arith.addi %mul3A_752, %add3A_753 : i32
      %get3A_755 = arith.index_cast %add3A_754 : i32 to index
      %get3A_756 = arith.constant 0 : index
      %get3A_757 = tpu.vector_load %arg12[%get3A_755, %get3A_756] {strides = array<i32>} : memref<640x128xf32, #tpu.memory_space<vmem>>, vector<16xf32>,
      %mul3A_758 = arith.constant 5 : i32
      %mul3A_759 = arith.muli %scan3A_544, %mul3A_758 : i32
      %add3A_760 = arith.constant 4 : i32
      %add3A_761 = arith.addi %mul3A_759, %add3A_760 : i32
      %get3A_762 = arith.index_cast %add3A_761 : i32 to index
      %get3A_763 = arith.constant 16 : index
      %get3A_764 = tpu.vector_load %arg12[%get3A_762, %get3A_763] {strides = array<i32>} : memref<640x128xf32, #tpu.memory_space<vmem>>, vector<16xf32>,
      %mul3A_765 = arith.constant 5 : i32
      %mul3A_766 = arith.muli %scan3A_544, %mul3A_765 : i32
      %add3A_767 = arith.constant 4 : i32
      %add3A_768 = arith.addi %mul3A_766, %add3A_767 : i32
      %get3A_769 = arith.index_cast %add3A_768 : i32 to index
      %get3A_770 = arith.constant 32 : index
      %get3A_771 = tpu.vector_load %arg12[%get3A_769, %get3A_770] {strides = array<i32>} : memref<640x128xf32, #tpu.memory_space<vmem>>, vector<16xf32>,
      %mul3A_772 = arith.constant 5 : i32
      %mul3A_773 = arith.muli %scan3A_544, %mul3A_772 : i32
      %add3A_774 = arith.constant 4 : i32
      %add3A_775 = arith.addi %mul3A_773, %add3A_774 : i32
      %get3A_776 = arith.index_cast %add3A_775 : i32 to index
      %get3A_777 = arith.constant 48 : index
      %get3A_778 = tpu.vector_load %arg12[%get3A_776, %get3A_777] {strides = array<i32>} : memref<640x128xf32, #tpu.memory_space<vmem>>, vector<16xf32>,
      %mul3A_779 = arith.mulf %get3A_552, %get3A_757 : vector<16xf32>
      %mul3A_780 = arith.mulf %get3A_555, %get3A_764 : vector<16xf32>
      %add3A_781 = arith.addf %mul3A_779, %mul3A_780 : vector<16xf32>
      %mul3A_782 = arith.mulf %get3A_558, %get3A_771 : vector<16xf32>
      %mul3A_783 = arith.mulf %get3A_561, %get3A_778 : vector<16xf32>
      %add3A_784 = arith.addf %mul3A_782, %mul3A_783 : vector<16xf32>
      %add3A_785 = arith.addf %add3A_781, %add3A_784 : vector<16xf32>
      %reduce_sum3A_786 = arith.constant true
      %reduce_sum3A_787 = vector.broadcast %reduce_sum3A_786 : i1 to vector<16xi1>
      %reduce_sum3A_788 = tpu.scan <sum>, %add3A_785 masked %reduce_sum3A_787 : vector<16xf32>, vector<16xi1> -> vector<16xf32>
      %reduce_sum3A_789 = vector.extract %reduce_sum3A_788[15] : f32 from vector<16xf32>
      %broadcast_in_dim3A_790 = vector.broadcast %reduce_sum3A_789 : f32 to vector<16xf32>
      %select_n3A_791 = arith.select %eq3A_575, %broadcast_in_dim3A_790, %scan3A_550 : vector<16xi1>, vector<16xf32>
      %and3A_792 = arith.constant 15 : i32
      %and3A_793 = arith.andi %scan3A_544, %and3A_792 : i32
      %eq3A_794 = arith.constant 15 : i32
      %eq3A_795 = arith.cmpi eq, %and3A_793, %eq3A_794 : i32
      %convert_element_type3A = arith.extui %eq3A_795 : i1 to i32
      %cond3A = arith.constant 0 : i32
      %cond3A_796 = arith.cmpi ne, %convert_element_type3A, %cond3A : i32
      scf.if %cond3A_796 {
        %add3A_797 = arith.constant 256 : i32
        %add3A_798 = arith.addi %add3A_797, %scan3A_544 : i32
        %sub3A = arith.constant 15 : i32
        %sub3A_799 = arith.subi %add3A_798, %sub3A : i32
        %swap3A = arith.constant 0 : i32
        %swap3A_800 = arith.index_cast %swap3A : i32 to index
        %swap3A_801 = arith.index_cast %sub3A_799 : i32 to index
        %swap3A_802 = tpu.vector_load %arg13[%swap3A_800, %swap3A_801] {strides = array<i32>} : memref<6x512xf32, #tpu.memory_space<vmem>>, vector<16xf32>,
        tpu.vector_store %arg13[%swap3A_800, %swap3A_801], %select_n3A {strides = array<i32>} : memref<6x512xf32, #tpu.memory_space<vmem>>, vector<16xf32>,
        %add3A_803 = arith.constant 256 : i32
        %add3A_804 = arith.addi %add3A_803, %scan3A_544 : i32
        %sub3A_805 = arith.constant 15 : i32
        %sub3A_806 = arith.subi %add3A_804, %sub3A_805 : i32
        %swap3A_807 = arith.constant 1 : i32
        %swap3A_808 = arith.index_cast %swap3A_807 : i32 to index
        %swap3A_809 = arith.index_cast %sub3A_806 : i32 to index
        %swap3A_810 = tpu.vector_load %arg13[%swap3A_808, %swap3A_809] {strides = array<i32>} : memref<6x512xf32, #tpu.memory_space<vmem>>, vector<16xf32>,
        tpu.vector_store %arg13[%swap3A_808, %swap3A_809], %select_n3A_627 {strides = array<i32>} : memref<6x512xf32, #tpu.memory_space<vmem>>, vector<16xf32>,
        %add3A_811 = arith.constant 256 : i32
        %add3A_812 = arith.addi %add3A_811, %scan3A_544 : i32
        %sub3A_813 = arith.constant 15 : i32
        %sub3A_814 = arith.subi %add3A_812, %sub3A_813 : i32
        %swap3A_815 = arith.constant 2 : i32
        %swap3A_816 = arith.index_cast %swap3A_815 : i32 to index
        %swap3A_817 = arith.index_cast %sub3A_814 : i32 to index
        %swap3A_818 = tpu.vector_load %arg13[%swap3A_816, %swap3A_817] {strides = array<i32>} : memref<6x512xf32, #tpu.memory_space<vmem>>, vector<16xf32>,
        tpu.vector_store %arg13[%swap3A_816, %swap3A_817], %select_n3A_668 {strides = array<i32>} : memref<6x512xf32, #tpu.memory_space<vmem>>, vector<16xf32>,
        %add3A_819 = arith.constant 256 : i32
        %add3A_820 = arith.addi %add3A_819, %scan3A_544 : i32
        %sub3A_821 = arith.constant 15 : i32
        %sub3A_822 = arith.subi %add3A_820, %sub3A_821 : i32
        %swap3A_823 = arith.constant 3 : i32
        %swap3A_824 = arith.index_cast %swap3A_823 : i32 to index
        %swap3A_825 = arith.index_cast %sub3A_822 : i32 to index
        %swap3A_826 = tpu.vector_load %arg13[%swap3A_824, %swap3A_825] {strides = array<i32>} : memref<6x512xf32, #tpu.memory_space<vmem>>, vector<16xf32>,
        tpu.vector_store %arg13[%swap3A_824, %swap3A_825], %select_n3A_709 {strides = array<i32>} : memref<6x512xf32, #tpu.memory_space<vmem>>, vector<16xf32>,
        %add3A_827 = arith.constant 256 : i32
        %add3A_828 = arith.addi %add3A_827, %scan3A_544 : i32
        %sub3A_829 = arith.constant 15 : i32
        %sub3A_830 = arith.subi %add3A_828, %sub3A_829 : i32
        %swap3A_831 = arith.constant 4 : i32
        %swap3A_832 = arith.index_cast %swap3A_831 : i32 to index
        %swap3A_833 = arith.index_cast %sub3A_830 : i32 to index
        %swap3A_834 = tpu.vector_load %arg13[%swap3A_832, %swap3A_833] {strides = array<i32>} : memref<6x512xf32, #tpu.memory_space<vmem>>, vector<16xf32>,
        tpu.vector_store %arg13[%swap3A_832, %swap3A_833], %select_n3A_750 {strides = array<i32>} : memref<6x512xf32, #tpu.memory_space<vmem>>, vector<16xf32>,
        %add3A_835 = arith.constant 256 : i32
        %add3A_836 = arith.addi %add3A_835, %scan3A_544 : i32
        %sub3A_837 = arith.constant 15 : i32
        %sub3A_838 = arith.subi %add3A_836, %sub3A_837 : i32
        %swap3A_839 = arith.constant 5 : i32
        %swap3A_840 = arith.index_cast %swap3A_839 : i32 to index
        %swap3A_841 = arith.index_cast %sub3A_838 : i32 to index
        %swap3A_842 = tpu.vector_load %arg13[%swap3A_840, %swap3A_841] {strides = array<i32>} : memref<6x512xf32, #tpu.memory_space<vmem>>, vector<16xf32>,
        tpu.vector_store %arg13[%swap3A_840, %swap3A_841], %select_n3A_791 {strides = array<i32>} : memref<6x512xf32, #tpu.memory_space<vmem>>, vector<16xf32>,
      } else {
      }
      scf.yield %select_n3A, %select_n3A_627, %select_n3A_668, %select_n3A_709, %select_n3A_750, %select_n3A_791 : vector<16xf32>, vector<16xf32>, vector<16xf32>, vector<16xf32>, vector<16xf32>, vector<16xf32>
    }
    %scan3A_406 = arith.constant 128 : i32
    %dma_start3A_407 = arith.constant 3 : i32
    %dma_start3A_408 = arith.constant 0 : i32
    %dma_start3A_409 = tpu.memref_slice %arg7[%dma_start3A_407, %dma_start3A_408] : memref<4x128xi32, #tpu.memory_space<vmem>> -> memref<1x128xi32, #tpu.memory_space<vmem>>
    %dma_start3A_410 = tpu.memref_squeeze %dma_start3A_409 : memref<1x128xi32, #tpu.memory_space<vmem>> -> memref<128xi32, #tpu.memory_space<vmem>>
    %dma_start3A_411 = arith.constant 0 : i32
    %dma_start3A_412 = arith.constant 0 : i32
    %dma_start3A_413 = tpu.memref_slice %arg5[%dma_start3A_411, %dma_start3A_412] : memref<1000000x128xf32, #tpu.memory_space<hbm>> -> memref<1000000x128xf32, #tpu.memory_space<hbm>>
    tpu.enqueue_indirect_dma source(%dma_start3A_413 : memref<1000000x128xf32, #tpu.memory_space<hbm>>) target(%arg10 : memref<128x128xf32, #tpu.memory_space<vmem>>) offsets(%dma_start3A_410 : memref<128xi32, #tpu.memory_space<vmem>>) semaphore(%arg14 : memref<!tpu.dma_semaphore, #tpu.memory_space<semaphore_mem>>)
    %dma_start3A_414 = arith.constant 3 : i32
    %dma_start3A_415 = arith.constant 0 : i32
    %dma_start3A_416 = tpu.memref_slice %arg8[%dma_start3A_414, %dma_start3A_415] : memref<4x128xi32, #tpu.memory_space<vmem>> -> memref<1x128xi32, #tpu.memory_space<vmem>>
    %dma_start3A_417 = tpu.memref_squeeze %dma_start3A_416 : memref<1x128xi32, #tpu.memory_space<vmem>> -> memref<128xi32, #tpu.memory_space<vmem>>
    %dma_start3A_418 = arith.constant 0 : i32
    %dma_start3A_419 = arith.constant 0 : i32
    %dma_start3A_420 = tpu.memref_slice %arg5[%dma_start3A_418, %dma_start3A_419] : memref<1000000x128xf32, #tpu.memory_space<hbm>> -> memref<1000000x128xf32, #tpu.memory_space<hbm>>
    tpu.enqueue_indirect_dma source(%dma_start3A_420 : memref<1000000x128xf32, #tpu.memory_space<hbm>>) target(%arg11 : memref<128x128xf32, #tpu.memory_space<vmem>>) offsets(%dma_start3A_417 : memref<128xi32, #tpu.memory_space<vmem>>) semaphore(%arg14 : memref<!tpu.dma_semaphore, #tpu.memory_space<semaphore_mem>>)
    %dma_start3A_421 = arith.constant 15 : i32
    %dma_start3A_422 = arith.constant 0 : i32
    %dma_start3A_423 = arith.constant 0 : i32
    %dma_start3A_424 = tpu.memref_slice %arg12[%dma_start3A_422, %dma_start3A_423] : memref<640x128xf32, #tpu.memory_space<vmem>> -> memref<128x128xf32, #tpu.memory_space<vmem>>
    %dma_start3A_425 = arith.constant 0 : i32
    %dma_start3A_426 = tpu.memref_slice %arg9[%dma_start3A_421, %dma_start3A_425] : memref<20x128xi32, #tpu.memory_space<vmem>> -> memref<1x128xi32, #tpu.memory_space<vmem>>
    %dma_start3A_427 = tpu.memref_squeeze %dma_start3A_426 : memref<1x128xi32, #tpu.memory_space<vmem>> -> memref<128xi32, #tpu.memory_space<vmem>>
    %dma_start3A_428 = arith.constant 0 : i32
    %dma_start3A_429 = arith.constant 0 : i32
    %dma_start3A_430 = tpu.memref_slice %arg5[%dma_start3A_428, %dma_start3A_429] : memref<1000000x128xf32, #tpu.memory_space<hbm>> -> memref<1000000x128xf32, #tpu.memory_space<hbm>>
    tpu.enqueue_indirect_dma source(%dma_start3A_430 : memref<1000000x128xf32, #tpu.memory_space<hbm>>) target(%dma_start3A_424 : memref<128x128xf32, #tpu.memory_space<vmem>>) offsets(%dma_start3A_427 : memref<128xi32, #tpu.memory_space<vmem>>) semaphore(%arg14 : memref<!tpu.dma_semaphore, #tpu.memory_space<semaphore_mem>>)
    %dma_start3A_431 = arith.constant 16 : i32
    %dma_start3A_432 = arith.constant 128 : i32
    %dma_start3A_433 = arith.constant 0 : i32
    %dma_start3A_434 = tpu.memref_slice %arg12[%dma_start3A_432, %dma_start3A_433] : memref<640x128xf32, #tpu.memory_space<vmem>> -> memref<128x128xf32, #tpu.memory_space<vmem>>
    %dma_start3A_435 = arith.constant 0 : i32
    %dma_start3A_436 = tpu.memref_slice %arg9[%dma_start3A_431, %dma_start3A_435] : memref<20x128xi32, #tpu.memory_space<vmem>> -> memref<1x128xi32, #tpu.memory_space<vmem>>
    %dma_start3A_437 = tpu.memref_squeeze %dma_start3A_436 : memref<1x128xi32, #tpu.memory_space<vmem>> -> memref<128xi32, #tpu.memory_space<vmem>>
    %dma_start3A_438 = arith.constant 0 : i32
    %dma_start3A_439 = arith.constant 0 : i32
    %dma_start3A_440 = tpu.memref_slice %arg5[%dma_start3A_438, %dma_start3A_439] : memref<1000000x128xf32, #tpu.memory_space<hbm>> -> memref<1000000x128xf32, #tpu.memory_space<hbm>>
    tpu.enqueue_indirect_dma source(%dma_start3A_440 : memref<1000000x128xf32, #tpu.memory_space<hbm>>) target(%dma_start3A_434 : memref<128x128xf32, #tpu.memory_space<vmem>>) offsets(%dma_start3A_437 : memref<128xi32, #tpu.memory_space<vmem>>) semaphore(%arg14 : memref<!tpu.dma_semaphore, #tpu.memory_space<semaphore_mem>>)
    %dma_start3A_441 = arith.constant 17 : i32
    %dma_start3A_442 = arith.constant 256 : i32
    %dma_start3A_443 = arith.constant 0 : i32
    %dma_start3A_444 = tpu.memref_slice %arg12[%dma_start3A_442, %dma_start3A_443] : memref<640x128xf32, #tpu.memory_space<vmem>> -> memref<128x128xf32, #tpu.memory_space<vmem>>
    %dma_start3A_445 = arith.constant 0 : i32
    %dma_start3A_446 = tpu.memref_slice %arg9[%dma_start3A_441, %dma_start3A_445] : memref<20x128xi32, #tpu.memory_space<vmem>> -> memref<1x128xi32, #tpu.memory_space<vmem>>
    %dma_start3A_447 = tpu.memref_squeeze %dma_start3A_446 : memref<1x128xi32, #tpu.memory_space<vmem>> -> memref<128xi32, #tpu.memory_space<vmem>>
    %dma_start3A_448 = arith.constant 0 : i32
    %dma_start3A_449 = arith.constant 0 : i32
    %dma_start3A_450 = tpu.memref_slice %arg5[%dma_start3A_448, %dma_start3A_449] : memref<1000000x128xf32, #tpu.memory_space<hbm>> -> memref<1000000x128xf32, #tpu.memory_space<hbm>>
    tpu.enqueue_indirect_dma source(%dma_start3A_450 : memref<1000000x128xf32, #tpu.memory_space<hbm>>) target(%dma_start3A_444 : memref<128x128xf32, #tpu.memory_space<vmem>>) offsets(%dma_start3A_447 : memref<128xi32, #tpu.memory_space<vmem>>) semaphore(%arg14 : memref<!tpu.dma_semaphore, #tpu.memory_space<semaphore_mem>>)
    %dma_start3A_451 = arith.constant 18 : i32
    %dma_start3A_452 = arith.constant 384 : i32
    %dma_start3A_453 = arith.constant 0 : i32
    %dma_start3A_454 = tpu.memref_slice %arg12[%dma_start3A_452, %dma_start3A_453] : memref<640x128xf32, #tpu.memory_space<vmem>> -> memref<128x128xf32, #tpu.memory_space<vmem>>
    %dma_start3A_455 = arith.constant 0 : i32
    %dma_start3A_456 = tpu.memref_slice %arg9[%dma_start3A_451, %dma_start3A_455] : memref<20x128xi32, #tpu.memory_space<vmem>> -> memref<1x128xi32, #tpu.memory_space<vmem>>
    %dma_start3A_457 = tpu.memref_squeeze %dma_start3A_456 : memref<1x128xi32, #tpu.memory_space<vmem>> -> memref<128xi32, #tpu.memory_space<vmem>>
    %dma_start3A_458 = arith.constant 0 : i32
    %dma_start3A_459 = arith.constant 0 : i32
    %dma_start3A_460 = tpu.memref_slice %arg5[%dma_start3A_458, %dma_start3A_459] : memref<1000000x128xf32, #tpu.memory_space<hbm>> -> memref<1000000x128xf32, #tpu.memory_space<hbm>>
    tpu.enqueue_indirect_dma source(%dma_start3A_460 : memref<1000000x128xf32, #tpu.memory_space<hbm>>) target(%dma_start3A_454 : memref<128x128xf32, #tpu.memory_space<vmem>>) offsets(%dma_start3A_457 : memref<128xi32, #tpu.memory_space<vmem>>) semaphore(%arg14 : memref<!tpu.dma_semaphore, #tpu.memory_space<semaphore_mem>>)
    %dma_start3A_461 = arith.constant 19 : i32
    %dma_start3A_462 = arith.constant 512 : i32
    %dma_start3A_463 = arith.constant 0 : i32
    %dma_start3A_464 = tpu.memref_slice %arg12[%dma_start3A_462, %dma_start3A_463] : memref<640x128xf32, #tpu.memory_space<vmem>> -> memref<128x128xf32, #tpu.memory_space<vmem>>
    %dma_start3A_465 = arith.constant 0 : i32
    %dma_start3A_466 = tpu.memref_slice %arg9[%dma_start3A_461, %dma_start3A_465] : memref<20x128xi32, #tpu.memory_space<vmem>> -> memref<1x128xi32, #tpu.memory_space<vmem>>
    %dma_start3A_467 = tpu.memref_squeeze %dma_start3A_466 : memref<1x128xi32, #tpu.memory_space<vmem>> -> memref<128xi32, #tpu.memory_space<vmem>>
    %dma_start3A_468 = arith.constant 0 : i32
    %dma_start3A_469 = arith.constant 0 : i32
    %dma_start3A_470 = tpu.memref_slice %arg5[%dma_start3A_468, %dma_start3A_469] : memref<1000000x128xf32, #tpu.memory_space<hbm>> -> memref<1000000x128xf32, #tpu.memory_space<hbm>>
    tpu.enqueue_indirect_dma source(%dma_start3A_470 : memref<1000000x128xf32, #tpu.memory_space<hbm>>) target(%dma_start3A_464 : memref<128x128xf32, #tpu.memory_space<vmem>>) offsets(%dma_start3A_467 : memref<128xi32, #tpu.memory_space<vmem>>) semaphore(%arg14 : memref<!tpu.dma_semaphore, #tpu.memory_space<semaphore_mem>>)
    %dma_wait3A_471 = arith.constant 3 : i32
    %dma_wait3A_472 = arith.constant 0 : i32
    %dma_wait3A_473 = tpu.memref_slice %arg7[%dma_wait3A_471, %dma_wait3A_472] : memref<4x128xi32, #tpu.memory_space<vmem>> -> memref<1x128xi32, #tpu.memory_space<vmem>>
    %dma_wait3A_474 = tpu.memref_squeeze %dma_wait3A_473 : memref<1x128xi32, #tpu.memory_space<vmem>> -> memref<128xi32, #tpu.memory_space<vmem>>
    %dma_wait3A_475 = arith.constant 0 : i32
    %dma_wait3A_476 = arith.constant 0 : i32
    %dma_wait3A_477 = tpu.memref_slice %arg5[%dma_wait3A_475, %dma_wait3A_476] : memref<1000000x128xf32, #tpu.memory_space<hbm>> -> memref<1000000x128xf32, #tpu.memory_space<hbm>>
    tpu.wait_indirect_dma semaphore(%arg14 : memref<!tpu.dma_semaphore, #tpu.memory_space<semaphore_mem>>) src(%dma_wait3A_477 : memref<1000000x128xf32, #tpu.memory_space<hbm>>) dst(%arg10 : memref<128x128xf32, #tpu.memory_space<vmem>>)
    %dma_wait3A_478 = arith.constant 3 : i32
    %dma_wait3A_479 = arith.constant 0 : i32
    %dma_wait3A_480 = tpu.memref_slice %arg8[%dma_wait3A_478, %dma_wait3A_479] : memref<4x128xi32, #tpu.memory_space<vmem>> -> memref<1x128xi32, #tpu.memory_space<vmem>>
    %dma_wait3A_481 = tpu.memref_squeeze %dma_wait3A_480 : memref<1x128xi32, #tpu.memory_space<vmem>> -> memref<128xi32, #tpu.memory_space<vmem>>
    %dma_wait3A_482 = arith.constant 0 : i32
    %dma_wait3A_483 = arith.constant 0 : i32
    %dma_wait3A_484 = tpu.memref_slice %arg5[%dma_wait3A_482, %dma_wait3A_483] : memref<1000000x128xf32, #tpu.memory_space<hbm>> -> memref<1000000x128xf32, #tpu.memory_space<hbm>>
    tpu.wait_indirect_dma semaphore(%arg14 : memref<!tpu.dma_semaphore, #tpu.memory_space<semaphore_mem>>) src(%dma_wait3A_484 : memref<1000000x128xf32, #tpu.memory_space<hbm>>) dst(%arg11 : memref<128x128xf32, #tpu.memory_space<vmem>>)
    %dma_wait3A_485 = arith.constant 15 : i32
    %dma_wait3A_486 = arith.constant 0 : i32
    %dma_wait3A_487 = arith.constant 0 : i32
    %dma_wait3A_488 = tpu.memref_slice %arg12[%dma_wait3A_486, %dma_wait3A_487] : memref<640x128xf32, #tpu.memory_space<vmem>> -> memref<128x128xf32, #tpu.memory_space<vmem>>
    %dma_wait3A_489 = arith.constant 0 : i32
    %dma_wait3A_490 = tpu.memref_slice %arg9[%dma_wait3A_485, %dma_wait3A_489] : memref<20x128xi32, #tpu.memory_space<vmem>> -> memref<1x128xi32, #tpu.memory_space<vmem>>
    %dma_wait3A_491 = tpu.memref_squeeze %dma_wait3A_490 : memref<1x128xi32, #tpu.memory_space<vmem>> -> memref<128xi32, #tpu.memory_space<vmem>>
    %dma_wait3A_492 = arith.constant 0 : i32
    %dma_wait3A_493 = arith.constant 0 : i32
    %dma_wait3A_494 = tpu.memref_slice %arg5[%dma_wait3A_492, %dma_wait3A_493] : memref<1000000x128xf32, #tpu.memory_space<hbm>> -> memref<1000000x128xf32, #tpu.memory_space<hbm>>
    tpu.wait_indirect_dma semaphore(%arg14 : memref<!tpu.dma_semaphore, #tpu.memory_space<semaphore_mem>>) src(%dma_wait3A_494 : memref<1000000x128xf32, #tpu.memory_space<hbm>>) dst(%dma_wait3A_488 : memref<128x128xf32, #tpu.memory_space<vmem>>)
    %dma_wait3A_495 = arith.constant 16 : i32
    %dma_wait3A_496 = arith.constant 128 : i32
    %dma_wait3A_497 = arith.constant 0 : i32
    %dma_wait3A_498 = tpu.memref_slice %arg12[%dma_wait3A_496, %dma_wait3A_497] : memref<640x128xf32, #tpu.memory_space<vmem>> -> memref<128x128xf32, #tpu.memory_space<vmem>>
    %dma_wait3A_499 = arith.constant 0 : i32
    %dma_wait3A_500 = tpu.memref_slice %arg9[%dma_wait3A_495, %dma_wait3A_499] : memref<20x128xi32, #tpu.memory_space<vmem>> -> memref<1x128xi32, #tpu.memory_space<vmem>>
    %dma_wait3A_501 = tpu.memref_squeeze %dma_wait3A_500 : memref<1x128xi32, #tpu.memory_space<vmem>> -> memref<128xi32, #tpu.memory_space<vmem>>
    %dma_wait3A_502 = arith.constant 0 : i32
    %dma_wait3A_503 = arith.constant 0 : i32
    %dma_wait3A_504 = tpu.memref_slice %arg5[%dma_wait3A_502, %dma_wait3A_503] : memref<1000000x128xf32, #tpu.memory_space<hbm>> -> memref<1000000x128xf32, #tpu.memory_space<hbm>>
    tpu.wait_indirect_dma semaphore(%arg14 : memref<!tpu.dma_semaphore, #tpu.memory_space<semaphore_mem>>) src(%dma_wait3A_504 : memref<1000000x128xf32, #tpu.memory_space<hbm>>) dst(%dma_wait3A_498 : memref<128x128xf32, #tpu.memory_space<vmem>>)
    %dma_wait3A_505 = arith.constant 17 : i32
    %dma_wait3A_506 = arith.constant 256 : i32
    %dma_wait3A_507 = arith.constant 0 : i32
    %dma_wait3A_508 = tpu.memref_slice %arg12[%dma_wait3A_506, %dma_wait3A_507] : memref<640x128xf32, #tpu.memory_space<vmem>> -> memref<128x128xf32, #tpu.memory_space<vmem>>
    %dma_wait3A_509 = arith.constant 0 : i32
    %dma_wait3A_510 = tpu.memref_slice %arg9[%dma_wait3A_505, %dma_wait3A_509] : memref<20x128xi32, #tpu.memory_space<vmem>> -> memref<1x128xi32, #tpu.memory_space<vmem>>
    %dma_wait3A_511 = tpu.memref_squeeze %dma_wait3A_510 : memref<1x128xi32, #tpu.memory_space<vmem>> -> memref<128xi32, #tpu.memory_space<vmem>>
    %dma_wait3A_512 = arith.constant 0 : i32
    %dma_wait3A_513 = arith.constant 0 : i32
    %dma_wait3A_514 = tpu.memref_slice %arg5[%dma_wait3A_512, %dma_wait3A_513] : memref<1000000x128xf32, #tpu.memory_space<hbm>> -> memref<1000000x128xf32, #tpu.memory_space<hbm>>
    tpu.wait_indirect_dma semaphore(%arg14 : memref<!tpu.dma_semaphore, #tpu.memory_space<semaphore_mem>>) src(%dma_wait3A_514 : memref<1000000x128xf32, #tpu.memory_space<hbm>>) dst(%dma_wait3A_508 : memref<128x128xf32, #tpu.memory_space<vmem>>)
    %dma_wait3A_515 = arith.constant 18 : i32
    %dma_wait3A_516 = arith.constant 384 : i32
    %dma_wait3A_517 = arith.constant 0 : i32
    %dma_wait3A_518 = tpu.memref_slice %arg12[%dma_wait3A_516, %dma_wait3A_517] : memref<640x128xf32, #tpu.memory_space<vmem>> -> memref<128x128xf32, #tpu.memory_space<vmem>>
    %dma_wait3A_519 = arith.constant 0 : i32
    %dma_wait3A_520 = tpu.memref_slice %arg9[%dma_wait3A_515, %dma_wait3A_519] : memref<20x128xi32, #tpu.memory_space<vmem>> -> memref<1x128xi32, #tpu.memory_space<vmem>>
    %dma_wait3A_521 = tpu.memref_squeeze %dma_wait3A_520 : memref<1x128xi32, #tpu.memory_space<vmem>> -> memref<128xi32, #tpu.memory_space<vmem>>
    %dma_wait3A_522 = arith.constant 0 : i32
    %dma_wait3A_523 = arith.constant 0 : i32
    %dma_wait3A_524 = tpu.memref_slice %arg5[%dma_wait3A_522, %dma_wait3A_523] : memref<1000000x128xf32, #tpu.memory_space<hbm>> -> memref<1000000x128xf32, #tpu.memory_space<hbm>>
    tpu.wait_indirect_dma semaphore(%arg14 : memref<!tpu.dma_semaphore, #tpu.memory_space<semaphore_mem>>) src(%dma_wait3A_524 : memref<1000000x128xf32, #tpu.memory_space<hbm>>) dst(%dma_wait3A_518 : memref<128x128xf32, #tpu.memory_space<vmem>>)
    %dma_wait3A_525 = arith.constant 19 : i32
    %dma_wait3A_526 = arith.constant 512 : i32
    %dma_wait3A_527 = arith.constant 0 : i32
    %dma_wait3A_528 = tpu.memref_slice %arg12[%dma_wait3A_526, %dma_wait3A_527] : memref<640x128xf32, #tpu.memory_space<vmem>> -> memref<128x128xf32, #tpu.memory_space<vmem>>
    %dma_wait3A_529 = arith.constant 0 : i32
    %dma_wait3A_530 = tpu.memref_slice %arg9[%dma_wait3A_525, %dma_wait3A_529] : memref<20x128xi32, #tpu.memory_space<vmem>> -> memref<1x128xi32, #tpu.memory_space<vmem>>
    %dma_wait3A_531 = tpu.memref_squeeze %dma_wait3A_530 : memref<1x128xi32, #tpu.memory_space<vmem>> -> memref<128xi32, #tpu.memory_space<vmem>>
    %dma_wait3A_532 = arith.constant 0 : i32
    %dma_wait3A_533 = arith.constant 0 : i32
    %dma_wait3A_534 = tpu.memref_slice %arg5[%dma_wait3A_532, %dma_wait3A_533] : memref<1000000x128xf32, #tpu.memory_space<hbm>> -> memref<1000000x128xf32, #tpu.memory_space<hbm>>
    tpu.wait_indirect_dma semaphore(%arg14 : memref<!tpu.dma_semaphore, #tpu.memory_space<semaphore_mem>>) src(%dma_wait3A_534 : memref<1000000x128xf32, #tpu.memory_space<hbm>>) dst(%dma_wait3A_528 : memref<128x128xf32, #tpu.memory_space<vmem>>)
    %iota3A_535 = tpu.iota {dimensions = array<i32: 0>} : vector<16xi32>
    %broadcast_in_dim3A_536 = arith.constant 0.000000e+00 : f32
    %broadcast_in_dim3A_537 = vector.broadcast %broadcast_in_dim3A_536 : f32 to vector<16xf32>
    %scan3A_538 = arith.constant 0 : i32
    %scan3A_539 = arith.constant 128 : i32
    %scan3A_540 = arith.addi %scan3A_538, %scan3A_539 : i32
    %scan3A_541 = arith.constant 1 : i32
    %scan3A_542:6 = scf.for %scan3A_544 = %scan3A_538 to %scan3A_540 step %scan3A_541 iter_args(%scan3A_545 = %broadcast_in_dim3A_537, %scan3A_546 = %broadcast_in_dim3A_537, %scan3A_547 = %broadcast_in_dim3A_537, %scan3A_548 = %broadcast_in_dim3A_537, %scan3A_549 = %broadcast_in_dim3A_537, %scan3A_550 = %broadcast_in_dim3A_537) -> (vector<16xf32>, vector<16xf32>, vector<16xf32>, vector<16xf32>, vector<16xf32>, vector<16xf32>)  : i32 {
      %get3A = arith.index_cast %scan3A_544 : i32 to index
      %get3A_551 = arith.constant 0 : index
      %get3A_552 = tpu.vector_load %arg10[%get3A, %get3A_551] {strides = array<i32>} : memref<128x128xf32, #tpu.memory_space<vmem>>, vector<16xf32>,
      %get3A_553 = arith.index_cast %scan3A_544 : i32 to index
      %get3A_554 = arith.constant 16 : index
      %get3A_555 = tpu.vector_load %arg10[%get3A_553, %get3A_554] {strides = array<i32>} : memref<128x128xf32, #tpu.memory_space<vmem>>, vector<16xf32>,
      %get3A_556 = arith.index_cast %scan3A_544 : i32 to index
      %get3A_557 = arith.constant 32 : index
      %get3A_558 = tpu.vector_load %arg10[%get3A_556, %get3A_557] {strides = array<i32>} : memref<128x128xf32, #tpu.memory_space<vmem>>, vector<16xf32>,
      %get3A_559 = arith.index_cast %scan3A_544 : i32 to index
      %get3A_560 = arith.constant 48 : index
      %get3A_561 = tpu.vector_load %arg10[%get3A_559, %get3A_560] {strides = array<i32>} : memref<128x128xf32, #tpu.memory_space<vmem>>, vector<16xf32>,
      %get3A_562 = arith.index_cast %scan3A_544 : i32 to index
      %get3A_563 = arith.constant 0 : index
      %get3A_564 = tpu.vector_load %arg11[%get3A_562, %get3A_563] {strides = array<i32>} : memref<128x128xf32, #tpu.memory_space<vmem>>, vector<16xf32>,
      %get3A_565 = arith.index_cast %scan3A_544 : i32 to index
      %get3A_566 = arith.constant 16 : index
      %get3A_567 = tpu.vector_load %arg11[%get3A_565, %get3A_566] {strides = array<i32>} : memref<128x128xf32, #tpu.memory_space<vmem>>, vector<16xf32>,
      %get3A_568 = arith.index_cast %scan3A_544 : i32 to index
      %get3A_569 = arith.constant 32 : index
      %get3A_570 = tpu.vector_load %arg11[%get3A_568, %get3A_569] {strides = array<i32>} : memref<128x128xf32, #tpu.memory_space<vmem>>, vector<16xf32>,
      %get3A_571 = arith.index_cast %scan3A_544 : i32 to index
      %get3A_572 = arith.constant 48 : index
      %get3A_573 = tpu.vector_load %arg11[%get3A_571, %get3A_572] {strides = array<i32>} : memref<128x128xf32, #tpu.memory_space<vmem>>, vector<16xf32>,
      %and3A = arith.constant 15 : i32
      %and3A_574 = arith.andi %scan3A_544, %and3A : i32
      %eq3A = vector.broadcast %and3A_574 : i32 to vector<16xi32>
      %eq3A_575 = arith.cmpi eq, %iota3A_535, %eq3A : vector<16xi32>
      %mul3A_576 = arith.mulf %get3A_552, %get3A_564 : vector<16xf32>
      %mul3A_577 = arith.mulf %get3A_555, %get3A_567 : vector<16xf32>
      %add3A_578 = arith.addf %mul3A_576, %mul3A_577 : vector<16xf32>
      %mul3A_579 = arith.mulf %get3A_558, %get3A_570 : vector<16xf32>
      %mul3A_580 = arith.mulf %get3A_561, %get3A_573 : vector<16xf32>
      %add3A_581 = arith.addf %mul3A_579, %mul3A_580 : vector<16xf32>
      %add3A_582 = arith.addf %add3A_578, %add3A_581 : vector<16xf32>
      %reduce_sum3A = arith.constant true
      %reduce_sum3A_583 = vector.broadcast %reduce_sum3A : i1 to vector<16xi1>
      %reduce_sum3A_584 = tpu.scan <sum>, %add3A_582 masked %reduce_sum3A_583 : vector<16xf32>, vector<16xi1> -> vector<16xf32>
      %reduce_sum3A_585 = vector.extract %reduce_sum3A_584[15] : f32 from vector<16xf32>
      %broadcast_in_dim3A_586 = vector.broadcast %reduce_sum3A_585 : f32 to vector<16xf32>
      %select_n3A = arith.select %eq3A_575, %broadcast_in_dim3A_586, %scan3A_545 : vector<16xi1>, vector<16xf32>
      %mul3A_587 = arith.constant 5 : i32
      %mul3A_588 = arith.muli %scan3A_544, %mul3A_587 : i32
      %add3A_589 = arith.constant 0 : i32
      %add3A_590 = arith.addi %mul3A_588, %add3A_589 : i32
      %get3A_591 = arith.index_cast %add3A_590 : i32 to index
      %get3A_592 = arith.constant 0 : index
      %get3A_593 = tpu.vector_load %arg12[%get3A_591, %get3A_592] {strides = array<i32>} : memref<640x128xf32, #tpu.memory_space<vmem>>, vector<16xf32>,
      %mul3A_594 = arith.constant 5 : i32
      %mul3A_595 = arith.muli %scan3A_544, %mul3A_594 : i32
      %add3A_596 = arith.constant 0 : i32
      %add3A_597 = arith.addi %mul3A_595, %add3A_596 : i32
      %get3A_598 = arith.index_cast %add3A_597 : i32 to index
      %get3A_599 = arith.constant 16 : index
      %get3A_600 = tpu.vector_load %arg12[%get3A_598, %get3A_599] {strides = array<i32>} : memref<640x128xf32, #tpu.memory_space<vmem>>, vector<16xf32>,
      %mul3A_601 = arith.constant 5 : i32
      %mul3A_602 = arith.muli %scan3A_544, %mul3A_601 : i32
      %add3A_603 = arith.constant 0 : i32
      %add3A_604 = arith.addi %mul3A_602, %add3A_603 : i32
      %get3A_605 = arith.index_cast %add3A_604 : i32 to index
      %get3A_606 = arith.constant 32 : index
      %get3A_607 = tpu.vector_load %arg12[%get3A_605, %get3A_606] {strides = array<i32>} : memref<640x128xf32, #tpu.memory_space<vmem>>, vector<16xf32>,
      %mul3A_608 = arith.constant 5 : i32
      %mul3A_609 = arith.muli %scan3A_544, %mul3A_608 : i32
      %add3A_610 = arith.constant 0 : i32
      %add3A_611 = arith.addi %mul3A_609, %add3A_610 : i32
      %get3A_612 = arith.index_cast %add3A_611 : i32 to index
      %get3A_613 = arith.constant 48 : index
      %get3A_614 = tpu.vector_load %arg12[%get3A_612, %get3A_613] {strides = array<i32>} : memref<640x128xf32, #tpu.memory_space<vmem>>, vector<16xf32>,
      %mul3A_615 = arith.mulf %get3A_552, %get3A_593 : vector<16xf32>
      %mul3A_616 = arith.mulf %get3A_555, %get3A_600 : vector<16xf32>
      %add3A_617 = arith.addf %mul3A_615, %mul3A_616 : vector<16xf32>
      %mul3A_618 = arith.mulf %get3A_558, %get3A_607 : vector<16xf32>
      %mul3A_619 = arith.mulf %get3A_561, %get3A_614 : vector<16xf32>
      %add3A_620 = arith.addf %mul3A_618, %mul3A_619 : vector<16xf32>
      %add3A_621 = arith.addf %add3A_617, %add3A_620 : vector<16xf32>
      %reduce_sum3A_622 = arith.constant true
      %reduce_sum3A_623 = vector.broadcast %reduce_sum3A_622 : i1 to vector<16xi1>
      %reduce_sum3A_624 = tpu.scan <sum>, %add3A_621 masked %reduce_sum3A_623 : vector<16xf32>, vector<16xi1> -> vector<16xf32>
      %reduce_sum3A_625 = vector.extract %reduce_sum3A_624[15] : f32 from vector<16xf32>
      %broadcast_in_dim3A_626 = vector.broadcast %reduce_sum3A_625 : f32 to vector<16xf32>
      %select_n3A_627 = arith.select %eq3A_575, %broadcast_in_dim3A_626, %scan3A_546 : vector<16xi1>, vector<16xf32>
      %mul3A_628 = arith.constant 5 : i32
      %mul3A_629 = arith.muli %scan3A_544, %mul3A_628 : i32
      %add3A_630 = arith.constant 1 : i32
      %add3A_631 = arith.addi %mul3A_629, %add3A_630 : i32
      %get3A_632 = arith.index_cast %add3A_631 : i32 to index
      %get3A_633 = arith.constant 0 : index
      %get3A_634 = tpu.vector_load %arg12[%get3A_632, %get3A_633] {strides = array<i32>} : memref<640x128xf32, #tpu.memory_space<vmem>>, vector<16xf32>,
      %mul3A_635 = arith.constant 5 : i32
      %mul3A_636 = arith.muli %scan3A_544, %mul3A_635 : i32
      %add3A_637 = arith.constant 1 : i32
      %add3A_638 = arith.addi %mul3A_636, %add3A_637 : i32
      %get3A_639 = arith.index_cast %add3A_638 : i32 to index
      %get3A_640 = arith.constant 16 : index
      %get3A_641 = tpu.vector_load %arg12[%get3A_639, %get3A_640] {strides = array<i32>} : memref<640x128xf32, #tpu.memory_space<vmem>>, vector<16xf32>,
      %mul3A_642 = arith.constant 5 : i32
      %mul3A_643 = arith.muli %scan3A_544, %mul3A_642 : i32
      %add3A_644 = arith.constant 1 : i32
      %add3A_645 = arith.addi %mul3A_643, %add3A_644 : i32
      %get3A_646 = arith.index_cast %add3A_645 : i32 to index
      %get3A_647 = arith.constant 32 : index
      %get3A_648 = tpu.vector_load %arg12[%get3A_646, %get3A_647] {strides = array<i32>} : memref<640x128xf32, #tpu.memory_space<vmem>>, vector<16xf32>,
      %mul3A_649 = arith.constant 5 : i32
      %mul3A_650 = arith.muli %scan3A_544, %mul3A_649 : i32
      %add3A_651 = arith.constant 1 : i32
      %add3A_652 = arith.addi %mul3A_650, %add3A_651 : i32
      %get3A_653 = arith.index_cast %add3A_652 : i32 to index
      %get3A_654 = arith.constant 48 : index
      %get3A_655 = tpu.vector_load %arg12[%get3A_653, %get3A_654] {strides = array<i32>} : memref<640x128xf32, #tpu.memory_space<vmem>>, vector<16xf32>,
      %mul3A_656 = arith.mulf %get3A_552, %get3A_634 : vector<16xf32>
      %mul3A_657 = arith.mulf %get3A_555, %get3A_641 : vector<16xf32>
      %add3A_658 = arith.addf %mul3A_656, %mul3A_657 : vector<16xf32>
      %mul3A_659 = arith.mulf %get3A_558, %get3A_648 : vector<16xf32>
      %mul3A_660 = arith.mulf %get3A_561, %get3A_655 : vector<16xf32>
      %add3A_661 = arith.addf %mul3A_659, %mul3A_660 : vector<16xf32>
      %add3A_662 = arith.addf %add3A_658, %add3A_661 : vector<16xf32>
      %reduce_sum3A_663 = arith.constant true
      %reduce_sum3A_664 = vector.broadcast %reduce_sum3A_663 : i1 to vector<16xi1>
      %reduce_sum3A_665 = tpu.scan <sum>, %add3A_662 masked %reduce_sum3A_664 : vector<16xf32>, vector<16xi1> -> vector<16xf32>
      %reduce_sum3A_666 = vector.extract %reduce_sum3A_665[15] : f32 from vector<16xf32>
      %broadcast_in_dim3A_667 = vector.broadcast %reduce_sum3A_666 : f32 to vector<16xf32>
      %select_n3A_668 = arith.select %eq3A_575, %broadcast_in_dim3A_667, %scan3A_547 : vector<16xi1>, vector<16xf32>
      %mul3A_669 = arith.constant 5 : i32
      %mul3A_670 = arith.muli %scan3A_544, %mul3A_669 : i32
      %add3A_671 = arith.constant 2 : i32
      %add3A_672 = arith.addi %mul3A_670, %add3A_671 : i32
      %get3A_673 = arith.index_cast %add3A_672 : i32 to index
      %get3A_674 = arith.constant 0 : index
      %get3A_675 = tpu.vector_load %arg12[%get3A_673, %get3A_674] {strides = array<i32>} : memref<640x128xf32, #tpu.memory_space<vmem>>, vector<16xf32>,
      %mul3A_676 = arith.constant 5 : i32
      %mul3A_677 = arith.muli %scan3A_544, %mul3A_676 : i32
      %add3A_678 = arith.constant 2 : i32
      %add3A_679 = arith.addi %mul3A_677, %add3A_678 : i32
      %get3A_680 = arith.index_cast %add3A_679 : i32 to index
      %get3A_681 = arith.constant 16 : index
      %get3A_682 = tpu.vector_load %arg12[%get3A_680, %get3A_681] {strides = array<i32>} : memref<640x128xf32, #tpu.memory_space<vmem>>, vector<16xf32>,
      %mul3A_683 = arith.constant 5 : i32
      %mul3A_684 = arith.muli %scan3A_544, %mul3A_683 : i32
      %add3A_685 = arith.constant 2 : i32
      %add3A_686 = arith.addi %mul3A_684, %add3A_685 : i32
      %get3A_687 = arith.index_cast %add3A_686 : i32 to index
      %get3A_688 = arith.constant 32 : index
      %get3A_689 = tpu.vector_load %arg12[%get3A_687, %get3A_688] {strides = array<i32>} : memref<640x128xf32, #tpu.memory_space<vmem>>, vector<16xf32>,
      %mul3A_690 = arith.constant 5 : i32
      %mul3A_691 = arith.muli %scan3A_544, %mul3A_690 : i32
      %add3A_692 = arith.constant 2 : i32
      %add3A_693 = arith.addi %mul3A_691, %add3A_692 : i32
      %get3A_694 = arith.index_cast %add3A_693 : i32 to index
      %get3A_695 = arith.constant 48 : index
      %get3A_696 = tpu.vector_load %arg12[%get3A_694, %get3A_695] {strides = array<i32>} : memref<640x128xf32, #tpu.memory_space<vmem>>, vector<16xf32>,
      %mul3A_697 = arith.mulf %get3A_552, %get3A_675 : vector<16xf32>
      %mul3A_698 = arith.mulf %get3A_555, %get3A_682 : vector<16xf32>
      %add3A_699 = arith.addf %mul3A_697, %mul3A_698 : vector<16xf32>
      %mul3A_700 = arith.mulf %get3A_558, %get3A_689 : vector<16xf32>
      %mul3A_701 = arith.mulf %get3A_561, %get3A_696 : vector<16xf32>
      %add3A_702 = arith.addf %mul3A_700, %mul3A_701 : vector<16xf32>
      %add3A_703 = arith.addf %add3A_699, %add3A_702 : vector<16xf32>
      %reduce_sum3A_704 = arith.constant true
      %reduce_sum3A_705 = vector.broadcast %reduce_sum3A_704 : i1 to vector<16xi1>
      %reduce_sum3A_706 = tpu.scan <sum>, %add3A_703 masked %reduce_sum3A_705 : vector<16xf32>, vector<16xi1> -> vector<16xf32>
      %reduce_sum3A_707 = vector.extract %reduce_sum3A_706[15] : f32 from vector<16xf32>
      %broadcast_in_dim3A_708 = vector.broadcast %reduce_sum3A_707 : f32 to vector<16xf32>
      %select_n3A_709 = arith.select %eq3A_575, %broadcast_in_dim3A_708, %scan3A_548 : vector<16xi1>, vector<16xf32>
      %mul3A_710 = arith.constant 5 : i32
      %mul3A_711 = arith.muli %scan3A_544, %mul3A_710 : i32
      %add3A_712 = arith.constant 3 : i32
      %add3A_713 = arith.addi %mul3A_711, %add3A_712 : i32
      %get3A_714 = arith.index_cast %add3A_713 : i32 to index
      %get3A_715 = arith.constant 0 : index
      %get3A_716 = tpu.vector_load %arg12[%get3A_714, %get3A_715] {strides = array<i32>} : memref<640x128xf32, #tpu.memory_space<vmem>>, vector<16xf32>,
      %mul3A_717 = arith.constant 5 : i32
      %mul3A_718 = arith.muli %scan3A_544, %mul3A_717 : i32
      %add3A_719 = arith.constant 3 : i32
      %add3A_720 = arith.addi %mul3A_718, %add3A_719 : i32
      %get3A_721 = arith.index_cast %add3A_720 : i32 to index
      %get3A_722 = arith.constant 16 : index
      %get3A_723 = tpu.vector_load %arg12[%get3A_721, %get3A_722] {strides = array<i32>} : memref<640x128xf32, #tpu.memory_space<vmem>>, vector<16xf32>,
      %mul3A_724 = arith.constant 5 : i32
      %mul3A_725 = arith.muli %scan3A_544, %mul3A_724 : i32
      %add3A_726 = arith.constant 3 : i32
      %add3A_727 = arith.addi %mul3A_725, %add3A_726 : i32
      %get3A_728 = arith.index_cast %add3A_727 : i32 to index
      %get3A_729 = arith.constant 32 : index
      %get3A_730 = tpu.vector_load %arg12[%get3A_728, %get3A_729] {strides = array<i32>} : memref<640x128xf32, #tpu.memory_space<vmem>>, vector<16xf32>,
      %mul3A_731 = arith.constant 5 : i32
      %mul3A_732 = arith.muli %scan3A_544, %mul3A_731 : i32
      %add3A_733 = arith.constant 3 : i32
      %add3A_734 = arith.addi %mul3A_732, %add3A_733 : i32
      %get3A_735 = arith.index_cast %add3A_734 : i32 to index
      %get3A_736 = arith.constant 48 : index
      %get3A_737 = tpu.vector_load %arg12[%get3A_735, %get3A_736] {strides = array<i32>} : memref<640x128xf32, #tpu.memory_space<vmem>>, vector<16xf32>,
      %mul3A_738 = arith.mulf %get3A_552, %get3A_716 : vector<16xf32>
      %mul3A_739 = arith.mulf %get3A_555, %get3A_723 : vector<16xf32>
      %add3A_740 = arith.addf %mul3A_738, %mul3A_739 : vector<16xf32>
      %mul3A_741 = arith.mulf %get3A_558, %get3A_730 : vector<16xf32>
      %mul3A_742 = arith.mulf %get3A_561, %get3A_737 : vector<16xf32>
      %add3A_743 = arith.addf %mul3A_741, %mul3A_742 : vector<16xf32>
      %add3A_744 = arith.addf %add3A_740, %add3A_743 : vector<16xf32>
      %reduce_sum3A_745 = arith.constant true
      %reduce_sum3A_746 = vector.broadcast %reduce_sum3A_745 : i1 to vector<16xi1>
      %reduce_sum3A_747 = tpu.scan <sum>, %add3A_744 masked %reduce_sum3A_746 : vector<16xf32>, vector<16xi1> -> vector<16xf32>
      %reduce_sum3A_748 = vector.extract %reduce_sum3A_747[15] : f32 from vector<16xf32>
      %broadcast_in_dim3A_749 = vector.broadcast %reduce_sum3A_748 : f32 to vector<16xf32>
      %select_n3A_750 = arith.select %eq3A_575, %broadcast_in_dim3A_749, %scan3A_549 : vector<16xi1>, vector<16xf32>
      %mul3A_751 = arith.constant 5 : i32
      %mul3A_752 = arith.muli %scan3A_544, %mul3A_751 : i32
      %add3A_753 = arith.constant 4 : i32
      %add3A_754 = arith.addi %mul3A_752, %add3A_753 : i32
      %get3A_755 = arith.index_cast %add3A_754 : i32 to index
      %get3A_756 = arith.constant 0 : index
      %get3A_757 = tpu.vector_load %arg12[%get3A_755, %get3A_756] {strides = array<i32>} : memref<640x128xf32, #tpu.memory_space<vmem>>, vector<16xf32>,
      %mul3A_758 = arith.constant 5 : i32
      %mul3A_759 = arith.muli %scan3A_544, %mul3A_758 : i32
      %add3A_760 = arith.constant 4 : i32
      %add3A_761 = arith.addi %mul3A_759, %add3A_760 : i32
      %get3A_762 = arith.index_cast %add3A_761 : i32 to index
      %get3A_763 = arith.constant 16 : index
      %get3A_764 = tpu.vector_load %arg12[%get3A_762, %get3A_763] {strides = array<i32>} : memref<640x128xf32, #tpu.memory_space<vmem>>, vector<16xf32>,
      %mul3A_765 = arith.constant 5 : i32
      %mul3A_766 = arith.muli %scan3A_544, %mul3A_765 : i32
      %add3A_767 = arith.constant 4 : i32
      %add3A_768 = arith.addi %mul3A_766, %add3A_767 : i32
      %get3A_769 = arith.index_cast %add3A_768 : i32 to index
      %get3A_770 = arith.constant 32 : index
      %get3A_771 = tpu.vector_load %arg12[%get3A_769, %get3A_770] {strides = array<i32>} : memref<640x128xf32, #tpu.memory_space<vmem>>, vector<16xf32>,
      %mul3A_772 = arith.constant 5 : i32
      %mul3A_773 = arith.muli %scan3A_544, %mul3A_772 : i32
      %add3A_774 = arith.constant 4 : i32
      %add3A_775 = arith.addi %mul3A_773, %add3A_774 : i32
      %get3A_776 = arith.index_cast %add3A_775 : i32 to index
      %get3A_777 = arith.constant 48 : index
      %get3A_778 = tpu.vector_load %arg12[%get3A_776, %get3A_777] {strides = array<i32>} : memref<640x128xf32, #tpu.memory_space<vmem>>, vector<16xf32>,
      %mul3A_779 = arith.mulf %get3A_552, %get3A_757 : vector<16xf32>
      %mul3A_780 = arith.mulf %get3A_555, %get3A_764 : vector<16xf32>
      %add3A_781 = arith.addf %mul3A_779, %mul3A_780 : vector<16xf32>
      %mul3A_782 = arith.mulf %get3A_558, %get3A_771 : vector<16xf32>
      %mul3A_783 = arith.mulf %get3A_561, %get3A_778 : vector<16xf32>
      %add3A_784 = arith.addf %mul3A_782, %mul3A_783 : vector<16xf32>
      %add3A_785 = arith.addf %add3A_781, %add3A_784 : vector<16xf32>
      %reduce_sum3A_786 = arith.constant true
      %reduce_sum3A_787 = vector.broadcast %reduce_sum3A_786 : i1 to vector<16xi1>
      %reduce_sum3A_788 = tpu.scan <sum>, %add3A_785 masked %reduce_sum3A_787 : vector<16xf32>, vector<16xi1> -> vector<16xf32>
      %reduce_sum3A_789 = vector.extract %reduce_sum3A_788[15] : f32 from vector<16xf32>
      %broadcast_in_dim3A_790 = vector.broadcast %reduce_sum3A_789 : f32 to vector<16xf32>
      %select_n3A_791 = arith.select %eq3A_575, %broadcast_in_dim3A_790, %scan3A_550 : vector<16xi1>, vector<16xf32>
      %and3A_792 = arith.constant 15 : i32
      %and3A_793 = arith.andi %scan3A_544, %and3A_792 : i32
      %eq3A_794 = arith.constant 15 : i32
      %eq3A_795 = arith.cmpi eq, %and3A_793, %eq3A_794 : i32
      %convert_element_type3A = arith.extui %eq3A_795 : i1 to i32
      %cond3A = arith.constant 0 : i32
      %cond3A_796 = arith.cmpi ne, %convert_element_type3A, %cond3A : i32
      scf.if %cond3A_796 {
        %add3A_797 = arith.constant 384 : i32
        %add3A_798 = arith.addi %add3A_797, %scan3A_544 : i32
        %sub3A = arith.constant 15 : i32
        %sub3A_799 = arith.subi %add3A_798, %sub3A : i32
        %swap3A = arith.constant 0 : i32
        %swap3A_800 = arith.index_cast %swap3A : i32 to index
        %swap3A_801 = arith.index_cast %sub3A_799 : i32 to index
        %swap3A_802 = tpu.vector_load %arg13[%swap3A_800, %swap3A_801] {strides = array<i32>} : memref<6x512xf32, #tpu.memory_space<vmem>>, vector<16xf32>,
        tpu.vector_store %arg13[%swap3A_800, %swap3A_801], %select_n3A {strides = array<i32>} : memref<6x512xf32, #tpu.memory_space<vmem>>, vector<16xf32>,
        %add3A_803 = arith.constant 384 : i32
        %add3A_804 = arith.addi %add3A_803, %scan3A_544 : i32
        %sub3A_805 = arith.constant 15 : i32
        %sub3A_806 = arith.subi %add3A_804, %sub3A_805 : i32
        %swap3A_807 = arith.constant 1 : i32
        %swap3A_808 = arith.index_cast %swap3A_807 : i32 to index
        %swap3A_809 = arith.index_cast %sub3A_806 : i32 to index
        %swap3A_810 = tpu.vector_load %arg13[%swap3A_808, %swap3A_809] {strides = array<i32>} : memref<6x512xf32, #tpu.memory_space<vmem>>, vector<16xf32>,
        tpu.vector_store %arg13[%swap3A_808, %swap3A_809], %select_n3A_627 {strides = array<i32>} : memref<6x512xf32, #tpu.memory_space<vmem>>, vector<16xf32>,
        %add3A_811 = arith.constant 384 : i32
        %add3A_812 = arith.addi %add3A_811, %scan3A_544 : i32
        %sub3A_813 = arith.constant 15 : i32
        %sub3A_814 = arith.subi %add3A_812, %sub3A_813 : i32
        %swap3A_815 = arith.constant 2 : i32
        %swap3A_816 = arith.index_cast %swap3A_815 : i32 to index
        %swap3A_817 = arith.index_cast %sub3A_814 : i32 to index
        %swap3A_818 = tpu.vector_load %arg13[%swap3A_816, %swap3A_817] {strides = array<i32>} : memref<6x512xf32, #tpu.memory_space<vmem>>, vector<16xf32>,
        tpu.vector_store %arg13[%swap3A_816, %swap3A_817], %select_n3A_668 {strides = array<i32>} : memref<6x512xf32, #tpu.memory_space<vmem>>, vector<16xf32>,
        %add3A_819 = arith.constant 384 : i32
        %add3A_820 = arith.addi %add3A_819, %scan3A_544 : i32
        %sub3A_821 = arith.constant 15 : i32
        %sub3A_822 = arith.subi %add3A_820, %sub3A_821 : i32
        %swap3A_823 = arith.constant 3 : i32
        %swap3A_824 = arith.index_cast %swap3A_823 : i32 to index
        %swap3A_825 = arith.index_cast %sub3A_822 : i32 to index
        %swap3A_826 = tpu.vector_load %arg13[%swap3A_824, %swap3A_825] {strides = array<i32>} : memref<6x512xf32, #tpu.memory_space<vmem>>, vector<16xf32>,
        tpu.vector_store %arg13[%swap3A_824, %swap3A_825], %select_n3A_709 {strides = array<i32>} : memref<6x512xf32, #tpu.memory_space<vmem>>, vector<16xf32>,
        %add3A_827 = arith.constant 384 : i32
        %add3A_828 = arith.addi %add3A_827, %scan3A_544 : i32
        %sub3A_829 = arith.constant 15 : i32
        %sub3A_830 = arith.subi %add3A_828, %sub3A_829 : i32
        %swap3A_831 = arith.constant 4 : i32
        %swap3A_832 = arith.index_cast %swap3A_831 : i32 to index
        %swap3A_833 = arith.index_cast %sub3A_830 : i32 to index
        %swap3A_834 = tpu.vector_load %arg13[%swap3A_832, %swap3A_833] {strides = array<i32>} : memref<6x512xf32, #tpu.memory_space<vmem>>, vector<16xf32>,
        tpu.vector_store %arg13[%swap3A_832, %swap3A_833], %select_n3A_750 {strides = array<i32>} : memref<6x512xf32, #tpu.memory_space<vmem>>, vector<16xf32>,
        %add3A_835 = arith.constant 384 : i32
        %add3A_836 = arith.addi %add3A_835, %scan3A_544 : i32
        %sub3A_837 = arith.constant 15 : i32
        %sub3A_838 = arith.subi %add3A_836, %sub3A_837 : i32
        %swap3A_839 = arith.constant 5 : i32
        %swap3A_840 = arith.index_cast %swap3A_839 : i32 to index
        %swap3A_841 = arith.index_cast %sub3A_838 : i32 to index
        %swap3A_842 = tpu.vector_load %arg13[%swap3A_840, %swap3A_841] {strides = array<i32>} : memref<6x512xf32, #tpu.memory_space<vmem>>, vector<16xf32>,
        tpu.vector_store %arg13[%swap3A_840, %swap3A_841], %select_n3A_791 {strides = array<i32>} : memref<6x512xf32, #tpu.memory_space<vmem>>, vector<16xf32>,
      } else {
      }
      scf.yield %select_n3A, %select_n3A_627, %select_n3A_668, %select_n3A_709, %select_n3A_750, %select_n3A_791 : vector<16xf32>, vector<16xf32>, vector<16xf32>, vector<16xf32>, vector<16xf32>, vector<16xf32>
    }
    %scan3A_543 = arith.constant 128 : i32
    "tpu.region"() ({
      %run_scoped3A = tpu.sem_alloc : memref<!tpu.dma_semaphore, #tpu.memory_space<semaphore_mem>>
      %dma_start3A_544 = arith.constant 0 : i32
      %dma_start3A_545 = arith.constant 0 : i32
      %dma_start3A_546 = tpu.memref_slice %arg6[%add3A, %dma_start3A_544, %dma_start3A_545] : memref<32x6x512xf32, #tpu.memory_space<hbm>> -> memref<1x6x512xf32, #tpu.memory_space<hbm>>
      %dma_start3A_547 = tpu.memref_squeeze %dma_start3A_546 : memref<1x6x512xf32, #tpu.memory_space<hbm>> -> memref<6x512xf32, #tpu.memory_space<hbm>>
      %dma_start3A_548 = arith.constant 0 : i32
      %dma_start3A_549 = arith.constant 0 : i32
      %dma_start3A_550 = tpu.memref_slice %arg6[%add3A, %dma_start3A_548, %dma_start3A_549] : memref<32x6x512xf32, #tpu.memory_space<hbm>> -> memref<1x6x512xf32, #tpu.memory_space<hbm>>
      %dma_start3A_551 = tpu.memref_squeeze %dma_start3A_550 : memref<1x6x512xf32, #tpu.memory_space<hbm>> -> memref<6x512xf32, #tpu.memory_space<hbm>>
      tpu.enqueue_dma source(%arg13 : memref<6x512xf32, #tpu.memory_space<vmem>>) target(%dma_start3A_551 : memref<6x512xf32, #tpu.memory_space<hbm>>) target_semaphore(%run_scoped3A : memref<!tpu.dma_semaphore, #tpu.memory_space<semaphore_mem>>)
      %dma_wait3A_552 = arith.constant 0 : i32
      %dma_wait3A_553 = arith.constant 0 : i32
      %dma_wait3A_554 = tpu.memref_slice %arg6[%add3A, %dma_wait3A_552, %dma_wait3A_553] : memref<32x6x512xf32, #tpu.memory_space<hbm>> -> memref<1x6x512xf32, #tpu.memory_space<hbm>>
      %dma_wait3A_555 = tpu.memref_squeeze %dma_wait3A_554 : memref<1x6x512xf32, #tpu.memory_space<hbm>> -> memref<6x512xf32, #tpu.memory_space<hbm>>
      %dma_wait3A_556 = arith.constant 0 : i32
      %dma_wait3A_557 = arith.constant 0 : i32
      %dma_wait3A_558 = tpu.memref_slice %arg6[%add3A, %dma_wait3A_556, %dma_wait3A_557] : memref<32x6x512xf32, #tpu.memory_space<hbm>> -> memref<1x6x512xf32, #tpu.memory_space<hbm>>
      %dma_wait3A_559 = tpu.memref_squeeze %dma_wait3A_558 : memref<1x6x512xf32, #tpu.memory_space<hbm>> -> memref<6x512xf32, #tpu.memory_space<hbm>>
      tpu.wait_dma2 semaphore(%run_scoped3A : memref<!tpu.dma_semaphore, #tpu.memory_space<semaphore_mem>>) src(%arg13 : memref<6x512xf32, #tpu.memory_space<vmem>>) dst(%dma_wait3A_559 : memref<6x512xf32, #tpu.memory_space<hbm>>)
      tpu.yield
    }) : () -> ()
    return
  }
}

module attributes {stable_mosaic.version = 14 : i64} {
  func.func @_tp_body(%arg0: i32, %arg1: memref<64x2048xf32, #tpu.memory_space<vmem>>, %arg2: memref<2048x128xf32, #tpu.memory_space<vmem>>) attributes {dimension_semantics = [#tpu.dimension_semantics<arbitrary>], iteration_bounds = array<i64: 489>, scalar_prefetch = 0 : i64, scratch_operands = 0 : i64, tpu.core_type = #tpu.core_type<tc>, window_params = [{transform_indices = @transform_0, window_bounds = array<i64: 64, 2048>}, {transform_indices = @transform_1, window_bounds = array<i64: 2048, 128>}]} {
    %get3A = arith.constant 0 : index
    %get3A_0 = arith.constant 0 : index
    %get3A_1 = vector.load %arg1[%get3A, %get3A_0] : memref<64x2048xf32, #tpu.memory_space<vmem>>, vector<64x2048xf32>
    %transpose3A = tpu.transpose %get3A_1, [1, 0] : vector<64x2048xf32> -> vector<2048x64xf32>
    %swap3A = arith.constant 0 : index
    %swap3A_2 = arith.constant 0 : index
    %swap3A_3 = vector.load %arg2[%swap3A, %swap3A_2] : memref<2048x128xf32, #tpu.memory_space<vmem>>, vector<2048x64xf32>
    tpu.vector_store %arg2[%swap3A, %swap3A_2], %transpose3A {strides = array<i32>} : memref<2048x128xf32, #tpu.memory_space<vmem>>, vector<2048x64xf32>,
    return
  }
  func.func @transform_0(%arg0: i32) -> (i32, i32) {
    %c0_i32 = arith.constant 0 : i32
    %c0_i32_0 = arith.constant 0 : i32
    return %c0_i32, %arg0 : i32, i32
  }
  func.func @transform_1(%arg0: i32) -> (i32, i32) {
    %c0_i32 = arith.constant 0 : i32
    %c0_i32_0 = arith.constant 0 : i32
    return %arg0, %c0_i32 : i32, i32
  }
}

module attributes {stable_mosaic.version = 14 : i64} {
  func.func @_tc_body(%arg0: memref<32x6x512xf32, #tpu.memory_space<vmem>>, %arg1: memref<1x1xf32, #tpu.memory_space<smem>>) attributes {dimension_semantics = [], scalar_prefetch = 0 : i64, scratch_operands = 0 : i64, tpu.core_type = #tpu.core_type<tc>} {
    %get3A = arith.constant 0 : index
    %get3A_0 = arith.constant 0 : index
    %get3A_1 = arith.constant 0 : index
    %get3A_2 = vector.load %arg0[%get3A, %get3A_0, %get3A_1] : memref<32x6x512xf32, #tpu.memory_space<vmem>>, vector<32x6x512xf32>
    %jit3A = arith.constant -1.000000e+01 : f32
    %jit3A_3 = arith.constant 1.000000e+01 : f32
    %max3A = vector.broadcast %jit3A : f32 to vector<32x6x512xf32>
    %max3A_4 = arith.maximumf %max3A, %get3A_2 : vector<32x6x512xf32>
    %min3A = vector.broadcast %jit3A_3 : f32 to vector<32x6x512xf32>
    %min3A_5 = arith.minimumf %min3A, %max3A_4 : vector<32x6x512xf32>
    %iota3A = tpu.iota {dimensions = array<i32: 1>} : vector<1x6x1xi32>
    %eq3A = arith.constant 0 : i32
    %eq3A_6 = vector.broadcast %eq3A : i32 to vector<1x6x1xi32>
    %eq3A_7 = arith.cmpi eq, %iota3A, %eq3A_6 : vector<1x6x1xi32>
    %jit3A_8 = arith.constant -1.000000e+00 : f32
    %jit3A_9 = arith.constant 1.000000e+00 : f32
    %broadcast_in_dim3A = vector.broadcast %jit3A_8 : f32 to vector<1x6x1xf32>
    %broadcast_in_dim3A_10 = vector.broadcast %jit3A_9 : f32 to vector<1x6x1xf32>
    %select_n3A = arith.select %eq3A_7, %broadcast_in_dim3A, %broadcast_in_dim3A_10 : vector<1x6x1xi1>, vector<1x6x1xf32>
    %mul3A = vector.broadcast %select_n3A : vector<1x6x1xf32> to vector<32x6x512xf32>
    %mul3A_11 = arith.mulf %min3A_5, %mul3A : vector<32x6x512xf32>
    %exp3A = math.exp %mul3A_11 : vector<32x6x512xf32>
    %log1p3A = math.log1p %exp3A : vector<32x6x512xf32>
    %reduce_sum3A = vector.shape_cast %log1p3A : vector<32x6x512xf32> to vector<1x32x6x512xf32>
    %reduce_sum3A_12 = arith.constant dense<0.000000e+00> : vector<1xf32>
    %reduce_sum3A_13 = vector.multi_reduction <add>, %reduce_sum3A, %reduce_sum3A_12 [1, 2, 3] : vector<1x32x6x512xf32> to vector<1xf32>
    %reduce_sum3A_14 = vector.shape_cast %reduce_sum3A_13 : vector<1xf32> to vector<1x1x1x1xf32>
    %reduce_sum3A_15 = vector.extract %reduce_sum3A_14[0, 0, 0, 0] : f32 from vector<1x1x1x1xf32>
    %div3A = arith.constant 1.638400e+04 : f32
    %div3A_16 = arith.divf %reduce_sum3A_15, %div3A : f32
    %swap3A = arith.constant 0 : index
    %swap3A_17 = arith.constant 0 : index
    %swap3A_18 = memref.load %arg1[%swap3A, %swap3A_17] : memref<1x1xf32, #tpu.memory_space<smem>>
    memref.store %div3A_16, %arg1[%swap3A, %swap3A_17] : memref<1x1xf32, #tpu.memory_space<smem>>
    return
  }
}

</mosaic_0001>

<sc_bundles>
// kernel: kernel.5.cloned.1.call-start
scs
__scs_entry_jumppad:
0x0: {  	(pc) =	sbr.rel $0x88, $3  }
0x1: {  	(tag) =	ssettag $0x0;
	lr =	simm.s32 $0x1  }
0x2: {  	[smem:$0x3F9D] =	sst lr;
	_ =	strace $0xD0000000  }
0x3: {  	_ = 	snop  }
0x4: {  	_ = 	snop  }
0x5: {  	_ = 	snop  }
0x6: {  	_ = 	snop  }
0x7: {  	_ = 	snop  }
__scs_overlays_trampoline_lowered:
0x8: {  	[smem:$0x3FAC] =	sst s0  }
0x9: {  	[smem:$0x3FAD] =	sst s1  }
0xa: {  	[smem:$0x3FAE] =	sst s2  }
0xb: {  	[smem:$0x3FAF] =	sst s3  }
0xc: {  	[smem:$0x3FB0] =	sst s4  }
0xd: {  	[smem:$0x3FB1] =	sst s5  }
0xe: {  	[smem:$0x3FB2] =	sst s6  }
0xf: {  	[smem:$0x3FB3] =	sst s7  }
0x10: {  	[smem:$0x3FB4] =	sst s8  }
0x11: {  	[smem:$0x3FB5] =	sst s9;
	s0 =	simm.s32 @!p0 $0x0  }
0x12: {  	s1 =	sld [smem:$0x3F9B];
	s0 =	simm.s32 @p0 $0x1  }
0x13: {  	[smem:$0x3FB6] =	sst s0;
	s0 =	simm.s32 @!p1 $0x0  }
0x14: {  	s2 =	sld [smem:$0x3F9A];
	s0 =	simm.s32 @p1 $0x1  }
0x15: {  	[smem:$0x3FB7] =	sst s0;
	s0 =	simm.s32 @!p2 $0x0  }
0x16: {  	s3 =	sld [smem:$0x3FDB];
	s0 =	simm.s32 @p2 $0x1  }
0x17: {  	s4 =	simm.s32 $0x1BF5;
	[smem:$0x3FB9] =	sst s0  }
0x18: {  	s0 =	sld [smem:$0x3F9C];
	_ =	swait.ge [sflag:s4], $0x0  }
0x19: {  	s7 =	sld [smem:$0x3F9D]  }
0x1a: {  	s8 =	sadd.s32 $0xFFFFE003, lr  }
0x1b: {  	s9 =	sadd.s32 $0xFFFFFEF7, lr;
	s5 =	simm.s32 $0xFFFFFFFF;
	p2 =	slt.u32 s8, $0xFFFFF086  }
0x1c: {  	p1 =	slt.u32 s9, $0xF7A;
	s5 =	simm.s32 @!p2 $0x0  }
0x1d: {  	s5 =	simm.s32 @p1 $0x1;
	p0 =	seq.s32 s7, s2  }
0x1e: {  	s7 =	smul.u32 @!p0 $0xF7A, s2;
	p2 =	seq.s32 @!p0 s5, $0x0  }
0x1f: {  	s9 =	smul.u32 $0xF7A, s1;
	s8 =	simm.s32 @!p0 $0x1BF5;
	p2 =	por !p2, p0  }
0x20: {  	[sflag:s8] =	ssyncset.s32 @!p0 $0xFFFFF086;
	s6 =	sadd.s32 @!p0 s3, s7;
	s7 =	simm.s32 @!p0 $0x108  }
0x21: {  	s3 =	sadd.s32 s3, s9;
	s6 =	sadd.s32 @!p0 $0x88, s6;
	s7 =	simm.s32 @p2 $0x1082  }
0x22: {  	[simem:s7], [sflag:s8] =	dma.local @!p0 [hbm:s6], $0xF7A  }
0x23: {  	s9 =	sor.u32 $0xD0000000, s2;
	s6 =	simm.s32 $0x108;
	_ =	swait.ge @!p0 [sflag:s8], $0x0  }
0x24: {  	s3 =	sadd.s32 $0x88, s3;
	s6 =	simm.s32 @!p1 $0x1082;
	[sflag:s4] =	ssyncset.s32 $0xFFFFF086  }
0x25: {  	[simem:s6], [sflag:s4] =	dma.local [hbm:s3], $0xF7A  }
0x26: {  	[smem:$0x3F9D] =	sst s1;
	(tag) =	ssettag s2;
	_ =	strace s9  }
0x27: {  	s1 =	sld [smem:$0x3FAD]  }
0x28: {  	s2 =	sld [smem:$0x3FAE]  }
0x29: {  	s4 =	sld [smem:$0x3FB0]  }
0x2a: {  	p0 =	seq.s32 s5, $0x0;
	s5 =	sld [smem:$0x3FB1]  }
0x2b: {  	s6 =	sld [smem:$0x3FB2]  }
0x2c: {  	s7 =	sld [smem:$0x3FB3]  }
0x2d: {  	s3 =	simm.s32 $0x108;
	s8 =	sld [smem:$0x3FB4]  }
0x2e: {  	s3 =	simm.s32 @!p0 $0x1082;
	s9 =	sld [smem:$0x3FB5]  }
0x2f: {  	lr =	sadd.s32 s0, s3;
	s0 =	sld [smem:$0x3FAC]  }
0x30: {  	s3 =	sld [smem:$0x3FAF]  }
0x31: {  	[smem:$0x3FB8] =	sst s10  }
0x32: {  	s10 =	sld [smem:$0x3FB6];
	_ =	sdelay $0x3  }
0x33: {  	p0 =	seq.s32 s10, $0x1;
	s10 =	sld [smem:$0x3FB8];
	_ =	sdelay $0x3  }
0x34: {  	[smem:$0x3FB8] =	sst s10  }
0x35: {  	s10 =	sld [smem:$0x3FB7];
	_ =	sdelay $0x3  }
0x36: {  	p1 =	seq.s32 s10, $0x1;
	s10 =	sld [smem:$0x3FB8];
	_ =	sdelay $0x3  }
0x37: {  	[smem:$0x3FB8] =	sst s10  }
0x38: {  	s10 =	sld [smem:$0x3FB9]  }
0x39: {  	_ = 	snop;
	(pc) =	sbr.ind lr, $3  }
0x3a: {  	_ = 	snop  }
0x3b: {  	_ = 	snop  }
0x3c: {  	p2 =	seq.s32 s10, $0x1;
	s10 =	sld [smem:$0x3FB8]  }
0x3d: {  	_ =	shalt  }
0x3e: {  	_ =	shalt  }
0x3f: {  	_ =	shalt  }
0x40: {  	_ =	shalt  }
0x41: {  	_ =	shalt  }
0x42: {  	_ =	shalt  }
0x43: {  	_ =	shalt  }
0x44: {  	_ =	shalt  }
0x45: {  	_ =	shalt  }
0x46: {  	_ =	shalt  }
0x47: {  	_ =	shalt  }
0x48: {  	_ =	shalt  }
0x49: {  	_ =	shalt  }
0x4a: {  	_ =	shalt  }
0x4b: {  	_ =	shalt  }
0x4c: {  	_ =	shalt  }
0x4d: {  	_ =	shalt  }
0x4e: {  	_ =	shalt  }
0x4f: {  	_ =	shalt  }
0x50: {  	_ =	shalt  }
0x51: {  	_ =	shalt  }
0x52: {  	_ =	shalt  }
0x53: {  	_ =	shalt  }
0x54: {  	_ =	shalt  }
0x55: {  	_ =	shalt  }
0x56: {  	_ =	shalt  }
0x57: {  	_ =	shalt  }
0x58: {  	_ =	shalt  }
0x59: {  	_ =	shalt  }
0x5a: {  	_ =	shalt  }
0x5b: {  	_ =	shalt  }
0x5c: {  	_ =	shalt  }
0x5d: {  	_ =	shalt  }
0x5e: {  	_ =	shalt  }
0x5f: {  	_ =	shalt  }
0x60: {  	_ =	shalt  }
0x61: {  	_ =	shalt  }
0x62: {  	_ =	shalt  }
0x63: {  	_ =	shalt  }
0x64: {  	_ =	shalt  }
0x65: {  	_ =	shalt  }
0x66: {  	_ =	shalt  }
0x67: {  	_ =	shalt  }
0x68: {  	_ =	shalt  }
0x69: {  	_ =	shalt  }
0x6a: {  	_ =	shalt  }
0x6b: {  	_ =	shalt  }
0x6c: {  	_ =	shalt  }
0x6d: {  	_ =	shalt  }
0x6e: {  	_ =	shalt  }
0x6f: {  	_ =	shalt  }
0x70: {  	_ =	shalt  }
0x71: {  	_ =	shalt  }
0x72: {  	_ =	shalt  }
0x73: {  	_ =	shalt  }
0x74: {  	_ =	shalt  }
0x75: {  	_ =	shalt  }
0x76: {  	_ =	shalt  }
0x77: {  	_ =	shalt  }
0x78: {  	_ =	shalt  }
0x79: {  	_ =	shalt  }
0x7a: {  	_ =	shalt  }
0x7b: {  	_ =	shalt  }
0x7c: {  	_ =	shalt  }
0x7d: {  	_ =	shalt  }
0x7e: {  	_ =	shalt  }
0x7f: {  	_ =	shalt  }
0x80: {  	_ =	shalt  }
0x81: {  	_ =	shalt  }
0x82: {  	_ =	shalt  }
0x83: {  	_ =	shalt  }
0x84: {  	_ =	shalt  }
0x85: {  	_ =	shalt  }
0x86: {  	_ =	shalt  }
0x87: {  	_ =	shalt  }
.Lfunc_end0:
.L_simem_size_0:
called_computation_lowered:
.L_overlay_start_0:
0x88: {  	s2 =	sld [smem:$0x3FD9]  }
0x89: {  	s3 =	sld [smem:$0x3FFE];
	_ =	sdelay $0x1  }
0x8a: {  	s1 =	srdreg.scid  }
0x8b: {  	s0 =	sand.u32 $0x1, s1  }
0x8c: {  	s17 =	sshll.u32 s0, $0xA;
	s2 =	sadd.s32 s3, s2  }
0x8d: {  	s2 =	sadd.s32 s2, s17  }
0x8e: {  	[smem:$0x3FC4] =	sst s2  }
0x8f: {  	_ = 	snop  }
0x90: {  	s2 =	sld [smem:$0x3FC9]  }
0x91: {  	s18 =	sld [smem:$0x3FC8];
	(tm) =	ssettm $0x1  }
0x92: {  	s4 =	sld [smem:$0x3FFB];
	_ =	sdelay $0x3  }
0x93: {  	_ =	strace s4  }
0x94: {  	s4 =	sld [smem:$0x3FFC];
	_ =	sdelay $0x3  }
0x95: {  	_ =	strace s4  }
0x96: {  	s4 =	sld [smem:$0x3FFD];
	_ =	sdelay $0x3  }
0x97: {  	_ =	strace s4  }
0x98: {  	_ =	strace $0x8FFFFFFF  }
0x99: {  	s19 =	sld [smem:$0x3FDB];
	_ =	sdelay $0x1  }
0x9a: {  	s5 =	simm.s32 $_scs_section_size  }
0x9b: {  	s6 =	simm.s32 $_size__tile_overlayer_lowered;
	s7 =	simm.s32 $_tile_overlayer_lowered  }
0x9c: {  	s22 =	simm.s32 $0x1BFF;
	s21 =	sshll.u32 s7, $0x1;
	s4 =	sadd.s32 s5, s19  }
0x9d: {  	s8 =	simm.s32 $0x0;
	s20 =	sshll.u32 s6, $0x1;
	s6 =	sadd.s32 s21, s4  }
0x9e: {  	[timem:s8], [sflag:s22] =	dma.local [hbm:s6], s20  }
0x9f: {  	_ =	swait.ge [sflag:s22], s20  }
0xa0: {  	s5 =	ssub.s32 $0x0, s20;
	[sflag:s22] =	ssyncset.done $0x0  }
0xa1: {  	[sflag:s22] =	ssyncadd.s32 s5;
	_ =	sdelay $0x1  }
0xa2: {  	s23 =	simm.s32 $0x1B8B  }
0xa3: {  	_ =	swait.ge [sflag:s23], $0x1  }
0xa4: {  	[sflag:s23] =	ssyncset.done $0x0  }
0xa5: {  	s25 =	simm.s32 $0x1B8E;
	s24 =	sld [smem:$0x3FFE];
	[sflag:s23] =	ssyncadd.s32 $0xFFFFFFFF  }
0xa6: {  	s26 =	simm.s32 $execute0_lowered;
	[smem:$0x3FD2] =	sst s25  }
0xa7: {  	s6 =	sshll.u32 s26, $0x1;
	_ =	strace $0x80000046;
	[dreg:$0x1] =	wrdreg $0xFFFFFFFF  }
0xa8: {  	s28 =	simm.s32 $_size_execute0_lowered;
	s4 =	sadd.s32 s4, s6;
	[dreg:$0x0] =	wrdreg $0x0  }
0xa9: {  	s6 =	sshll.u32 s28, $0x1;
	[dreg:$0x2] =	wrdreg s4  }
0xaa: {  	[dreg:$0x3] =	wrdreg s6  }
0xab: {  	[dreg:$0x4] =	wrdreg $0xC0  }
0xac: {  	_ =	task [dreg:s8], $0x5FFFF  }
0xad: {  	[dreg:$0x1] =	wrdreg $0xFFFFFFFF  }
0xae: {  	[dreg:$0x0] =	wrdreg $0x60  }
0xaf: {  	[dreg:$0x2] =	wrdreg s2  }
0xb0: {  	[dreg:$0x3] =	wrdreg s18  }
0xb1: {  	[dreg:$0x4] =	wrdreg s24  }
0xb2: {  	[dreg:$0x5] =	wrdreg $0x9  }
0xb3: {  	_ =	task.clear_ibuf [dreg:s8], $0x6FFFF;
	_ =	strace $0x90000046  }
0xb4: {  	s29 =	simm.s32 $0x9;
	_ =	strace $0x80000048  }
0xb5: {  	_ =	swait.ge [sflag:s29], $0x1  }
0xb6: {  	[sflag:s29] =	ssyncadd.s32 $0xFFFFFFFF  }
0xb7: {  	_ =	strace $0x90000048  }
0xb8: {  	_ =	sfence  }
0xb9: {  	s30 =	sld [smem:$0x0];
	_ =	sdelay $0x2  }
0xba: {  	s31 =	sshll.u32 s1, $0xD;
	s1 =	sshrl.u32 s1, $0x2  }
0xbb: {  	s3 =	sand.u32 $0x4000, s31;
	s1 =	sadd.s32 s1, s30  }
0xbc: {  	s0 =	sor.u32 s3, s0;
	s1 =	sshll.u32 s1, $0x11  }
0xbd: {  	s0 =	sor.u32 s1, s0  }
0xbe: {  	s0 =	sadd.s32 $0x8F2B, s0  }
0xbf: {  	[sflag:s0] =	ssyncadd.remote.s32 $0x1  }
0xc0: {  	_ =	sfence.sel $0xFFFF  }
0xc1: {  	[dreg:$0x0] =	wrdreg $0xFFFFFFFF;
	(pc) =	sbr.abs _section_cstart, $3  }
0xc2: {  	[dreg:$0x1] =	wrdreg $0xFFFFFFFF  }
0xc3: {  	_ =	task.clear_ibuf [dreg:s8], $0x2FFFF;
	_ =	strace $0x9FFFFFFF  }
0xc4: {  	(tm) =	ssettm $0x7FFFFFFF  }
0xc5: {  	_ =	shalt  }
tec
execute0_lowered:
.L_overlay_start_1:
0x0: {  	(tag) =	ssettag $0x1  }
0x1: {  	s0 =	rddreg [dreg:$0x0]  }
0x2: {  	s1 =	rddreg [dreg:$0x1]  }
0x3: {  	s2 =	srdreg.scid;
	s3 =	stileid.u32  }
0x4: {  	s4 =	rddreg [dreg:$0x2];
	s10 =	simm.s32 $0x200;
	s11 =	simm.s32 $0x400  }
0x5: {  	s12 =	simm.s32 $0x80;
	s13 =	simm.s32 $0x1000;
	s14 =	simm.s32 $0x5000  }
0x6: {  	s15 =	simm.s32 $0x9000;
	s17 =	simm.s32 $0xD000;
	s19 =	simm.s32 $0x11000  }
0x7: {  	s21 =	simm.s32 $0x15000;
	s23 =	simm.s32 $0x19000;
	s24 =	simm.s32 $0x1  }
0x8: {  	s30 =	simm.s32 $0xC00;
	s31 =	simm.s32 $0xC80;
	s16 =	simm.s32 $0x1D000  }
0x9: {  	s5 =	sand.u32 $0x1, s2;
	s3 =	sshll.u32 s3, $0x1;
	s2 =	simm.s32 $0x0  }
0xa: {  	s18 =	simm.s32 $0x0;
	s6 =	sor.u32 s5, s3;
	[smem:$0x7FF] =	sst s2  }
0xb: {  	s5 =	ssub.s32 $0x2, s5;
	s3 =	smul.u32 $0x180, s6;
	_ =	strace $0x80000047  }
0xc: {  	s8 =	sshll.u32 s6, $0x9;
	s9 =	sshrl.u32 s5, $0x1;
	s6 =	sshll.u32 s6, $0x6  }
0xd: {  	s8 =	sadd.s32 s8, s4;
	s9 =	ssub.s32 s5, s9;
	s5 =	sadd.s32 s1, s6  }
0xe: {  	s1 =	simm.s32 $0xD00;
	s7 =	sadd.s32 s3, s4;
	s3 =	sadd.s32 $0x3600, s4  }
0xf: {  	s4 =	sadd.s32 s0, s6;
	s0 =	simm.s32 $0xD80;
	s6 =	sadd.s32 $0x600, s7  }
0x10: {  	v0 =	vlaneseq.u32;
	s7 =	sadd.s32 $0xF45A00, s8;
	s8 =	smax.u32 s9, $0x1;
	s9 =	simm.s32 $0x2  }
.LBB2_1:
0x11: {  	[tilespmem:s2], [sflag:$0x2] =	stream.linear.gather [hbm4b:s4+s2], $0x200, $0x38;
	[tilespmem:$0x1E000] =	vst v63  }
0x12: {  	_ =	swait.ge [sflag:s9], $0x200  }
0x13: {  	[sflag:s9] =	ssyncset.done $0x0  }
0x14: {  	[sflag:s9] =	ssyncadd.s32 $0xFFFFFE00  }
0x15: {  	[tilespmem:s10], [sflag:$0x2] =	stream.linear.gather [hbm4b:s5+s2], $0x200, $0x38;
	[tilespmem:$0x1E000] =	vst v63  }
0x16: {  	_ =	swait.ge [sflag:s9], $0x200  }
0x17: {  	[sflag:s9] =	ssyncset.done $0x0  }
0x18: {  	[sflag:s9] =	ssyncadd.s32 $0xFFFFFE00  }
0x19: {  	[tilespmem:s11], [sflag:$0x2] =	stream.linear.gather [hbm4b:s6+s2], $0xA00, $0x38;
	[tilespmem:$0x1E000] =	vst v63  }
0x1a: {  	_ =	swait.ge [sflag:s9], $0xA00  }
0x1b: {  	[sflag:s9] =	ssyncset.done $0x0  }
0x1c: {  	[sflag:s9] =	ssyncadd.s32 $0xFFFFF600  }
0x1d: {  	[tilespmem:s13], [sflag:$0x1] =	stream.indirect.gather [hbm4b:s3+s12], $0x80, s2, s12, $0xb8;
	[tilespmem:$0x1E000] =	vst v63  }
0x1e: {  	_ = 	snop  }
0x1f: {  	[tilespmem:s14], [sflag:$0x1] =	stream.indirect.gather [hbm4b:s3+s12], $0x80, s10, s12, $0xb8;
	[tilespmem:$0x1E000] =	vst v63  }
0x20: {  	_ = 	snop  }
0x21: {  	[tilespmem:s15], [sflag:$0x1] =	stream.indirect.gather [hbm4b:s3+s12], $0x80, s11, s12, $0xb8;
	[tilespmem:$0x1E000] =	vst v63  }
0x22: {  	s20 =	simm.s32 $0x480  }
0x23: {  	[tilespmem:s17], [sflag:$0x1] =	stream.indirect.gather [hbm4b:s3+s12], $0x80, s20, s12, $0xb8;
	[tilespmem:$0x1E000] =	vst v63  }
0x24: {  	s25 =	simm.s32 $0x500  }
0x25: {  	[tilespmem:s19], [sflag:$0x1] =	stream.indirect.gather [hbm4b:s3+s12], $0x80, s25, s12, $0xb8;
	[tilespmem:$0x1E000] =	vst v63  }
0x26: {  	s26 =	simm.s32 $0x580  }
0x27: {  	[tilespmem:s21], [sflag:$0x1] =	stream.indirect.gather [hbm4b:s3+s12], $0x80, s26, s12, $0xb8;
	[tilespmem:$0x1E000] =	vst v63  }
0x28: {  	s29 =	simm.s32 $0x600  }
0x29: {  	[tilespmem:s23], [sflag:$0x1] =	stream.indirect.gather [hbm4b:s3+s12], $0x80, s29, s12, $0xb8;
	[tilespmem:$0x1E000] =	vst v63  }
0x2a: {  	_ =	swait.ge [sflag:s24], $0x4000  }
0x2b: {  	[sflag:s24] =	ssyncset.done $0x0  }
0x2c: {  	[sflag:s24] =	ssyncadd.s32 $0xFFFFC000  }
0x2d: {  	_ =	swait.ge [sflag:s24], $0x4000  }
0x2e: {  	[sflag:s24] =	ssyncset.done $0x0  }
0x2f: {  	[sflag:s24] =	ssyncadd.s32 $0xFFFFC000  }
0x30: {  	_ =	swait.ge [sflag:s24], $0x4000  }
0x31: {  	[sflag:s24] =	ssyncset.done $0x0  }
0x32: {  	[sflag:s24] =	ssyncadd.s32 $0xFFFFC000  }
0x33: {  	_ =	swait.ge [sflag:s24], $0x4000  }
0x34: {  	[sflag:s24] =	ssyncset.done $0x0  }
0x35: {  	[sflag:s24] =	ssyncadd.s32 $0xFFFFC000  }
0x36: {  	_ =	swait.ge [sflag:s24], $0x4000  }
0x37: {  	[sflag:s24] =	ssyncset.done $0x0  }
0x38: {  	[sflag:s24] =	ssyncadd.s32 $0xFFFFC000  }
0x39: {  	_ =	swait.ge [sflag:s24], $0x4000  }
0x3a: {  	[sflag:s24] =	ssyncset.done $0x0  }
0x3b: {  	[sflag:s24] =	ssyncadd.s32 $0xFFFFC000  }
0x3c: {  	s22 =	simm.s32 $0x9120;
	_ =	swait.ge [sflag:s24], $0x4000  }
0x3d: {  	v1 =	vimm.f32 $0.0e+00;
	v2 =	vimm.f32 $0.0e+00;
	v3 =	vimm.f32 $0.0e+00;
	s28 =	simm.s32 $0x0;
	s20 =	simm.s32 $0x1D171;
	[sflag:s24] =	ssyncset.done $0x0  }
0x3e: {  	v4 =	vimm.f32 $0.0e+00;
	v5 =	vimm.f32 $0.0e+00;
	v6 =	vimm.f32 $0.0e+00;
	s25 =	simm.s32 $0x1020;
	s26 =	simm.s32 $0x5020;
	[sflag:s24] =	ssyncadd.s32 $0xFFFFC000  }
.LBB2_2:
0x3f: {  	v7 =	vld [tilespmem:s25+$0xFFFFFFE0]  }
0x40: {  	v8 =	vld [tilespmem:s25+$0xFFFFFFF0]  }
0x41: {  	v9 =	vld [tilespmem:s25+$0x0]  }
0x42: {  	v10 =	vld [tilespmem:s25+$0x10]  }
0x43: {  	v11 =	vld [tilespmem:s26+$0xFFFFFFE0]  }
0x44: {  	v12 =	vld [tilespmem:s26+$0xFFFFFFF0]  }
0x45: {  	v13 =	vld [tilespmem:s26+$0x0]  }
0x46: {  	v14 =	vld [tilespmem:s26+$0x10]  }
0x47: {  	v15 =	vld [tilespmem:s22+$0xFFFFFEE0]  }
0x48: {  	v16 =	vld [tilespmem:s22+$0xFFFFFEF0]  }
0x49: {  	v17 =	vld [tilespmem:s22+$0xFFFFFF00]  }
0x4a: {  	v18 =	vld [tilespmem:s22+$0xFFFFFF10]  }
0x4b: {  	v19 =	vld [tilespmem:s22+$0xFFFFFF60]  }
0x4c: {  	v20 =	vld [tilespmem:s22+$0xFFFFFF70]  }
0x4d: {  	v21 =	vld [tilespmem:s22+$0xFFFFFF80]  }
0x4e: {  	v22 =	vld [tilespmem:s22+$0xFFFFFF90]  }
0x4f: {  	v23 =	vld [tilespmem:s22+$0xFFFFFFE0]  }
0x50: {  	v24 =	vld [tilespmem:s22+$0xFFFFFFF0]  }
0x51: {  	v25 =	vld [tilespmem:s22+$0x0];
	v11 =	vmul.f32 v11, v7;
	v12 =	vmul.f32 v12, v8  }
0x52: {  	v26 =	vld [tilespmem:s22+$0x10];
	v13 =	vmul.f32 v13, v9;
	v14 =	vmul.f32 v14, v10  }
0x53: {  	v27 =	vld [tilespmem:s22+$0x60];
	v15 =	vmul.f32 v15, v7;
	v16 =	vmul.f32 v16, v8  }
0x54: {  	v41 =	vld [tilespmem:s22+$0xE0];
	v17 =	vmul.f32 v17, v9;
	v18 =	vmul.f32 v18, v10  }
0x55: {  	v28 =	vld [tilespmem:s22+$0x70];
	v42 =	vmul.f32 v19, v7;
	v43 =	vmul.f32 v20, v8  }
0x56: {  	v44 =	vld [tilespmem:s22+$0xF0];
	v45 =	vmul.f32 v21, v9;
	v46 =	vmul.f32 v22, v10  }
0x57: {  	v29 =	vld [tilespmem:s22+$0x80];
	v48 =	vmul.f32 v23, v7;
	v49 =	vmul.f32 v24, v8  }
0x58: {  	v47 =	vld [tilespmem:s22+$0x100];
	v51 =	vmul.f32 v25, v9;
	v52 =	vmul.f32 v26, v10  }
0x59: {  	v38 =	vld [tilespmem:s22+$0x90];
	v53 =	vmul.f32 v27, v7;
	v7 =	vmul.f32 v41, v7  }
0x5a: {  	v50 =	vld [tilespmem:s22+$0x110];
	v55 =	vmul.f32 v28, v8;
	v11 =	vadd.f32 v12, v11;
	v37 =	vadd.f32 v14, v13  }
0x5b: {  	v8 =	vmul.f32 v44, v8;
	v39 =	vadd.f32 v16, v15;
	v40 =	vadd.f32 v18, v17  }
0x5c: {  	v56 =	vmul.f32 v29, v9;
	v12 =	vadd.f32 v43, v42;
	v15 =	vadd.f32 v46, v45  }
0x5d: {  	v9 =	vmul.f32 v47, v9;
	v17 =	vadd.f32 v49, v48;
	v54 =	vadd.f32 v52, v51  }
0x5e: {  	v13 =	vmul.f32 v38, v10;
	v57 =	vadd.f32 v55, v53;
	v11 =	vadd.f32 v37, v11  }
0x5f: {  	v10 =	vmul.f32 v50, v10;
	v7 =	vadd.f32 v8, v7;
	v14 =	vadd.f32 v40, v39  }
0x60: {  	v12 =	vadd.f32 v15, v12;
	v13 =	vadd.f32 v13, v56;
	(xrf2) =	vadd.scan.msk.f32 $0xffff, v11  }
0x61: {  	v16 =	vadd.f32 v54, v17;
	v8 =	vadd.f32 v10, v9;
	(xrf2) =	vadd.scan.msk.f32 $0xffff, v14  }
0x62: {  	v58 =	vadd.f32 v13, v57;
	(xrf2) =	vadd.scan.msk.f32 $0xffff, v12  }
0x63: {  	v7 =	vadd.f32 v8, v7;
	(xrf2) =	vadd.scan.msk.f32 $0xffff, v16  }
0x64: {  	(xrf2) =	vadd.scan.msk.f32 $0xffff, v58  }
0x65: {  	(xrf2) =	vadd.scan.msk.f32 $0xffff, v7;
	_ =	sdelay $0x4  }
0x66: {  	s29 =	sand.u32 $0xF, s28;
	v7, _, _ =	vpop (xrf2)  }
0x67: {  	v59 =	vmov s29;
	v8, _, _ =	vpop (xrf2);
	v7 =	vbroadcast v7, $0xF  }
0x68: {  	vm0 =	veq.s32 v59, v0;
	v60, _, _ =	vpop (xrf2);
	v8 =	vbroadcast v8, $0xF  }
0x69: {  	p0 =	sne.s32 s29, $0xF;
	v61, _, _ =	vpop (xrf2);
	v6 =	vsel vm0, v7, v6;
	v7 =	vbroadcast v60, $0xF  }
0x6a: {  	v62, _, _ =	vpop (xrf2);
	v5 =	vsel vm0, v8, v5;
	v8 =	vbroadcast v61, $0xF;
	[tilespmem:s20+$0xFFFFFE80] =	vst @!p0 v6  }
0x6b: {  	v4 =	vsel vm0, v7, v4;
	v7 =	vbroadcast v62, $0xF;
	v63, _, _ =	vpop (xrf2);
	[tilespmem:s20+$0xFFFFFF00] =	vst @!p0 v5  }
0x6c: {  	v3 =	vsel vm0, v8, v3;
	v8 =	vbroadcast v63, $0xF;
	[tilespmem:s20+$0xFFFFFF80] =	vst @!p0 v4  }
0x6d: {  	v2 =	vsel vm0, v7, v2;
	[tilespmem:s20+$0x0] =	vst @!p0 v3  }
0x6e: {  	s28 =	sadd.s32 $0x1, s28;
	v1 =	vsel vm0, v8, v1;
	[tilespmem:s20+$0x80] =	vst @!p0 v2  }
0x6f: {  	[tilespmem:s20+$0x100] =	vst @!p0 v1;
	p0 =	sne.s32 s28, $0x80  }
.Ltmp0:
0x70: {  	_ = 	snop;
	(pc) =	sbr.rel @p0 .LBB2_2-.Ltmp0, $3  }
0x71: {  	_ =	sdelay $0x1  }
0x72: {  	s22 =	sadd.s32 $0x280, s22  }
0x73: {  	s25 =	sadd.s32 $0x80, s25;
	s26 =	sadd.s32 $0x80, s26;
	s20 =	sadd.s32 $0x1, s20  }
0x74: {  	[tilespmem:s13], [sflag:$0x1] =	stream.indirect.gather [hbm4b:s3+s12], $0x80, s12, s12, $0xb8;
	[tilespmem:$0x1E000] =	vst v63  }
0x75: {  	s20 =	simm.s32 $0x280  }
0x76: {  	[tilespmem:s14], [sflag:$0x1] =	stream.indirect.gather [hbm4b:s3+s12], $0x80, s20, s12, $0xb8;
	[tilespmem:$0x1E000] =	vst v63  }
0x77: {  	s22 =	simm.s32 $0x680  }
0x78: {  	[tilespmem:s15], [sflag:$0x1] =	stream.indirect.gather [hbm4b:s3+s12], $0x80, s22, s12, $0xb8;
	[tilespmem:$0x1E000] =	vst v63  }
0x79: {  	s25 =	simm.s32 $0x700  }
0x7a: {  	[tilespmem:s17], [sflag:$0x1] =	stream.indirect.gather [hbm4b:s3+s12], $0x80, s25, s12, $0xb8;
	[tilespmem:$0x1E000] =	vst v63  }
0x7b: {  	s26 =	simm.s32 $0x780  }
0x7c: {  	[tilespmem:s19], [sflag:$0x1] =	stream.indirect.gather [hbm4b:s3+s12], $0x80, s26, s12, $0xb8;
	[tilespmem:$0x1E000] =	vst v63  }
0x7d: {  	s28 =	simm.s32 $0x800  }
0x7e: {  	[tilespmem:s21], [sflag:$0x1] =	stream.indirect.gather [hbm4b:s3+s12], $0x80, s28, s12, $0xb8;
	[tilespmem:$0x1E000] =	vst v63  }
0x7f: {  	s29 =	simm.s32 $0x880  }
0x80: {  	[tilespmem:s23], [sflag:$0x1] =	stream.indirect.gather [hbm4b:s3+s12], $0x80, s29, s12, $0xb8;
	[tilespmem:$0x1E000] =	vst v63  }
0x81: {  	_ =	swait.ge [sflag:s24], $0x4000  }
0x82: {  	[sflag:s24] =	ssyncset.done $0x0  }
0x83: {  	[sflag:s24] =	ssyncadd.s32 $0xFFFFC000  }
0x84: {  	_ =	swait.ge [sflag:s24], $0x4000  }
0x85: {  	[sflag:s24] =	ssyncset.done $0x0  }
0x86: {  	[sflag:s24] =	ssyncadd.s32 $0xFFFFC000  }
0x87: {  	_ =	swait.ge [sflag:s24], $0x4000  }
0x88: {  	[sflag:s24] =	ssyncset.done $0x0  }
0x89: {  	[sflag:s24] =	ssyncadd.s32 $0xFFFFC000  }
0x8a: {  	_ =	swait.ge [sflag:s24], $0x4000  }
0x8b: {  	[sflag:s24] =	ssyncset.done $0x0  }
0x8c: {  	[sflag:s24] =	ssyncadd.s32 $0xFFFFC000  }
0x8d: {  	_ =	swait.ge [sflag:s24], $0x4000  }
0x8e: {  	[sflag:s24] =	ssyncset.done $0x0  }
0x8f: {  	[sflag:s24] =	ssyncadd.s32 $0xFFFFC000  }
0x90: {  	_ =	swait.ge [sflag:s24], $0x4000  }
0x91: {  	[sflag:s24] =	ssyncset.done $0x0  }
0x92: {  	[sflag:s24] =	ssyncadd.s32 $0xFFFFC000  }
0x93: {  	_ =	swait.ge [sflag:s24], $0x4000  }
0x94: {  	v1 =	vimm.f32 $0.0e+00;
	v2 =	vimm.f32 $0.0e+00;
	v3 =	vimm.f32 $0.0e+00;
	s20 =	simm.s32 $0x0;
	s22 =	simm.s32 $0x9120;
	[sflag:s24] =	ssyncset.done $0x0  }
0x95: {  	v4 =	vimm.f32 $0.0e+00;
	v5 =	vimm.f32 $0.0e+00;
	v6 =	vimm.f32 $0.0e+00;
	s25 =	simm.s32 $0x5020;
	s26 =	simm.s32 $0x1020;
	[sflag:s24] =	ssyncadd.s32 $0xFFFFC000  }
.LBB2_4:
0x96: {  	v7 =	vld [tilespmem:s26+$0xFFFFFFE0]  }
0x97: {  	v8 =	vld [tilespmem:s26+$0xFFFFFFF0]  }
0x98: {  	v9 =	vld [tilespmem:s26+$0x0]  }
0x99: {  	v10 =	vld [tilespmem:s26+$0x10]  }
0x9a: {  	v11 =	vld [tilespmem:s25+$0xFFFFFFE0]  }
0x9b: {  	v12 =	vld [tilespmem:s25+$0xFFFFFFF0]  }
0x9c: {  	v13 =	vld [tilespmem:s25+$0x0]  }
0x9d: {  	v14 =	vld [tilespmem:s25+$0x10]  }
0x9e: {  	v15 =	vld [tilespmem:s22+$0xFFFFFEE0]  }
0x9f: {  	v16 =	vld [tilespmem:s22+$0xFFFFFEF0]  }
0xa0: {  	v17 =	vld [tilespmem:s22+$0xFFFFFF00]  }
0xa1: {  	v18 =	vld [tilespmem:s22+$0xFFFFFF10]  }
0xa2: {  	v19 =	vld [tilespmem:s22+$0xFFFFFF60]  }
0xa3: {  	v20 =	vld [tilespmem:s22+$0xFFFFFF70]  }
0xa4: {  	v21 =	vld [tilespmem:s22+$0xFFFFFF80]  }
0xa5: {  	v22 =	vld [tilespmem:s22+$0xFFFFFF90]  }
0xa6: {  	v23 =	vld [tilespmem:s22+$0xFFFFFFE0]  }
0xa7: {  	v24 =	vld [tilespmem:s22+$0xFFFFFFF0]  }
0xa8: {  	v25 =	vld [tilespmem:s22+$0x0];
	v11 =	vmul.f32 v11, v7;
	v12 =	vmul.f32 v12, v8  }
0xa9: {  	v26 =	vld [tilespmem:s22+$0x10];
	v13 =	vmul.f32 v13, v9;
	v14 =	vmul.f32 v14, v10  }
0xaa: {  	v27 =	vld [tilespmem:s22+$0x60];
	v15 =	vmul.f32 v15, v7;
	v16 =	vmul.f32 v16, v8  }
0xab: {  	v41 =	vld [tilespmem:s22+$0xE0];
	v17 =	vmul.f32 v17, v9;
	v18 =	vmul.f32 v18, v10  }
0xac: {  	v28 =	vld [tilespmem:s22+$0x70];
	v42 =	vmul.f32 v19, v7;
	v43 =	vmul.f32 v20, v8  }
0xad: {  	v44 =	vld [tilespmem:s22+$0xF0];
	v45 =	vmul.f32 v21, v9;
	v46 =	vmul.f32 v22, v10  }
0xae: {  	v29 =	vld [tilespmem:s22+$0x80];
	v48 =	vmul.f32 v23, v7;
	v49 =	vmul.f32 v24, v8  }
0xaf: {  	v47 =	vld [tilespmem:s22+$0x100];
	v51 =	vmul.f32 v25, v9;
	v52 =	vmul.f32 v26, v10  }
0xb0: {  	v38 =	vld [tilespmem:s22+$0x90];
	v53 =	vmul.f32 v27, v7;
	v7 =	vmul.f32 v41, v7  }
0xb1: {  	v50 =	vld [tilespmem:s22+$0x110];
	v55 =	vmul.f32 v28, v8;
	v11 =	vadd.f32 v12, v11;
	v37 =	vadd.f32 v14, v13  }
0xb2: {  	v8 =	vmul.f32 v44, v8;
	v39 =	vadd.f32 v16, v15;
	v40 =	vadd.f32 v18, v17  }
0xb3: {  	v56 =	vmul.f32 v29, v9;
	v12 =	vadd.f32 v43, v42;
	v15 =	vadd.f32 v46, v45  }
0xb4: {  	v9 =	vmul.f32 v47, v9;
	v17 =	vadd.f32 v49, v48;
	v54 =	vadd.f32 v52, v51  }
0xb5: {  	v13 =	vmul.f32 v38, v10;
	v57 =	vadd.f32 v55, v53;
	v11 =	vadd.f32 v37, v11  }
0xb6: {  	v10 =	vmul.f32 v50, v10;
	v7 =	vadd.f32 v8, v7;
	v14 =	vadd.f32 v40, v39  }
0xb7: {  	v12 =	vadd.f32 v15, v12;
	v13 =	vadd.f32 v13, v56;
	(xrf2) =	vadd.scan.msk.f32 $0xffff, v11  }
0xb8: {  	v16 =	vadd.f32 v54, v17;
	v8 =	vadd.f32 v10, v9;
	(xrf2) =	vadd.scan.msk.f32 $0xffff, v14  }
0xb9: {  	v58 =	vadd.f32 v13, v57;
	(xrf2) =	vadd.scan.msk.f32 $0xffff, v12  }
0xba: {  	v7 =	vadd.f32 v8, v7;
	(xrf2) =	vadd.scan.msk.f32 $0xffff, v16  }
0xbb: {  	(xrf2) =	vadd.scan.msk.f32 $0xffff, v58  }
0xbc: {  	(xrf2) =	vadd.scan.msk.f32 $0xffff, v7;
	_ =	sdelay $0x4  }
0xbd: {  	s28 =	sand.u32 $0xF, s20;
	v7, _, _ =	vpop (xrf2)  }
0xbe: {  	v59 =	vmov s28;
	p0 =	sne.s32 s28, $0xF;
	v8, _, _ =	vpop (xrf2);
	v7 =	vbroadcast v7, $0xF  }
0xbf: {  	vm0 =	veq.s32 v59, v0;
	s28 =	sadd.s32 @!p0 $0x71, s20;
	v60, _, _ =	vpop (xrf2);
	v8 =	vbroadcast v8, $0xF  }
0xc0: {  	s20 =	sadd.s32 $0x1, s20;
	s28 =	sand.u32 @!p0 $0x70, s28;
	v61, _, _ =	vpop (xrf2);
	v6 =	vsel vm0, v7, v6;
	v7 =	vbroadcast v60, $0xF  }
0xc1: {  	p1 =	sne.s32 s20, $0x80;
	v62, _, _ =	vpop (xrf2);
	v5 =	vsel vm0, v8, v5;
	v8 =	vbroadcast v61, $0xF;
	[tilespmem:s28+$0x1D400] =	vst @!p0 v6  }
.Ltmp1:
0xc2: {  	v4 =	vsel vm0, v7, v4;
	v7 =	vbroadcast v62, $0xF;
	v63, _, _ =	vpop (xrf2);
	[tilespmem:s28+$0x1D480] =	vst @!p0 v5;
	(pc) =	sbr.rel @p1 .LBB2_4-.Ltmp1, $4  }
0xc3: {  	v3 =	vsel vm0, v8, v3;
	v8 =	vbroadcast v63, $0xF;
	[tilespmem:s28+$0x1D500] =	vst @!p0 v4  }
0xc4: {  	v2 =	vsel vm0, v7, v2;
	[tilespmem:s28+$0x1D580] =	vst @!p0 v3  }
0xc5: {  	v1 =	vsel vm0, v8, v1;
	[tilespmem:s28+$0x1D600] =	vst @!p0 v2  }
0xc6: {  	s22 =	sadd.s32 $0x280, s22;
	s25 =	sadd.s32 $0x80, s25;
	s26 =	sadd.s32 $0x80, s26;
	[tilespmem:s28+$0x1D680] =	vst @!p0 v1  }
0xc7: {  	s20 =	simm.s32 $0x100  }
0xc8: {  	[tilespmem:s13], [sflag:$0x1] =	stream.indirect.gather [hbm4b:s3+s12], $0x80, s20, s12, $0xb8;
	[tilespmem:$0x1E000] =	vst v63  }
0xc9: {  	s29 =	simm.s32 $0x300  }
0xca: {  	[tilespmem:s14], [sflag:$0x1] =	stream.indirect.gather [hbm4b:s3+s12], $0x80, s29, s12, $0xb8;
	[tilespmem:$0x1E000] =	vst v63  }
0xcb: {  	s22 =	simm.s32 $0x900  }
0xcc: {  	[tilespmem:s15], [sflag:$0x1] =	stream.indirect.gather [hbm4b:s3+s12], $0x80, s22, s12, $0xb8;
	[tilespmem:$0x1E000] =	vst v63  }
0xcd: {  	s25 =	simm.s32 $0x980  }
0xce: {  	[tilespmem:s17], [sflag:$0x1] =	stream.indirect.gather [hbm4b:s3+s12], $0x80, s25, s12, $0xb8;
	[tilespmem:$0x1E000] =	vst v63  }
0xcf: {  	s26 =	simm.s32 $0xA00  }
0xd0: {  	[tilespmem:s19], [sflag:$0x1] =	stream.indirect.gather [hbm4b:s3+s12], $0x80, s26, s12, $0xb8;
	[tilespmem:$0x1E000] =	vst v63  }
0xd1: {  	s28 =	simm.s32 $0xA80  }
0xd2: {  	[tilespmem:s21], [sflag:$0x1] =	stream.indirect.gather [hbm4b:s3+s12], $0x80, s28, s12, $0xb8;
	[tilespmem:$0x1E000] =	vst v63  }
0xd3: {  	s29 =	simm.s32 $0xB00  }
0xd4: {  	[tilespmem:s23], [sflag:$0x1] =	stream.indirect.gather [hbm4b:s3+s12], $0x80, s29, s12, $0xb8;
	[tilespmem:$0x1E000] =	vst v63  }
0xd5: {  	_ =	swait.ge [sflag:s24], $0x4000  }
0xd6: {  	[sflag:s24] =	ssyncset.done $0x0  }
0xd7: {  	[sflag:s24] =	ssyncadd.s32 $0xFFFFC000  }
0xd8: {  	_ =	swait.ge [sflag:s24], $0x4000  }
0xd9: {  	[sflag:s24] =	ssyncset.done $0x0  }
0xda: {  	[sflag:s24] =	ssyncadd.s32 $0xFFFFC000  }
0xdb: {  	_ =	swait.ge [sflag:s24], $0x4000  }
0xdc: {  	[sflag:s24] =	ssyncset.done $0x0  }
0xdd: {  	[sflag:s24] =	ssyncadd.s32 $0xFFFFC000  }
0xde: {  	_ =	swait.ge [sflag:s24], $0x4000  }
0xdf: {  	[sflag:s24] =	ssyncset.done $0x0  }
0xe0: {  	[sflag:s24] =	ssyncadd.s32 $0xFFFFC000  }
0xe1: {  	_ =	swait.ge [sflag:s24], $0x4000  }
0xe2: {  	[sflag:s24] =	ssyncset.done $0x0  }
0xe3: {  	[sflag:s24] =	ssyncadd.s32 $0xFFFFC000  }
0xe4: {  	_ =	swait.ge [sflag:s24], $0x4000  }
0xe5: {  	[sflag:s24] =	ssyncset.done $0x0  }
0xe6: {  	[sflag:s24] =	ssyncadd.s32 $0xFFFFC000  }
0xe7: {  	_ =	swait.ge [sflag:s24], $0x4000  }
0xe8: {  	v1 =	vimm.f32 $0.0e+00;
	v2 =	vimm.f32 $0.0e+00;
	v3 =	vimm.f32 $0.0e+00;
	s20 =	simm.s32 $0x0;
	s22 =	simm.s32 $0x9120;
	[sflag:s24] =	ssyncset.done $0x0  }
0xe9: {  	v4 =	vimm.f32 $0.0e+00;
	v5 =	vimm.f32 $0.0e+00;
	v6 =	vimm.f32 $0.0e+00;
	s25 =	simm.s32 $0x5020;
	s26 =	simm.s32 $0x1020;
	[sflag:s24] =	ssyncadd.s32 $0xFFFFC000  }
.LBB2_6:
0xea: {  	v7 =	vld [tilespmem:s26+$0xFFFFFFE0]  }
0xeb: {  	v8 =	vld [tilespmem:s26+$0xFFFFFFF0]  }
0xec: {  	v9 =	vld [tilespmem:s26+$0x0]  }
0xed: {  	v10 =	vld [tilespmem:s26+$0x10]  }
0xee: {  	v11 =	vld [tilespmem:s25+$0xFFFFFFE0]  }
0xef: {  	v12 =	vld [tilespmem:s25+$0xFFFFFFF0]  }
0xf0: {  	v13 =	vld [tilespmem:s25+$0x0]  }
0xf1: {  	v14 =	vld [tilespmem:s25+$0x10]  }
0xf2: {  	v15 =	vld [tilespmem:s22+$0xFFFFFEE0]  }
0xf3: {  	v16 =	vld [tilespmem:s22+$0xFFFFFEF0]  }
0xf4: {  	v17 =	vld [tilespmem:s22+$0xFFFFFF00]  }
0xf5: {  	v18 =	vld [tilespmem:s22+$0xFFFFFF10]  }
0xf6: {  	v19 =	vld [tilespmem:s22+$0xFFFFFF60]  }
0xf7: {  	v20 =	vld [tilespmem:s22+$0xFFFFFF70]  }
0xf8: {  	v21 =	vld [tilespmem:s22+$0xFFFFFF80]  }
0xf9: {  	v22 =	vld [tilespmem:s22+$0xFFFFFF90]  }
0xfa: {  	v23 =	vld [tilespmem:s22+$0xFFFFFFE0]  }
0xfb: {  	v24 =	vld [tilespmem:s22+$0xFFFFFFF0]  }
0xfc: {  	v25 =	vld [tilespmem:s22+$0x0];
	v11 =	vmul.f32 v11, v7;
	v12 =	vmul.f32 v12, v8  }
0xfd: {  	v26 =	vld [tilespmem:s22+$0x10];
	v13 =	vmul.f32 v13, v9;
	v14 =	vmul.f32 v14, v10  }
0xfe: {  	v27 =	vld [tilespmem:s22+$0x60];
	v15 =	vmul.f32 v15, v7;
	v16 =	vmul.f32 v16, v8  }
0xff: {  	v41 =	vld [tilespmem:s22+$0xE0];
	v17 =	vmul.f32 v17, v9;
	v18 =	vmul.f32 v18, v10  }
0x100: {  	v28 =	vld [tilespmem:s22+$0x70];
	v42 =	vmul.f32 v19, v7;
	v43 =	vmul.f32 v20, v8  }
0x101: {  	v44 =	vld [tilespmem:s22+$0xF0];
	v45 =	vmul.f32 v21, v9;
	v46 =	vmul.f32 v22, v10  }
0x102: {  	v29 =	vld [tilespmem:s22+$0x80];
	v48 =	vmul.f32 v23, v7;
	v49 =	vmul.f32 v24, v8  }
0x103: {  	v47 =	vld [tilespmem:s22+$0x100];
	v51 =	vmul.f32 v25, v9;
	v52 =	vmul.f32 v26, v10  }
0x104: {  	v38 =	vld [tilespmem:s22+$0x90];
	v53 =	vmul.f32 v27, v7;
	v7 =	vmul.f32 v41, v7  }
0x105: {  	v50 =	vld [tilespmem:s22+$0x110];
	v55 =	vmul.f32 v28, v8;
	v11 =	vadd.f32 v12, v11;
	v37 =	vadd.f32 v14, v13  }
0x106: {  	v8 =	vmul.f32 v44, v8;
	v39 =	vadd.f32 v16, v15;
	v40 =	vadd.f32 v18, v17  }
0x107: {  	v56 =	vmul.f32 v29, v9;
	v12 =	vadd.f32 v43, v42;
	v15 =	vadd.f32 v46, v45  }
0x108: {  	v9 =	vmul.f32 v47, v9;
	v17 =	vadd.f32 v49, v48;
	v54 =	vadd.f32 v52, v51  }
0x109: {  	v13 =	vmul.f32 v38, v10;
	v57 =	vadd.f32 v55, v53;
	v11 =	vadd.f32 v37, v11  }
0x10a: {  	v10 =	vmul.f32 v50, v10;
	v7 =	vadd.f32 v8, v7;
	v14 =	vadd.f32 v40, v39  }
0x10b: {  	v12 =	vadd.f32 v15, v12;
	v13 =	vadd.f32 v13, v56;
	(xrf2) =	vadd.scan.msk.f32 $0xffff, v11  }
0x10c: {  	v16 =	vadd.f32 v54, v17;
	v8 =	vadd.f32 v10, v9;
	(xrf2) =	vadd.scan.msk.f32 $0xffff, v14  }
0x10d: {  	v58 =	vadd.f32 v13, v57;
	(xrf2) =	vadd.scan.msk.f32 $0xffff, v12  }
0x10e: {  	v7 =	vadd.f32 v8, v7;
	(xrf2) =	vadd.scan.msk.f32 $0xffff, v16  }
0x10f: {  	(xrf2) =	vadd.scan.msk.f32 $0xffff, v58  }
0x110: {  	(xrf2) =	vadd.scan.msk.f32 $0xffff, v7;
	_ =	sdelay $0x4  }
0x111: {  	s28 =	sand.u32 $0xF, s20;
	v7, _, _ =	vpop (xrf2)  }
0x112: {  	v59 =	vmov s28;
	p0 =	sne.s32 s28, $0xF;
	v8, _, _ =	vpop (xrf2);
	v7 =	vbroadcast v7, $0xF  }
0x113: {  	vm0 =	veq.s32 v59, v0;
	s28 =	sadd.s32 @!p0 $0x71, s20;
	v60, _, _ =	vpop (xrf2);
	v8 =	vbroadcast v8, $0xF  }
0x114: {  	s20 =	sadd.s32 $0x1, s20;
	s28 =	sand.u32 @!p0 $0x70, s28;
	v61, _, _ =	vpop (xrf2);
	v6 =	vsel vm0, v7, v6;
	v7 =	vbroadcast v60, $0xF  }
0x115: {  	p1 =	sne.s32 s20, $0x80;
	v62, _, _ =	vpop (xrf2);
	v5 =	vsel vm0, v8, v5;
	v8 =	vbroadcast v61, $0xF;
	[tilespmem:s28+$0x1D800] =	vst @!p0 v6  }
.Ltmp2:
0x116: {  	v4 =	vsel vm0, v7, v4;
	v7 =	vbroadcast v62, $0xF;
	v63, _, _ =	vpop (xrf2);
	[tilespmem:s28+$0x1D880] =	vst @!p0 v5;
	(pc) =	sbr.rel @p1 .LBB2_6-.Ltmp2, $4  }
0x117: {  	v3 =	vsel vm0, v8, v3;
	v8 =	vbroadcast v63, $0xF;
	[tilespmem:s28+$0x1D900] =	vst @!p0 v4  }
0x118: {  	v2 =	vsel vm0, v7, v2;
	[tilespmem:s28+$0x1D980] =	vst @!p0 v3  }
0x119: {  	v1 =	vsel vm0, v8, v1;
	[tilespmem:s28+$0x1DA00] =	vst @!p0 v2  }
0x11a: {  	s22 =	sadd.s32 $0x280, s22;
	s25 =	sadd.s32 $0x80, s25;
	s26 =	sadd.s32 $0x80, s26;
	[tilespmem:s28+$0x1DA80] =	vst @!p0 v1  }
0x11b: {  	s20 =	simm.s32 $0x180  }
0x11c: {  	[tilespmem:s13], [sflag:$0x1] =	stream.indirect.gather [hbm4b:s3+s12], $0x80, s20, s12, $0xb8;
	[tilespmem:$0x1E000] =	vst v63  }
0x11d: {  	s28 =	simm.s32 $0x380  }
0x11e: {  	[tilespmem:s14], [sflag:$0x1] =	stream.indirect.gather [hbm4b:s3+s12], $0x80, s28, s12, $0xb8;
	[tilespmem:$0x1E000] =	vst v63  }
0x11f: {  	s29 =	simm.s32 $0xB80  }
0x120: {  	[tilespmem:s15], [sflag:$0x1] =	stream.indirect.gather [hbm4b:s3+s12], $0x80, s29, s12, $0xb8;
	[tilespmem:$0x1E000] =	vst v63  }
0x121: {  	_ = 	snop  }
0x122: {  	[tilespmem:s17], [sflag:$0x1] =	stream.indirect.gather [hbm4b:s3+s12], $0x80, s30, s12, $0xb8;
	[tilespmem:$0x1E000] =	vst v63  }
0x123: {  	_ = 	snop  }
0x124: {  	[tilespmem:s19], [sflag:$0x1] =	stream.indirect.gather [hbm4b:s3+s12], $0x80, s31, s12, $0xb8;
	[tilespmem:$0x1E000] =	vst v63  }
0x125: {  	_ = 	snop  }
0x126: {  	[tilespmem:s21], [sflag:$0x1] =	stream.indirect.gather [hbm4b:s3+s12], $0x80, s1, s12, $0xb8;
	[tilespmem:$0x1E000] =	vst v63  }
0x127: {  	_ = 	snop  }
0x128: {  	[tilespmem:s23], [sflag:$0x1] =	stream.indirect.gather [hbm4b:s3+s12], $0x80, s0, s12, $0xb8;
	[tilespmem:$0x1E000] =	vst v63  }
0x129: {  	_ =	swait.ge [sflag:s24], $0x4000  }
0x12a: {  	[sflag:s24] =	ssyncset.done $0x0  }
0x12b: {  	[sflag:s24] =	ssyncadd.s32 $0xFFFFC000  }
0x12c: {  	_ =	swait.ge [sflag:s24], $0x4000  }
0x12d: {  	[sflag:s24] =	ssyncset.done $0x0  }
0x12e: {  	[sflag:s24] =	ssyncadd.s32 $0xFFFFC000  }
0x12f: {  	_ =	swait.ge [sflag:s24], $0x4000  }
0x130: {  	[sflag:s24] =	ssyncset.done $0x0  }
0x131: {  	[sflag:s24] =	ssyncadd.s32 $0xFFFFC000  }
0x132: {  	_ =	swait.ge [sflag:s24], $0x4000  }
0x133: {  	[sflag:s24] =	ssyncset.done $0x0  }
0x134: {  	[sflag:s24] =	ssyncadd.s32 $0xFFFFC000  }
0x135: {  	_ =	swait.ge [sflag:s24], $0x4000  }
0x136: {  	[sflag:s24] =	ssyncset.done $0x0  }
0x137: {  	[sflag:s24] =	ssyncadd.s32 $0xFFFFC000  }
0x138: {  	_ =	swait.ge [sflag:s24], $0x4000  }
0x139: {  	[sflag:s24] =	ssyncset.done $0x0  }
0x13a: {  	[sflag:s24] =	ssyncadd.s32 $0xFFFFC000  }
0x13b: {  	_ =	swait.ge [sflag:s24], $0x4000  }
0x13c: {  	v1 =	vimm.f32 $0.0e+00;
	v2 =	vimm.f32 $0.0e+00;
	v3 =	vimm.f32 $0.0e+00;
	s22 =	simm.s32 $0x9120;
	s25 =	simm.s32 $0x5020;
	[sflag:s24] =	ssyncset.done $0x0  }
0x13d: {  	s26 =	simm.s32 $0x1020;
	v4 =	vimm.f32 $0.0e+00;
	v5 =	vimm.f32 $0.0e+00;
	v6 =	vimm.f32 $0.0e+00;
	s20 =	simm.s32 $0x0;
	[sflag:s24] =	ssyncadd.s32 $0xFFFFC000  }
.LBB2_8:
0x13e: {  	v7 =	vld [tilespmem:s26+$0xFFFFFFE0]  }
0x13f: {  	v8 =	vld [tilespmem:s26+$0xFFFFFFF0]  }
0x140: {  	v9 =	vld [tilespmem:s26+$0x0]  }
0x141: {  	v10 =	vld [tilespmem:s26+$0x10]  }
0x142: {  	v11 =	vld [tilespmem:s25+$0xFFFFFFE0]  }
0x143: {  	v12 =	vld [tilespmem:s25+$0xFFFFFFF0]  }
0x144: {  	v13 =	vld [tilespmem:s25+$0x0]  }
0x145: {  	v14 =	vld [tilespmem:s25+$0x10]  }
0x146: {  	v15 =	vld [tilespmem:s22+$0xFFFFFEE0]  }
0x147: {  	v16 =	vld [tilespmem:s22+$0xFFFFFEF0]  }
0x148: {  	v17 =	vld [tilespmem:s22+$0xFFFFFF00]  }
0x149: {  	v18 =	vld [tilespmem:s22+$0xFFFFFF10]  }
0x14a: {  	v19 =	vld [tilespmem:s22+$0xFFFFFF60]  }
0x14b: {  	v20 =	vld [tilespmem:s22+$0xFFFFFF70]  }
0x14c: {  	v21 =	vld [tilespmem:s22+$0xFFFFFF80]  }
0x14d: {  	v22 =	vld [tilespmem:s22+$0xFFFFFF90]  }
0x14e: {  	v23 =	vld [tilespmem:s22+$0xFFFFFFE0]  }
0x14f: {  	v24 =	vld [tilespmem:s22+$0xFFFFFFF0]  }
0x150: {  	v25 =	vld [tilespmem:s22+$0x0];
	v11 =	vmul.f32 v11, v7;
	v12 =	vmul.f32 v12, v8  }
0x151: {  	v26 =	vld [tilespmem:s22+$0x10];
	v13 =	vmul.f32 v13, v9;
	v14 =	vmul.f32 v14, v10  }
0x152: {  	v27 =	vld [tilespmem:s22+$0x60];
	v15 =	vmul.f32 v15, v7;
	v16 =	vmul.f32 v16, v8  }
0x153: {  	v41 =	vld [tilespmem:s22+$0xE0];
	v17 =	vmul.f32 v17, v9;
	v18 =	vmul.f32 v18, v10  }
0x154: {  	v28 =	vld [tilespmem:s22+$0x70];
	v42 =	vmul.f32 v19, v7;
	v43 =	vmul.f32 v20, v8  }
0x155: {  	v44 =	vld [tilespmem:s22+$0xF0];
	v45 =	vmul.f32 v21, v9;
	v46 =	vmul.f32 v22, v10  }
0x156: {  	v29 =	vld [tilespmem:s22+$0x80];
	v48 =	vmul.f32 v23, v7;
	v49 =	vmul.f32 v24, v8  }
0x157: {  	v47 =	vld [tilespmem:s22+$0x100];
	v51 =	vmul.f32 v25, v9;
	v52 =	vmul.f32 v26, v10  }
0x158: {  	v38 =	vld [tilespmem:s22+$0x90];
	v53 =	vmul.f32 v27, v7;
	v7 =	vmul.f32 v41, v7  }
0x159: {  	v50 =	vld [tilespmem:s22+$0x110];
	v55 =	vmul.f32 v28, v8;
	v11 =	vadd.f32 v12, v11;
	v37 =	vadd.f32 v14, v13  }
0x15a: {  	v8 =	vmul.f32 v44, v8;
	v39 =	vadd.f32 v16, v15;
	v40 =	vadd.f32 v18, v17  }
0x15b: {  	v56 =	vmul.f32 v29, v9;
	v12 =	vadd.f32 v43, v42;
	v15 =	vadd.f32 v46, v45  }
0x15c: {  	v9 =	vmul.f32 v47, v9;
	v17 =	vadd.f32 v49, v48;
	v54 =	vadd.f32 v52, v51  }
0x15d: {  	v13 =	vmul.f32 v38, v10;
	v57 =	vadd.f32 v55, v53;
	v11 =	vadd.f32 v37, v11  }
0x15e: {  	v10 =	vmul.f32 v50, v10;
	v7 =	vadd.f32 v8, v7;
	v14 =	vadd.f32 v40, v39  }
0x15f: {  	v12 =	vadd.f32 v15, v12;
	v13 =	vadd.f32 v13, v56;
	(xrf2) =	vadd.scan.msk.f32 $0xffff, v11  }
0x160: {  	v16 =	vadd.f32 v54, v17;
	v8 =	vadd.f32 v10, v9;
	(xrf2) =	vadd.scan.msk.f32 $0xffff, v14  }
0x161: {  	v58 =	vadd.f32 v13, v57;
	(xrf2) =	vadd.scan.msk.f32 $0xffff, v12  }
0x162: {  	v7 =	vadd.f32 v8, v7;
	(xrf2) =	vadd.scan.msk.f32 $0xffff, v16  }
0x163: {  	(xrf2) =	vadd.scan.msk.f32 $0xffff, v58  }
0x164: {  	(xrf2) =	vadd.scan.msk.f32 $0xffff, v7;
	_ =	sdelay $0x4  }
0x165: {  	s28 =	sand.u32 $0xF, s20;
	v7, _, _ =	vpop (xrf2)  }
0x166: {  	v59 =	vmov s28;
	p0 =	sne.s32 s28, $0xF;
	v8, _, _ =	vpop (xrf2);
	v7 =	vbroadcast v7, $0xF  }
0x167: {  	vm0 =	veq.s32 v59, v0;
	s28 =	sadd.s32 @!p0 $0x71, s20;
	v60, _, _ =	vpop (xrf2);
	v8 =	vbroadcast v8, $0xF  }
0x168: {  	s20 =	sadd.s32 $0x1, s20;
	s28 =	sand.u32 @!p0 $0x70, s28;
	v61, _, _ =	vpop (xrf2);
	v6 =	vsel vm0, v7, v6;
	v7 =	vbroadcast v60, $0xF  }
0x169: {  	p1 =	sne.s32 s20, $0x80;
	v62, _, _ =	vpop (xrf2);
	v5 =	vsel vm0, v8, v5;
	v8 =	vbroadcast v61, $0xF;
	[tilespmem:s28+$0x1DC00] =	vst @!p0 v6  }
.Ltmp3:
0x16a: {  	v4 =	vsel vm0, v7, v4;
	v7 =	vbroadcast v62, $0xF;
	v63, _, _ =	vpop (xrf2);
	[tilespmem:s28+$0x1DC80] =	vst @!p0 v5;
	(pc) =	sbr.rel @p1 .LBB2_8-.Ltmp3, $4  }
0x16b: {  	v3 =	vsel vm0, v8, v3;
	v8 =	vbroadcast v63, $0xF;
	[tilespmem:s28+$0x1DD00] =	vst @!p0 v4  }
0x16c: {  	v2 =	vsel vm0, v7, v2;
	[tilespmem:s28+$0x1DD80] =	vst @!p0 v3  }
0x16d: {  	v1 =	vsel vm0, v8, v1;
	[tilespmem:s28+$0x1DE00] =	vst @!p0 v2  }
0x16e: {  	s22 =	sadd.s32 $0x280, s22;
	s25 =	sadd.s32 $0x80, s25;
	s26 =	sadd.s32 $0x80, s26;
	[tilespmem:s28+$0x1DE80] =	vst @!p0 v1  }
0x16f: {  	s18 =	sadd.s32 $0x1, s18  }
0x170: {  	p0 =	sne.s32 s18, s8  }
.Ltmp4:
0x171: {  	_ = 	snop;
	(pc) =	sbr.rel @p0 .LBB2_1-.Ltmp4, $4  }
0x172: {  	[hbm4b:s7+s2] =	stream.linear.scatter [tilespmem:s16], [sflag:$0x2], $0x1000, $0x38;
	[tilespmem:$0x1E000] =	vst v63  }
0x173: {  	_ =	swait.ge [sflag:s9], $0x1000  }
0x174: {  	[sflag:s9] =	ssyncset.done $0x0  }
0x175: {  	[sflag:s9] =	ssyncadd.s32 $0xFFFFF000  }
0x176: {  	_ =	sfence.sel $0x180000  }
0x177: {  	[bflag:$0x0] =	sbarrier.arrive $0xFFFF  }
0x178: {  	_ =	strace $0x90000047  }
0x179: {  	s0 =	stileid.u32;
	[bflag:$0x2] =	sbarrier.arrive $0xFFFF  }
0x17a: {  	p0 =	sne.s32 s0, $0x0;
	s0 =	rddreg [dreg:$0x3]  }
0x17b: {  	s0 =	sadd.s32 @!p0 $0x100000, s0  }
0x17c: {  	[sflag:s0] =	ssyncadd.tile.s32 @!p0 $0x1;
	_ =	shalt  }
.Lfunc_end2:
_tile_overlayer_lowered:
.L_overlay_start_2:
0x17d: {  	(tag) =	ssettag $0x2  }
0x17e: {  	s0 =	rddreg [dreg:$0x0];
	s2 =	stileid.u32  }
0x17f: {  	s1 =	rddreg [dreg:$0x1];
	p0 =	sne.s32 s2, $0x0  }
0x180: {  	s3 =	rddreg [dreg:$0x2];
	[bflag:$0x3] =	sbarrier.arrive $0xFFFF;
	s2 =	simm.s32 @!p0 $0x1C02  }
0x181: {  	[timem:s3], [sflag:s2] =	dma.local @!p0 [hbm:s0], s1  }
0x182: {  	s0 =	simm.s32 @!p0 $0x2  }
0x183: {  	_ =	swait.ge @!p0 [sflag:s0], s1  }
0x184: {  	s1 =	ssub.s32 @!p0 $0x0, s1;
	[sflag:s0] =	ssyncset.done @!p0 $0x0  }
0x185: {  	[sflag:s0] =	ssyncadd.s32 @!p0 s1  }
0x186: {  	[bflag:$0x3] =	sbarrier.arrive $0xFFFF  }
0x187: {  	_ =	shalt  }

</sc_bundles>
